<compile_context>
chip_gen: v7x
topology: tpu7x:2x2x1
jax: 0.10.2.dev20260603
libtpu: 0.0.44.dev20260713+nightly
codegen_flags: <defaults>
</compile_context>

<pallas_src>
import functools

import jax
import jax.numpy as jnp
from jax import lax
from jax.experimental import pallas as pl
from jax.experimental.pallas import tpu as pltpu
from jax.experimental.pallas import tpu_sc as plsc

N = 10000
E = 160000
D = 256
H = 128
G = 64
OUT = 128

NC = 2
NS = 16
CHUNK = 50
NCHUNK = E // (CHUNK * NS)
NBUF = 5

ZCH = 16
RB = 640
NP = NS * RB
ZB = RB // ZCH

SB = 40
NSUPER = NCHUNK // SB

NB = 2000
GRID = N // NB

_mesh = plsc.VectorSubcoreMesh(
    core_axis_name="c", subcore_axis_name="s", num_cores=NC, num_subcores=NS)


@functools.partial(
    pl.kernel,
    out_type=jax.ShapeDtypeStruct((NC, NP, H), jnp.float32),
    mesh=_mesh,
    scratch_types=[
        pltpu.VMEM((2, SB, CHUNK), jnp.int32),
        pltpu.VMEM((NBUF, CHUNK, H), jnp.float32),
        pltpu.VMEM((ZCH, H), jnp.float32),
        pltpu.VMEM_SHARED((NP, H), jnp.float32),
        pltpu.SemaphoreType.DMA,
        pltpu.SemaphoreType.DMA,
        pltpu.SemaphoreType.DMA,
        pltpu.SemaphoreType.DMA,
        pltpu.SemaphoreType.DMA,
        pltpu.SemaphoreType.DMA,
    ],
)
def _sc_agg(h_both, idx4d, agg_both, idx_v, rowsbuf, stage, acc,
            sem0, sem1, sem2, sem3, sem4, zsem):
    s = lax.axis_index("s")
    c = lax.axis_index("c")
    h_ref = h_both.at[c]
    out_ref = agg_both.at[c]
    base = s * RB
    rows = tuple(rowsbuf.at[b] for b in range(NBUF))
    sems = (sem0, sem1, sem2, sem3, sem4)

    pltpu.sync_copy(idx4d.at[:, s, pl.ds(0, SB)], idx_v)
    for b in range(NBUF):
        pltpu.async_copy(h_ref.at[idx_v.at[0, b]], rows[b], sems[b])

    zero16 = jnp.zeros((16,), jnp.float32)

    @pl.loop(0, ZCH)
    def _(w):
        for l in range(H // 16):
            stage[w, pl.ds(l * 16, 16)] = zero16

    @pl.loop(0, ZB)
    def _(w):
        pltpu.async_copy(stage, acc.at[pl.ds(base + w * ZCH, ZCH)], zsem)

    @pl.loop(0, ZB)
    def _(w):
        pltpu.make_async_copy(stage, acc.at[pl.ds(base, ZCH)], zsem).wait()

    plsc.subcore_barrier()

    def _drain(b):
        pltpu.make_async_copy(h_ref.at[idx_v.at[0, 0]], rows[b], sems[b]).wait()

    @pl.loop(0, NSUPER)
    def _(m):
        @pl.when(m > 0)
        def _():
            pltpu.sync_copy(idx4d.at[:, s, pl.ds(m * SB, SB)], idx_v)
            for b in range(NBUF):
                pltpu.async_copy(h_ref.at[idx_v.at[0, b]], rows[b], sems[b])

        @pl.loop(0, SB - NBUF, step=NBUF)
        def _(j):
            for b in range(NBUF):
                _drain(b)
                pltpu.sync_copy(rows[b], acc.at[idx_v.at[1, j + b]], add=True)
                pltpu.async_copy(h_ref.at[idx_v.at[0, j + b + NBUF]], rows[b],
                                 sems[b])

        for b in range(NBUF):
            _drain(b)
            pltpu.sync_copy(rows[b], acc.at[idx_v.at[1, SB - NBUF + b]],
                            add=True)

    plsc.subcore_barrier()

    pltpu.sync_copy(acc.at[pl.ds(base, RB)], out_ref.at[pl.ds(base, RB)])


def _tc_layer_body(hlo_ref, hhi_ref, alo_ref, ahi_ref, W_ref, b_ref, o_ref):
    h = jnp.concatenate(
        [hlo_ref[0] + alo_ref[0], hhi_ref[0] + ahi_ref[0]], axis=1)
    z = jnp.dot(h, W_ref[...], preferred_element_type=jnp.float32,
                precision=lax.Precision.HIGHEST) + b_ref[...]
    r = jnp.maximum(z, 0.0)
    o_ref[0] = r[:, :H]
    o_ref[1] = r[:, H:]


def _tc_layer(h_both, a_both, W, b):
    return pl.pallas_call(
        _tc_layer_body,
        grid=(GRID,),
        in_specs=[
            pl.BlockSpec((1, NB, H), lambda i: (0, i, 0)),
            pl.BlockSpec((1, NB, H), lambda i: (1, i, 0)),
            pl.BlockSpec((1, NB, H), lambda i: (0, i, 0)),
            pl.BlockSpec((1, NB, H), lambda i: (1, i, 0)),
            pl.BlockSpec((D, D), lambda i: (0, 0)),
            pl.BlockSpec((1, D), lambda i: (0, 0)),
        ],
        out_specs=pl.BlockSpec((NC, NB, H), lambda i: (0, i, 0)),
        out_shape=jax.ShapeDtypeStruct((NC, N, H), jnp.float32),
    )(h_both, h_both, a_both, a_both, W, b.reshape(1, D))


def _tc_final_body(hlo_ref, hhi_ref, alo_ref, ahi_ref, W2_ref, b2_ref,
                   W3_ref, b3_ref, batch_ref, out_ref, pooled, cnt):
    i = pl.program_id(0)

    @pl.when(i == 0)
    def _():
        pooled[...] = jnp.zeros_like(pooled)
        cnt[...] = jnp.zeros_like(cnt)

    h = jnp.concatenate(
        [hlo_ref[0] + alo_ref[0], hhi_ref[0] + ahi_ref[0]], axis=1)
    z = jnp.dot(h, W2_ref[...], preferred_element_type=jnp.float32,
                precision=lax.Precision.HIGHEST) + b2_ref[...]
    r = jnp.maximum(z, 0.0)

    row = batch_ref[0]
    ids = lax.broadcasted_iota(jnp.int32, (G, NB), 0)
    onehotT = (ids == row).astype(jnp.float32)
    dn = (((1,), (0,)), ((), ()))
    pooled[...] += lax.dot_general(onehotT, r, dn,
                                   preferred_element_type=jnp.float32,
                                   precision=lax.Precision.HIGHEST)
    cnt[...] += lax.dot_general(onehotT, jnp.ones_like(r), dn,
                                preferred_element_type=jnp.float32,
                                precision=lax.Precision.HIGHEST)

    @pl.when(i == pl.num_programs(0) - 1)
    def _():
        pm = pooled[...] / jnp.maximum(cnt[...], 1.0)
        out_ref[...] = jnp.dot(pm, W3_ref[...],
                               preferred_element_type=jnp.float32,
                               precision=lax.Precision.HIGHEST) + b3_ref[...]


def _tc_final(h_both, a_both, W2, b2, W3, b3, batch):
    return pl.pallas_call(
        _tc_final_body,
        grid=(GRID,),
        in_specs=[
            pl.BlockSpec((1, NB, H), lambda i: (0, i, 0)),
            pl.BlockSpec((1, NB, H), lambda i: (1, i, 0)),
            pl.BlockSpec((1, NB, H), lambda i: (0, i, 0)),
            pl.BlockSpec((1, NB, H), lambda i: (1, i, 0)),
            pl.BlockSpec((D, D), lambda i: (0, 0)),
            pl.BlockSpec((1, D), lambda i: (0, 0)),
            pl.BlockSpec((D, OUT), lambda i: (0, 0)),
            pl.BlockSpec((1, OUT), lambda i: (0, 0)),
            pl.BlockSpec((1, 1, NB), lambda i: (i, 0, 0)),
        ],
        out_specs=pl.BlockSpec((G, OUT), lambda i: (0, 0)),
        out_shape=jax.ShapeDtypeStruct((G, OUT), jnp.float32),
        scratch_shapes=[pltpu.VMEM((G, D), jnp.float32),
                        pltpu.VMEM((G, D), jnp.float32)],
    )(h_both, h_both, a_both, a_both, W2, b2.reshape(1, D), W3,
      b3.reshape(1, OUT), batch.reshape(GRID, 1, NB))


def kernel(x, edge_index, batch, W1, b1, W2, b2, W3, b3):
    idx2d = edge_index.reshape(2, NS, NCHUNK, CHUNK)
    x_both = jnp.stack([x[:, :H], x[:, H:]])

    a1 = _sc_agg(x_both, idx2d)
    h1 = _tc_layer(x_both, a1, W1, b1)
    a2 = _sc_agg(h1, idx2d)
    return _tc_final(h1, a2, W2, b2, W3, b3, batch)

# --- scband reference (transcript-rebuilt; emitter-appended) ---
"""Pipeline reference for scband-gin-88218628260646 (READ-ONLY COPY).

The authoritative reference and input builder live on the scoring server;
editing this copy changes nothing except your own understanding.
"""

import jax, jax.numpy as jnp
import numpy as np

N = 10000   # nodes
E = 160000  # edges
D = 256     # feature dim (in_channels and hidden dims)
OUT = 128   # out_channels
G = 64      # number of graphs in the batch


def setup_inputs(seed: int = 0) -> dict:
    key = jax.random.key(seed)
    ks = jax.random.split(key, 10)
    x = jax.random.normal(ks[0], (N, D), dtype=jnp.float32)
    edge_index = jax.random.randint(ks[1], (2, E), 0, N, dtype=jnp.int32)
    batch = jnp.sort(jax.random.randint(ks[2], (N,), 0, G, dtype=jnp.int32))
    s1 = 1.0 / np.sqrt(D)
    # GINConv 1 MLP: Linear(D -> D)  (PyG MLP([in, out], plain_last=True) == single Linear)
    W1 = jax.random.normal(ks[3], (D, D), dtype=jnp.float32) * s1
    b1 = jnp.zeros((D,), dtype=jnp.float32)
    # GINConv 2 MLP: Linear(D -> D)
    W2 = jax.random.normal(ks[4], (D, D), dtype=jnp.float32) * s1
    b2 = jnp.zeros((D,), dtype=jnp.float32)
    # Readout MLP: Linear(D -> OUT)
    W3 = jax.random.normal(ks[5], (D, OUT), dtype=jnp.float32) * s1
    b3 = jnp.zeros((OUT,), dtype=jnp.float32)
    return {"x": x, "edge_index": edge_index, "batch": batch,
            "W1": W1, "b1": b1, "W2": W2, "b2": b2, "W3": W3, "b3": b3}


def reference(x, edge_index, batch, W1, b1, W2, b2, W3, b3):
    src = edge_index[0]
    dst = edge_index[1]
    eps = 0.0  # trainable_eps=False -> eps initialized to 0

    def gin_conv(h, W, b):
        # sum aggregation of neighbor messages h_j into dst nodes
        agg = jax.ops.segment_sum(jnp.take(h, src, axis=0), dst, num_segments=N)
        out = ((1.0 + eps) * h + agg) @ W + b
        return jax.nn.relu(out)

    h = gin_conv(x, W1, b1)
    h = gin_conv(h, W2, b2)

    # global mean pooling per graph
    counts = jax.ops.segment_sum(jnp.ones((N,), dtype=h.dtype), batch, num_segments=G)
    counts = jnp.maximum(counts, 1.0)
    pooled = jax.ops.segment_sum(h, batch, num_segments=G) / counts[:, None]

    # concat_global_pooling is None -> skip concat; final Linear(D -> OUT)
    return pooled @ W3 + b3

if __name__ == "__main__":
    import jax
    _d = setup_inputs()
    print(jax.jit(kernel)(*tuple(_d.values())))

</pallas_src>

<mosaic_0001>
#map = affine_map<(d0, d1) -> (0, 0, 0)>
#map1 = affine_map<(d0, d1) -> (0, 0, 0, 0)>
module attributes {stable_mosaic.version = 14 : i64} {
  func.func @_sc_agg(%arg0: i32, %arg1: i32, %arg2: memref<2x10000x128xf32, #tpu.memory_space<hbm>>, %arg3: memref<2x16x200x50xi32, #tpu.memory_space<hbm>>, %arg4: memref<2x10240x128xf32, #tpu.memory_space<hbm>>, %arg5: memref<2x40x50xi32, #tpu.memory_space<vmem>>, %arg6: memref<5x50x128xf32, #tpu.memory_space<vmem>>, %arg7: memref<16x128xf32, #tpu.memory_space<vmem>>, %arg8: memref<10240x128xf32, #tpu.memory_space<vmem_shared>>, %arg9: memref<!tpu.dma_semaphore, #tpu.memory_space<semaphore_mem>>, %arg10: memref<!tpu.dma_semaphore, #tpu.memory_space<semaphore_mem>>, %arg11: memref<!tpu.dma_semaphore, #tpu.memory_space<semaphore_mem>>, %arg12: memref<!tpu.dma_semaphore, #tpu.memory_space<semaphore_mem>>, %arg13: memref<!tpu.dma_semaphore, #tpu.memory_space<semaphore_mem>>, %arg14: memref<!tpu.dma_semaphore, #tpu.memory_space<semaphore_mem>>) attributes {dimension_semantics = [#tpu.dimension_semantics<core_parallel>, #tpu.dimension_semantics<subcore_parallel>], iteration_bounds = array<i64: 2, 16>, scalar_prefetch = 0 : i64, scratch_operands = 10 : i64, tpu.core_type = #tpu.core_type<sc_vector_subcore>, window_params = [{transform_indices = #map}, {transform_indices = #map1}, {transform_indices = #map}]} {
    %mul3A = arith.constant 640 : i32
    %mul3A_0 = arith.muli %arg1, %mul3A : i32
    "tpu.region"() ({
      %run_scoped3A = tpu.sem_alloc : memref<!tpu.dma_semaphore, #tpu.memory_space<semaphore_mem>>
      %dma_start3A_111 = arith.constant 0 : i32
      %dma_start3A_112 = arith.constant 0 : i32
      %dma_start3A_113 = arith.constant 0 : i32
      %dma_start3A_114 = tpu.memref_slice %arg3[%dma_start3A_111, %arg1, %dma_start3A_112, %dma_start3A_113] : memref<2x16x200x50xi32, #tpu.memory_space<hbm>> -> memref<2x1x40x50xi32, #tpu.memory_space<hbm>>
      %dma_start3A_115 = tpu.memref_squeeze %dma_start3A_114 : memref<2x1x40x50xi32, #tpu.memory_space<hbm>> -> memref<2x40x50xi32, #tpu.memory_space<hbm>>
      %dma_start3A_116 = arith.constant 0 : i32
      %dma_start3A_117 = arith.constant 0 : i32
      %dma_start3A_118 = arith.constant 0 : i32
      %dma_start3A_119 = tpu.memref_slice %arg3[%dma_start3A_116, %arg1, %dma_start3A_117, %dma_start3A_118] : memref<2x16x200x50xi32, #tpu.memory_space<hbm>> -> memref<2x1x40x50xi32, #tpu.memory_space<hbm>>
      %dma_start3A_120 = tpu.memref_squeeze %dma_start3A_119 : memref<2x1x40x50xi32, #tpu.memory_space<hbm>> -> memref<2x40x50xi32, #tpu.memory_space<hbm>>
      tpu.enqueue_dma source(%dma_start3A_120 : memref<2x40x50xi32, #tpu.memory_space<hbm>>) target(%arg5 : memref<2x40x50xi32, #tpu.memory_space<vmem>>) target_semaphore(%run_scoped3A : memref<!tpu.dma_semaphore, #tpu.memory_space<semaphore_mem>>)
      %dma_wait3A = arith.constant 0 : i32
      %dma_wait3A_121 = arith.constant 0 : i32
      %dma_wait3A_122 = arith.constant 0 : i32
      %dma_wait3A_123 = tpu.memref_slice %arg3[%dma_wait3A, %arg1, %dma_wait3A_121, %dma_wait3A_122] : memref<2x16x200x50xi32, #tpu.memory_space<hbm>> -> memref<2x1x40x50xi32, #tpu.memory_space<hbm>>
      %dma_wait3A_124 = tpu.memref_squeeze %dma_wait3A_123 : memref<2x1x40x50xi32, #tpu.memory_space<hbm>> -> memref<2x40x50xi32, #tpu.memory_space<hbm>>
      %dma_wait3A_125 = arith.constant 0 : i32
      %dma_wait3A_126 = arith.constant 0 : i32
      %dma_wait3A_127 = arith.constant 0 : i32
      %dma_wait3A_128 = tpu.memref_slice %arg3[%dma_wait3A_125, %arg1, %dma_wait3A_126, %dma_wait3A_127] : memref<2x16x200x50xi32, #tpu.memory_space<hbm>> -> memref<2x1x40x50xi32, #tpu.memory_space<hbm>>
      %dma_wait3A_129 = tpu.memref_squeeze %dma_wait3A_128 : memref<2x1x40x50xi32, #tpu.memory_space<hbm>> -> memref<2x40x50xi32, #tpu.memory_space<hbm>>
      tpu.wait_dma2 semaphore(%run_scoped3A : memref<!tpu.dma_semaphore, #tpu.memory_space<semaphore_mem>>) src(%dma_wait3A_129 : memref<2x40x50xi32, #tpu.memory_space<hbm>>) dst(%arg5 : memref<2x40x50xi32, #tpu.memory_space<vmem>>)
      tpu.yield
    }) : () -> ()
    %dma_start3A = arith.constant 0 : i32
    %dma_start3A_1 = arith.constant 0 : i32
    %dma_start3A_2 = arith.constant 0 : i32
    %dma_start3A_3 = arith.constant 0 : i32
    %dma_start3A_4 = arith.constant 0 : i32
    %dma_start3A_5 = tpu.memref_slice %arg6[%dma_start3A_2, %dma_start3A_3, %dma_start3A_4] : memref<5x50x128xf32, #tpu.memory_space<vmem>> -> memref<1x50x128xf32, #tpu.memory_space<vmem>>
    %dma_start3A_6 = tpu.memref_squeeze %dma_start3A_5 : memref<1x50x128xf32, #tpu.memory_space<vmem>> -> memref<50x128xf32, #tpu.memory_space<vmem>>
    %dma_start3A_7 = arith.constant 0 : i32
    %dma_start3A_8 = tpu.memref_slice %arg5[%dma_start3A, %dma_start3A_1, %dma_start3A_7] : memref<2x40x50xi32, #tpu.memory_space<vmem>> -> memref<1x1x50xi32, #tpu.memory_space<vmem>>
    %dma_start3A_9 = tpu.memref_squeeze %dma_start3A_8 : memref<1x1x50xi32, #tpu.memory_space<vmem>> -> memref<50xi32, #tpu.memory_space<vmem>>
    %dma_start3A_10 = arith.constant 0 : i32
    %dma_start3A_11 = arith.constant 0 : i32
    %dma_start3A_12 = tpu.memref_slice %arg2[%arg0, %dma_start3A_10, %dma_start3A_11] : memref<2x10000x128xf32, #tpu.memory_space<hbm>> -> memref<1x10000x128xf32, #tpu.memory_space<hbm>>
    %dma_start3A_13 = tpu.memref_squeeze %dma_start3A_12 : memref<1x10000x128xf32, #tpu.memory_space<hbm>> -> memref<10000x128xf32, #tpu.memory_space<hbm>>
    %dma_start3A_14 = arith.constant 0 : i32
    %dma_start3A_15 = arith.constant 0 : i32
    %dma_start3A_16 = tpu.memref_slice %dma_start3A_13[%dma_start3A_14, %dma_start3A_15] : memref<10000x128xf32, #tpu.memory_space<hbm>> -> memref<10000x128xf32, #tpu.memory_space<hbm>>
    tpu.enqueue_indirect_dma source(%dma_start3A_16 : memref<10000x128xf32, #tpu.memory_space<hbm>>) target(%dma_start3A_6 : memref<50x128xf32, #tpu.memory_space<vmem>>) offsets(%dma_start3A_9 : memref<50xi32, #tpu.memory_space<vmem>>) semaphore(%arg9 : memref<!tpu.dma_semaphore, #tpu.memory_space<semaphore_mem>>)
    %dma_start3A_17 = arith.constant 0 : i32
    %dma_start3A_18 = arith.constant 1 : i32
    %dma_start3A_19 = arith.constant 1 : i32
    %dma_start3A_20 = arith.constant 0 : i32
    %dma_start3A_21 = arith.constant 0 : i32
    %dma_start3A_22 = tpu.memref_slice %arg6[%dma_start3A_19, %dma_start3A_20, %dma_start3A_21] : memref<5x50x128xf32, #tpu.memory_space<vmem>> -> memref<1x50x128xf32, #tpu.memory_space<vmem>>
    %dma_start3A_23 = tpu.memref_squeeze %dma_start3A_22 : memref<1x50x128xf32, #tpu.memory_space<vmem>> -> memref<50x128xf32, #tpu.memory_space<vmem>>
    %dma_start3A_24 = arith.constant 0 : i32
    %dma_start3A_25 = tpu.memref_slice %arg5[%dma_start3A_17, %dma_start3A_18, %dma_start3A_24] : memref<2x40x50xi32, #tpu.memory_space<vmem>> -> memref<1x1x50xi32, #tpu.memory_space<vmem>>
    %dma_start3A_26 = tpu.memref_squeeze %dma_start3A_25 : memref<1x1x50xi32, #tpu.memory_space<vmem>> -> memref<50xi32, #tpu.memory_space<vmem>>
    %dma_start3A_27 = arith.constant 0 : i32
    %dma_start3A_28 = arith.constant 0 : i32
    %dma_start3A_29 = tpu.memref_slice %arg2[%arg0, %dma_start3A_27, %dma_start3A_28] : memref<2x10000x128xf32, #tpu.memory_space<hbm>> -> memref<1x10000x128xf32, #tpu.memory_space<hbm>>
    %dma_start3A_30 = tpu.memref_squeeze %dma_start3A_29 : memref<1x10000x128xf32, #tpu.memory_space<hbm>> -> memref<10000x128xf32, #tpu.memory_space<hbm>>
    %dma_start3A_31 = arith.constant 0 : i32
    %dma_start3A_32 = arith.constant 0 : i32
    %dma_start3A_33 = tpu.memref_slice %dma_start3A_30[%dma_start3A_31, %dma_start3A_32] : memref<10000x128xf32, #tpu.memory_space<hbm>> -> memref<10000x128xf32, #tpu.memory_space<hbm>>
    tpu.enqueue_indirect_dma source(%dma_start3A_33 : memref<10000x128xf32, #tpu.memory_space<hbm>>) target(%dma_start3A_23 : memref<50x128xf32, #tpu.memory_space<vmem>>) offsets(%dma_start3A_26 : memref<50xi32, #tpu.memory_space<vmem>>) semaphore(%arg10 : memref<!tpu.dma_semaphore, #tpu.memory_space<semaphore_mem>>)
    %dma_start3A_34 = arith.constant 0 : i32
    %dma_start3A_35 = arith.constant 2 : i32
    %dma_start3A_36 = arith.constant 2 : i32
    %dma_start3A_37 = arith.constant 0 : i32
    %dma_start3A_38 = arith.constant 0 : i32
    %dma_start3A_39 = tpu.memref_slice %arg6[%dma_start3A_36, %dma_start3A_37, %dma_start3A_38] : memref<5x50x128xf32, #tpu.memory_space<vmem>> -> memref<1x50x128xf32, #tpu.memory_space<vmem>>
    %dma_start3A_40 = tpu.memref_squeeze %dma_start3A_39 : memref<1x50x128xf32, #tpu.memory_space<vmem>> -> memref<50x128xf32, #tpu.memory_space<vmem>>
    %dma_start3A_41 = arith.constant 0 : i32
    %dma_start3A_42 = tpu.memref_slice %arg5[%dma_start3A_34, %dma_start3A_35, %dma_start3A_41] : memref<2x40x50xi32, #tpu.memory_space<vmem>> -> memref<1x1x50xi32, #tpu.memory_space<vmem>>
    %dma_start3A_43 = tpu.memref_squeeze %dma_start3A_42 : memref<1x1x50xi32, #tpu.memory_space<vmem>> -> memref<50xi32, #tpu.memory_space<vmem>>
    %dma_start3A_44 = arith.constant 0 : i32
    %dma_start3A_45 = arith.constant 0 : i32
    %dma_start3A_46 = tpu.memref_slice %arg2[%arg0, %dma_start3A_44, %dma_start3A_45] : memref<2x10000x128xf32, #tpu.memory_space<hbm>> -> memref<1x10000x128xf32, #tpu.memory_space<hbm>>
    %dma_start3A_47 = tpu.memref_squeeze %dma_start3A_46 : memref<1x10000x128xf32, #tpu.memory_space<hbm>> -> memref<10000x128xf32, #tpu.memory_space<hbm>>
    %dma_start3A_48 = arith.constant 0 : i32
    %dma_start3A_49 = arith.constant 0 : i32
    %dma_start3A_50 = tpu.memref_slice %dma_start3A_47[%dma_start3A_48, %dma_start3A_49] : memref<10000x128xf32, #tpu.memory_space<hbm>> -> memref<10000x128xf32, #tpu.memory_space<hbm>>
    tpu.enqueue_indirect_dma source(%dma_start3A_50 : memref<10000x128xf32, #tpu.memory_space<hbm>>) target(%dma_start3A_40 : memref<50x128xf32, #tpu.memory_space<vmem>>) offsets(%dma_start3A_43 : memref<50xi32, #tpu.memory_space<vmem>>) semaphore(%arg11 : memref<!tpu.dma_semaphore, #tpu.memory_space<semaphore_mem>>)
    %dma_start3A_51 = arith.constant 0 : i32
    %dma_start3A_52 = arith.constant 3 : i32
    %dma_start3A_53 = arith.constant 3 : i32
    %dma_start3A_54 = arith.constant 0 : i32
    %dma_start3A_55 = arith.constant 0 : i32
    %dma_start3A_56 = tpu.memref_slice %arg6[%dma_start3A_53, %dma_start3A_54, %dma_start3A_55] : memref<5x50x128xf32, #tpu.memory_space<vmem>> -> memref<1x50x128xf32, #tpu.memory_space<vmem>>
    %dma_start3A_57 = tpu.memref_squeeze %dma_start3A_56 : memref<1x50x128xf32, #tpu.memory_space<vmem>> -> memref<50x128xf32, #tpu.memory_space<vmem>>
    %dma_start3A_58 = arith.constant 0 : i32
    %dma_start3A_59 = tpu.memref_slice %arg5[%dma_start3A_51, %dma_start3A_52, %dma_start3A_58] : memref<2x40x50xi32, #tpu.memory_space<vmem>> -> memref<1x1x50xi32, #tpu.memory_space<vmem>>
    %dma_start3A_60 = tpu.memref_squeeze %dma_start3A_59 : memref<1x1x50xi32, #tpu.memory_space<vmem>> -> memref<50xi32, #tpu.memory_space<vmem>>
    %dma_start3A_61 = arith.constant 0 : i32
    %dma_start3A_62 = arith.constant 0 : i32
    %dma_start3A_63 = tpu.memref_slice %arg2[%arg0, %dma_start3A_61, %dma_start3A_62] : memref<2x10000x128xf32, #tpu.memory_space<hbm>> -> memref<1x10000x128xf32, #tpu.memory_space<hbm>>
    %dma_start3A_64 = tpu.memref_squeeze %dma_start3A_63 : memref<1x10000x128xf32, #tpu.memory_space<hbm>> -> memref<10000x128xf32, #tpu.memory_space<hbm>>
    %dma_start3A_65 = arith.constant 0 : i32
    %dma_start3A_66 = arith.constant 0 : i32
    %dma_start3A_67 = tpu.memref_slice %dma_start3A_64[%dma_start3A_65, %dma_start3A_66] : memref<10000x128xf32, #tpu.memory_space<hbm>> -> memref<10000x128xf32, #tpu.memory_space<hbm>>
    tpu.enqueue_indirect_dma source(%dma_start3A_67 : memref<10000x128xf32, #tpu.memory_space<hbm>>) target(%dma_start3A_57 : memref<50x128xf32, #tpu.memory_space<vmem>>) offsets(%dma_start3A_60 : memref<50xi32, #tpu.memory_space<vmem>>) semaphore(%arg12 : memref<!tpu.dma_semaphore, #tpu.memory_space<semaphore_mem>>)
    %dma_start3A_68 = arith.constant 0 : i32
    %dma_start3A_69 = arith.constant 4 : i32
    %dma_start3A_70 = arith.constant 4 : i32
    %dma_start3A_71 = arith.constant 0 : i32
    %dma_start3A_72 = arith.constant 0 : i32
    %dma_start3A_73 = tpu.memref_slice %arg6[%dma_start3A_70, %dma_start3A_71, %dma_start3A_72] : memref<5x50x128xf32, #tpu.memory_space<vmem>> -> memref<1x50x128xf32, #tpu.memory_space<vmem>>
    %dma_start3A_74 = tpu.memref_squeeze %dma_start3A_73 : memref<1x50x128xf32, #tpu.memory_space<vmem>> -> memref<50x128xf32, #tpu.memory_space<vmem>>
    %dma_start3A_75 = arith.constant 0 : i32
    %dma_start3A_76 = tpu.memref_slice %arg5[%dma_start3A_68, %dma_start3A_69, %dma_start3A_75] : memref<2x40x50xi32, #tpu.memory_space<vmem>> -> memref<1x1x50xi32, #tpu.memory_space<vmem>>
    %dma_start3A_77 = tpu.memref_squeeze %dma_start3A_76 : memref<1x1x50xi32, #tpu.memory_space<vmem>> -> memref<50xi32, #tpu.memory_space<vmem>>
    %dma_start3A_78 = arith.constant 0 : i32
    %dma_start3A_79 = arith.constant 0 : i32
    %dma_start3A_80 = tpu.memref_slice %arg2[%arg0, %dma_start3A_78, %dma_start3A_79] : memref<2x10000x128xf32, #tpu.memory_space<hbm>> -> memref<1x10000x128xf32, #tpu.memory_space<hbm>>
    %dma_start3A_81 = tpu.memref_squeeze %dma_start3A_80 : memref<1x10000x128xf32, #tpu.memory_space<hbm>> -> memref<10000x128xf32, #tpu.memory_space<hbm>>
    %dma_start3A_82 = arith.constant 0 : i32
    %dma_start3A_83 = arith.constant 0 : i32
    %dma_start3A_84 = tpu.memref_slice %dma_start3A_81[%dma_start3A_82, %dma_start3A_83] : memref<10000x128xf32, #tpu.memory_space<hbm>> -> memref<10000x128xf32, #tpu.memory_space<hbm>>
    tpu.enqueue_indirect_dma source(%dma_start3A_84 : memref<10000x128xf32, #tpu.memory_space<hbm>>) target(%dma_start3A_74 : memref<50x128xf32, #tpu.memory_space<vmem>>) offsets(%dma_start3A_77 : memref<50xi32, #tpu.memory_space<vmem>>) semaphore(%arg13 : memref<!tpu.dma_semaphore, #tpu.memory_space<semaphore_mem>>)
    %broadcast_in_dim3A = arith.constant 0.000000e+00 : f32
    %broadcast_in_dim3A_85 = vector.broadcast %broadcast_in_dim3A : f32 to vector<16xf32>
    %scan3A = arith.constant 0 : i32
    %scan3A_86 = arith.constant 16 : i32
    %scan3A_87 = arith.addi %scan3A, %scan3A_86 : i32
    %scan3A_88 = arith.constant 1 : i32
    scf.for %scan3A_111 = %scan3A to %scan3A_87 step %scan3A_88  : i32 {
      %mul3A_112 = arith.constant 1 : i32
      %mul3A_113 = arith.muli %scan3A_111, %mul3A_112 : i32
      %add3A = arith.constant 0 : i32
      %add3A_114 = arith.addi %add3A, %mul3A_113 : i32
      %swap3A = arith.index_cast %add3A_114 : i32 to index
      %swap3A_115 = arith.constant 0 : index
      %swap3A_116 = tpu.vector_load %arg7[%swap3A, %swap3A_115] {strides = array<i32>} : memref<16x128xf32, #tpu.memory_space<vmem>>, vector<1x16xf32>,
      %swap3A_117 = vector.shape_cast %swap3A_116 : vector<1x16xf32> to vector<16xf32>
      %swap3A_118 = vector.shape_cast %broadcast_in_dim3A_85 : vector<16xf32> to vector<1x16xf32>
      tpu.vector_store %arg7[%swap3A, %swap3A_115], %swap3A_118 {strides = array<i32>} : memref<16x128xf32, #tpu.memory_space<vmem>>, vector<1x16xf32>,
      %swap3A_119 = arith.index_cast %add3A_114 : i32 to index
      %swap3A_120 = arith.constant 16 : index
      %swap3A_121 = tpu.vector_load %arg7[%swap3A_119, %swap3A_120] {strides = array<i32>} : memref<16x128xf32, #tpu.memory_space<vmem>>, vector<1x16xf32>,
      %swap3A_122 = vector.shape_cast %swap3A_121 : vector<1x16xf32> to vector<16xf32>
      %swap3A_123 = vector.shape_cast %broadcast_in_dim3A_85 : vector<16xf32> to vector<1x16xf32>
      tpu.vector_store %arg7[%swap3A_119, %swap3A_120], %swap3A_123 {strides = array<i32>} : memref<16x128xf32, #tpu.memory_space<vmem>>, vector<1x16xf32>,
      %swap3A_124 = arith.index_cast %add3A_114 : i32 to index
      %swap3A_125 = arith.constant 32 : index
      %swap3A_126 = tpu.vector_load %arg7[%swap3A_124, %swap3A_125] {strides = array<i32>} : memref<16x128xf32, #tpu.memory_space<vmem>>, vector<1x16xf32>,
      %swap3A_127 = vector.shape_cast %swap3A_126 : vector<1x16xf32> to vector<16xf32>
      %swap3A_128 = vector.shape_cast %broadcast_in_dim3A_85 : vector<16xf32> to vector<1x16xf32>
      tpu.vector_store %arg7[%swap3A_124, %swap3A_125], %swap3A_128 {strides = array<i32>} : memref<16x128xf32, #tpu.memory_space<vmem>>, vector<1x16xf32>,
      %swap3A_129 = arith.index_cast %add3A_114 : i32 to index
      %swap3A_130 = arith.constant 48 : index
      %swap3A_131 = tpu.vector_load %arg7[%swap3A_129, %swap3A_130] {strides = array<i32>} : memref<16x128xf32, #tpu.memory_space<vmem>>, vector<1x16xf32>,
      %swap3A_132 = vector.shape_cast %swap3A_131 : vector<1x16xf32> to vector<16xf32>
      %swap3A_133 = vector.shape_cast %broadcast_in_dim3A_85 : vector<16xf32> to vector<1x16xf32>
      tpu.vector_store %arg7[%swap3A_129, %swap3A_130], %swap3A_133 {strides = array<i32>} : memref<16x128xf32, #tpu.memory_space<vmem>>, vector<1x16xf32>,
      %swap3A_134 = arith.index_cast %add3A_114 : i32 to index
      %swap3A_135 = arith.constant 64 : index
      %swap3A_136 = tpu.vector_load %arg7[%swap3A_134, %swap3A_135] {strides = array<i32>} : memref<16x128xf32, #tpu.memory_space<vmem>>, vector<1x16xf32>,
      %swap3A_137 = vector.shape_cast %swap3A_136 : vector<1x16xf32> to vector<16xf32>
      %swap3A_138 = vector.shape_cast %broadcast_in_dim3A_85 : vector<16xf32> to vector<1x16xf32>
      tpu.vector_store %arg7[%swap3A_134, %swap3A_135], %swap3A_138 {strides = array<i32>} : memref<16x128xf32, #tpu.memory_space<vmem>>, vector<1x16xf32>,
      %swap3A_139 = arith.index_cast %add3A_114 : i32 to index
      %swap3A_140 = arith.constant 80 : index
      %swap3A_141 = tpu.vector_load %arg7[%swap3A_139, %swap3A_140] {strides = array<i32>} : memref<16x128xf32, #tpu.memory_space<vmem>>, vector<1x16xf32>,
      %swap3A_142 = vector.shape_cast %swap3A_141 : vector<1x16xf32> to vector<16xf32>
      %swap3A_143 = vector.shape_cast %broadcast_in_dim3A_85 : vector<16xf32> to vector<1x16xf32>
      tpu.vector_store %arg7[%swap3A_139, %swap3A_140], %swap3A_143 {strides = array<i32>} : memref<16x128xf32, #tpu.memory_space<vmem>>, vector<1x16xf32>,
      %swap3A_144 = arith.index_cast %add3A_114 : i32 to index
      %swap3A_145 = arith.constant 96 : index
      %swap3A_146 = tpu.vector_load %arg7[%swap3A_144, %swap3A_145] {strides = array<i32>} : memref<16x128xf32, #tpu.memory_space<vmem>>, vector<1x16xf32>,
      %swap3A_147 = vector.shape_cast %swap3A_146 : vector<1x16xf32> to vector<16xf32>
      %swap3A_148 = vector.shape_cast %broadcast_in_dim3A_85 : vector<16xf32> to vector<1x16xf32>
      tpu.vector_store %arg7[%swap3A_144, %swap3A_145], %swap3A_148 {strides = array<i32>} : memref<16x128xf32, #tpu.memory_space<vmem>>, vector<1x16xf32>,
      %swap3A_149 = arith.index_cast %add3A_114 : i32 to index
      %swap3A_150 = arith.constant 112 : index
      %swap3A_151 = tpu.vector_load %arg7[%swap3A_149, %swap3A_150] {strides = array<i32>} : memref<16x128xf32, #tpu.memory_space<vmem>>, vector<1x16xf32>,
      %swap3A_152 = vector.shape_cast %swap3A_151 : vector<1x16xf32> to vector<16xf32>
      %swap3A_153 = vector.shape_cast %broadcast_in_dim3A_85 : vector<16xf32> to vector<1x16xf32>
      tpu.vector_store %arg7[%swap3A_149, %swap3A_150], %swap3A_153 {strides = array<i32>} : memref<16x128xf32, #tpu.memory_space<vmem>>, vector<1x16xf32>,
    }
    %scan3A_89 = arith.constant 16 : i32
    %scan3A_90 = arith.constant 0 : i32
    %scan3A_91 = arith.constant 40 : i32
    %scan3A_92 = arith.addi %scan3A_90, %scan3A_91 : i32
    %scan3A_93 = arith.constant 1 : i32
    scf.for %scan3A_111 = %scan3A_90 to %scan3A_92 step %scan3A_93  : i32 {
      %mul3A_112 = arith.constant 1 : i32
      %mul3A_113 = arith.muli %scan3A_111, %mul3A_112 : i32
      %add3A = arith.constant 0 : i32
      %add3A_114 = arith.addi %add3A, %mul3A_113 : i32
      %mul3A_115 = arith.constant 16 : i32
      %mul3A_116 = arith.muli %add3A_114, %mul3A_115 : i32
      %add3A_117 = arith.addi %mul3A_0, %mul3A_116 : i32
      %dma_start3A_118 = arith.constant 0 : i32
      %dma_start3A_119 = tpu.memref_slice %arg8[%add3A_117, %dma_start3A_118] : memref<10240x128xf32, #tpu.memory_space<vmem_shared>> -> memref<16x128xf32, #tpu.memory_space<vmem_shared>>
      %dma_start3A_120 = arith.constant 0 : i32
      %dma_start3A_121 = tpu.memref_slice %arg8[%add3A_117, %dma_start3A_120] : memref<10240x128xf32, #tpu.memory_space<vmem_shared>> -> memref<16x128xf32, #tpu.memory_space<vmem_shared>>
      tpu.enqueue_dma source(%arg7 : memref<16x128xf32, #tpu.memory_space<vmem>>) target(%dma_start3A_121 : memref<16x128xf32, #tpu.memory_space<vmem_shared>>) target_semaphore(%arg14 : memref<!tpu.dma_semaphore, #tpu.memory_space<semaphore_mem>>)
    }
    %scan3A_94 = arith.constant 40 : i32
    %scan3A_95 = arith.constant 0 : i32
    %scan3A_96 = arith.constant 40 : i32
    %scan3A_97 = arith.addi %scan3A_95, %scan3A_96 : i32
    %scan3A_98 = arith.constant 1 : i32
    scf.for %scan3A_111 = %scan3A_95 to %scan3A_97 step %scan3A_98  : i32 {
      %mul3A_112 = arith.constant 1 : i32
      %mul3A_113 = arith.muli %scan3A_111, %mul3A_112 : i32
      %add3A = arith.constant 0 : i32
      %add3A_114 = arith.addi %add3A, %mul3A_113 : i32
      %dma_wait3A = arith.constant 0 : i32
      %dma_wait3A_115 = tpu.memref_slice %arg8[%mul3A_0, %dma_wait3A] : memref<10240x128xf32, #tpu.memory_space<vmem_shared>> -> memref<16x128xf32, #tpu.memory_space<vmem_shared>>
      %dma_wait3A_116 = arith.constant 0 : i32
      %dma_wait3A_117 = tpu.memref_slice %arg8[%mul3A_0, %dma_wait3A_116] : memref<10240x128xf32, #tpu.memory_space<vmem_shared>> -> memref<16x128xf32, #tpu.memory_space<vmem_shared>>
      tpu.wait_dma2 semaphore(%arg14 : memref<!tpu.dma_semaphore, #tpu.memory_space<semaphore_mem>>) src(%arg7 : memref<16x128xf32, #tpu.memory_space<vmem>>) dst(%dma_wait3A_117 : memref<16x128xf32, #tpu.memory_space<vmem_shared>>)
    }
    %scan3A_99 = arith.constant 40 : i32
    %barrier3A = arith.constant 0 : index
    tpu.barrier barrier_id(%barrier3A)
    %scan3A_100 = arith.constant 0 : i32
    %scan3A_101 = arith.constant 1 : i32
    %scan3A_102 = arith.constant 2 : i32
    %scan3A_103 = arith.constant 3 : i32
    %scan3A_104 = arith.constant 4 : i32
    %scan3A_105 = arith.constant 0 : i32
    %scan3A_106 = arith.constant 5 : i32
    %scan3A_107 = arith.addi %scan3A_105, %scan3A_106 : i32
    %scan3A_108 = arith.constant 1 : i32
    scf.for %scan3A_111 = %scan3A_105 to %scan3A_107 step %scan3A_108  : i32 {
      %mul3A_112 = arith.constant 1 : i32
      %mul3A_113 = arith.muli %scan3A_111, %mul3A_112 : i32
      %add3A = arith.constant 0 : i32
      %add3A_114 = arith.addi %add3A, %mul3A_113 : i32
      %gt3A = arith.constant 0 : i32
      %gt3A_115 = arith.cmpi sgt, %add3A_114, %gt3A : i32
      %convert_element_type3A = arith.extui %gt3A_115 : i1 to i32
      %cond3A = arith.constant 0 : i32
      %cond3A_116 = arith.cmpi ne, %convert_element_type3A, %cond3A : i32
      scf.if %cond3A_116 {
        %mul3A_210 = arith.constant 40 : i32
        %mul3A_211 = arith.muli %add3A_114, %mul3A_210 : i32
        "tpu.region"() ({
          %run_scoped3A_292 = tpu.sem_alloc : memref<!tpu.dma_semaphore, #tpu.memory_space<semaphore_mem>>
          %dma_start3A_293 = arith.constant 0 : i32
          %dma_start3A_294 = arith.constant 0 : i32
          %dma_start3A_295 = tpu.memref_slice %arg3[%dma_start3A_293, %arg1, %mul3A_211, %dma_start3A_294] : memref<2x16x200x50xi32, #tpu.memory_space<hbm>> -> memref<2x1x40x50xi32, #tpu.memory_space<hbm>>
          %dma_start3A_296 = tpu.memref_squeeze %dma_start3A_295 : memref<2x1x40x50xi32, #tpu.memory_space<hbm>> -> memref<2x40x50xi32, #tpu.memory_space<hbm>>
          %dma_start3A_297 = arith.constant 0 : i32
          %dma_start3A_298 = arith.constant 0 : i32
          %dma_start3A_299 = tpu.memref_slice %arg3[%dma_start3A_297, %arg1, %mul3A_211, %dma_start3A_298] : memref<2x16x200x50xi32, #tpu.memory_space<hbm>> -> memref<2x1x40x50xi32, #tpu.memory_space<hbm>>
          %dma_start3A_300 = tpu.memref_squeeze %dma_start3A_299 : memref<2x1x40x50xi32, #tpu.memory_space<hbm>> -> memref<2x40x50xi32, #tpu.memory_space<hbm>>
          tpu.enqueue_dma source(%dma_start3A_300 : memref<2x40x50xi32, #tpu.memory_space<hbm>>) target(%arg5 : memref<2x40x50xi32, #tpu.memory_space<vmem>>) target_semaphore(%run_scoped3A_292 : memref<!tpu.dma_semaphore, #tpu.memory_space<semaphore_mem>>)
          %dma_wait3A_301 = arith.constant 0 : i32
          %dma_wait3A_302 = arith.constant 0 : i32
          %dma_wait3A_303 = tpu.memref_slice %arg3[%dma_wait3A_301, %arg1, %mul3A_211, %dma_wait3A_302] : memref<2x16x200x50xi32, #tpu.memory_space<hbm>> -> memref<2x1x40x50xi32, #tpu.memory_space<hbm>>
          %dma_wait3A_304 = tpu.memref_squeeze %dma_wait3A_303 : memref<2x1x40x50xi32, #tpu.memory_space<hbm>> -> memref<2x40x50xi32, #tpu.memory_space<hbm>>
          %dma_wait3A_305 = arith.constant 0 : i32
          %dma_wait3A_306 = arith.constant 0 : i32
          %dma_wait3A_307 = tpu.memref_slice %arg3[%dma_wait3A_305, %arg1, %mul3A_211, %dma_wait3A_306] : memref<2x16x200x50xi32, #tpu.memory_space<hbm>> -> memref<2x1x40x50xi32, #tpu.memory_space<hbm>>
          %dma_wait3A_308 = tpu.memref_squeeze %dma_wait3A_307 : memref<2x1x40x50xi32, #tpu.memory_space<hbm>> -> memref<2x40x50xi32, #tpu.memory_space<hbm>>
          tpu.wait_dma2 semaphore(%run_scoped3A_292 : memref<!tpu.dma_semaphore, #tpu.memory_space<semaphore_mem>>) src(%dma_wait3A_308 : memref<2x40x50xi32, #tpu.memory_space<hbm>>) dst(%arg5 : memref<2x40x50xi32, #tpu.memory_space<vmem>>)
          tpu.yield
        }) : () -> ()
        %dma_start3A_212 = arith.constant 0 : i32
        %dma_start3A_213 = arith.constant 0 : i32
        %dma_start3A_214 = arith.constant 0 : i32
        %dma_start3A_215 = arith.constant 0 : i32
        %dma_start3A_216 = tpu.memref_slice %arg6[%scan3A_100, %dma_start3A_214, %dma_start3A_215] : memref<5x50x128xf32, #tpu.memory_space<vmem>> -> memref<1x50x128xf32, #tpu.memory_space<vmem>>
        %dma_start3A_217 = tpu.memref_squeeze %dma_start3A_216 : memref<1x50x128xf32, #tpu.memory_space<vmem>> -> memref<50x128xf32, #tpu.memory_space<vmem>>
        %dma_start3A_218 = arith.constant 0 : i32
        %dma_start3A_219 = tpu.memref_slice %arg5[%dma_start3A_212, %dma_start3A_213, %dma_start3A_218] : memref<2x40x50xi32, #tpu.memory_space<vmem>> -> memref<1x1x50xi32, #tpu.memory_space<vmem>>
        %dma_start3A_220 = tpu.memref_squeeze %dma_start3A_219 : memref<1x1x50xi32, #tpu.memory_space<vmem>> -> memref<50xi32, #tpu.memory_space<vmem>>
        %dma_start3A_221 = arith.constant 0 : i32
        %dma_start3A_222 = arith.constant 0 : i32
        %dma_start3A_223 = tpu.memref_slice %arg2[%arg0, %dma_start3A_221, %dma_start3A_222] : memref<2x10000x128xf32, #tpu.memory_space<hbm>> -> memref<1x10000x128xf32, #tpu.memory_space<hbm>>
        %dma_start3A_224 = tpu.memref_squeeze %dma_start3A_223 : memref<1x10000x128xf32, #tpu.memory_space<hbm>> -> memref<10000x128xf32, #tpu.memory_space<hbm>>
        %dma_start3A_225 = arith.constant 0 : i32
        %dma_start3A_226 = arith.constant 0 : i32
        %dma_start3A_227 = tpu.memref_slice %dma_start3A_224[%dma_start3A_225, %dma_start3A_226] : memref<10000x128xf32, #tpu.memory_space<hbm>> -> memref<10000x128xf32, #tpu.memory_space<hbm>>
        tpu.enqueue_indirect_dma source(%dma_start3A_227 : memref<10000x128xf32, #tpu.memory_space<hbm>>) target(%dma_start3A_217 : memref<50x128xf32, #tpu.memory_space<vmem>>) offsets(%dma_start3A_220 : memref<50xi32, #tpu.memory_space<vmem>>) semaphore(%arg9 : memref<!tpu.dma_semaphore, #tpu.memory_space<semaphore_mem>>)
        %dma_start3A_228 = arith.constant 0 : i32
        %dma_start3A_229 = arith.constant 1 : i32
        %dma_start3A_230 = arith.constant 0 : i32
        %dma_start3A_231 = arith.constant 0 : i32
        %dma_start3A_232 = tpu.memref_slice %arg6[%scan3A_101, %dma_start3A_230, %dma_start3A_231] : memref<5x50x128xf32, #tpu.memory_space<vmem>> -> memref<1x50x128xf32, #tpu.memory_space<vmem>>
        %dma_start3A_233 = tpu.memref_squeeze %dma_start3A_232 : memref<1x50x128xf32, #tpu.memory_space<vmem>> -> memref<50x128xf32, #tpu.memory_space<vmem>>
        %dma_start3A_234 = arith.constant 0 : i32
        %dma_start3A_235 = tpu.memref_slice %arg5[%dma_start3A_228, %dma_start3A_229, %dma_start3A_234] : memref<2x40x50xi32, #tpu.memory_space<vmem>> -> memref<1x1x50xi32, #tpu.memory_space<vmem>>
        %dma_start3A_236 = tpu.memref_squeeze %dma_start3A_235 : memref<1x1x50xi32, #tpu.memory_space<vmem>> -> memref<50xi32, #tpu.memory_space<vmem>>
        %dma_start3A_237 = arith.constant 0 : i32
        %dma_start3A_238 = arith.constant 0 : i32
        %dma_start3A_239 = tpu.memref_slice %arg2[%arg0, %dma_start3A_237, %dma_start3A_238] : memref<2x10000x128xf32, #tpu.memory_space<hbm>> -> memref<1x10000x128xf32, #tpu.memory_space<hbm>>
        %dma_start3A_240 = tpu.memref_squeeze %dma_start3A_239 : memref<1x10000x128xf32, #tpu.memory_space<hbm>> -> memref<10000x128xf32, #tpu.memory_space<hbm>>
        %dma_start3A_241 = arith.constant 0 : i32
        %dma_start3A_242 = arith.constant 0 : i32
        %dma_start3A_243 = tpu.memref_slice %dma_start3A_240[%dma_start3A_241, %dma_start3A_242] : memref<10000x128xf32, #tpu.memory_space<hbm>> -> memref<10000x128xf32, #tpu.memory_space<hbm>>
        tpu.enqueue_indirect_dma source(%dma_start3A_243 : memref<10000x128xf32, #tpu.memory_space<hbm>>) target(%dma_start3A_233 : memref<50x128xf32, #tpu.memory_space<vmem>>) offsets(%dma_start3A_236 : memref<50xi32, #tpu.memory_space<vmem>>) semaphore(%arg10 : memref<!tpu.dma_semaphore, #tpu.memory_space<semaphore_mem>>)
        %dma_start3A_244 = arith.constant 0 : i32
        %dma_start3A_245 = arith.constant 2 : i32
        %dma_start3A_246 = arith.constant 0 : i32
        %dma_start3A_247 = arith.constant 0 : i32
        %dma_start3A_248 = tpu.memref_slice %arg6[%scan3A_102, %dma_start3A_246, %dma_start3A_247] : memref<5x50x128xf32, #tpu.memory_space<vmem>> -> memref<1x50x128xf32, #tpu.memory_space<vmem>>
        %dma_start3A_249 = tpu.memref_squeeze %dma_start3A_248 : memref<1x50x128xf32, #tpu.memory_space<vmem>> -> memref<50x128xf32, #tpu.memory_space<vmem>>
        %dma_start3A_250 = arith.constant 0 : i32
        %dma_start3A_251 = tpu.memref_slice %arg5[%dma_start3A_244, %dma_start3A_245, %dma_start3A_250] : memref<2x40x50xi32, #tpu.memory_space<vmem>> -> memref<1x1x50xi32, #tpu.memory_space<vmem>>
        %dma_start3A_252 = tpu.memref_squeeze %dma_start3A_251 : memref<1x1x50xi32, #tpu.memory_space<vmem>> -> memref<50xi32, #tpu.memory_space<vmem>>
        %dma_start3A_253 = arith.constant 0 : i32
        %dma_start3A_254 = arith.constant 0 : i32
        %dma_start3A_255 = tpu.memref_slice %arg2[%arg0, %dma_start3A_253, %dma_start3A_254] : memref<2x10000x128xf32, #tpu.memory_space<hbm>> -> memref<1x10000x128xf32, #tpu.memory_space<hbm>>
        %dma_start3A_256 = tpu.memref_squeeze %dma_start3A_255 : memref<1x10000x128xf32, #tpu.memory_space<hbm>> -> memref<10000x128xf32, #tpu.memory_space<hbm>>
        %dma_start3A_257 = arith.constant 0 : i32
        %dma_start3A_258 = arith.constant 0 : i32
        %dma_start3A_259 = tpu.memref_slice %dma_start3A_256[%dma_start3A_257, %dma_start3A_258] : memref<10000x128xf32, #tpu.memory_space<hbm>> -> memref<10000x128xf32, #tpu.memory_space<hbm>>
        tpu.enqueue_indirect_dma source(%dma_start3A_259 : memref<10000x128xf32, #tpu.memory_space<hbm>>) target(%dma_start3A_249 : memref<50x128xf32, #tpu.memory_space<vmem>>) offsets(%dma_start3A_252 : memref<50xi32, #tpu.memory_space<vmem>>) semaphore(%arg11 : memref<!tpu.dma_semaphore, #tpu.memory_space<semaphore_mem>>)
        %dma_start3A_260 = arith.constant 0 : i32
        %dma_start3A_261 = arith.constant 3 : i32
        %dma_start3A_262 = arith.constant 0 : i32
        %dma_start3A_263 = arith.constant 0 : i32
        %dma_start3A_264 = tpu.memref_slice %arg6[%scan3A_103, %dma_start3A_262, %dma_start3A_263] : memref<5x50x128xf32, #tpu.memory_space<vmem>> -> memref<1x50x128xf32, #tpu.memory_space<vmem>>
        %dma_start3A_265 = tpu.memref_squeeze %dma_start3A_264 : memref<1x50x128xf32, #tpu.memory_space<vmem>> -> memref<50x128xf32, #tpu.memory_space<vmem>>
        %dma_start3A_266 = arith.constant 0 : i32
        %dma_start3A_267 = tpu.memref_slice %arg5[%dma_start3A_260, %dma_start3A_261, %dma_start3A_266] : memref<2x40x50xi32, #tpu.memory_space<vmem>> -> memref<1x1x50xi32, #tpu.memory_space<vmem>>
        %dma_start3A_268 = tpu.memref_squeeze %dma_start3A_267 : memref<1x1x50xi32, #tpu.memory_space<vmem>> -> memref<50xi32, #tpu.memory_space<vmem>>
        %dma_start3A_269 = arith.constant 0 : i32
        %dma_start3A_270 = arith.constant 0 : i32
        %dma_start3A_271 = tpu.memref_slice %arg2[%arg0, %dma_start3A_269, %dma_start3A_270] : memref<2x10000x128xf32, #tpu.memory_space<hbm>> -> memref<1x10000x128xf32, #tpu.memory_space<hbm>>
        %dma_start3A_272 = tpu.memref_squeeze %dma_start3A_271 : memref<1x10000x128xf32, #tpu.memory_space<hbm>> -> memref<10000x128xf32, #tpu.memory_space<hbm>>
        %dma_start3A_273 = arith.constant 0 : i32
        %dma_start3A_274 = arith.constant 0 : i32
        %dma_start3A_275 = tpu.memref_slice %dma_start3A_272[%dma_start3A_273, %dma_start3A_274] : memref<10000x128xf32, #tpu.memory_space<hbm>> -> memref<10000x128xf32, #tpu.memory_space<hbm>>
        tpu.enqueue_indirect_dma source(%dma_start3A_275 : memref<10000x128xf32, #tpu.memory_space<hbm>>) target(%dma_start3A_265 : memref<50x128xf32, #tpu.memory_space<vmem>>) offsets(%dma_start3A_268 : memref<50xi32, #tpu.memory_space<vmem>>) semaphore(%arg12 : memref<!tpu.dma_semaphore, #tpu.memory_space<semaphore_mem>>)
        %dma_start3A_276 = arith.constant 0 : i32
        %dma_start3A_277 = arith.constant 4 : i32
        %dma_start3A_278 = arith.constant 0 : i32
        %dma_start3A_279 = arith.constant 0 : i32
        %dma_start3A_280 = tpu.memref_slice %arg6[%scan3A_104, %dma_start3A_278, %dma_start3A_279] : memref<5x50x128xf32, #tpu.memory_space<vmem>> -> memref<1x50x128xf32, #tpu.memory_space<vmem>>
        %dma_start3A_281 = tpu.memref_squeeze %dma_start3A_280 : memref<1x50x128xf32, #tpu.memory_space<vmem>> -> memref<50x128xf32, #tpu.memory_space<vmem>>
        %dma_start3A_282 = arith.constant 0 : i32
        %dma_start3A_283 = tpu.memref_slice %arg5[%dma_start3A_276, %dma_start3A_277, %dma_start3A_282] : memref<2x40x50xi32, #tpu.memory_space<vmem>> -> memref<1x1x50xi32, #tpu.memory_space<vmem>>
        %dma_start3A_284 = tpu.memref_squeeze %dma_start3A_283 : memref<1x1x50xi32, #tpu.memory_space<vmem>> -> memref<50xi32, #tpu.memory_space<vmem>>
        %dma_start3A_285 = arith.constant 0 : i32
        %dma_start3A_286 = arith.constant 0 : i32
        %dma_start3A_287 = tpu.memref_slice %arg2[%arg0, %dma_start3A_285, %dma_start3A_286] : memref<2x10000x128xf32, #tpu.memory_space<hbm>> -> memref<1x10000x128xf32, #tpu.memory_space<hbm>>
        %dma_start3A_288 = tpu.memref_squeeze %dma_start3A_287 : memref<1x10000x128xf32, #tpu.memory_space<hbm>> -> memref<10000x128xf32, #tpu.memory_space<hbm>>
        %dma_start3A_289 = arith.constant 0 : i32
        %dma_start3A_290 = arith.constant 0 : i32
        %dma_start3A_291 = tpu.memref_slice %dma_start3A_288[%dma_start3A_289, %dma_start3A_290] : memref<10000x128xf32, #tpu.memory_space<hbm>> -> memref<10000x128xf32, #tpu.memory_space<hbm>>
        tpu.enqueue_indirect_dma source(%dma_start3A_291 : memref<10000x128xf32, #tpu.memory_space<hbm>>) target(%dma_start3A_281 : memref<50x128xf32, #tpu.memory_space<vmem>>) offsets(%dma_start3A_284 : memref<50xi32, #tpu.memory_space<vmem>>) semaphore(%arg13 : memref<!tpu.dma_semaphore, #tpu.memory_space<semaphore_mem>>)
      } else {
      }
      %scan3A_117 = arith.constant 0 : i32
      %scan3A_118 = arith.constant 7 : i32
      %scan3A_119 = arith.addi %scan3A_117, %scan3A_118 : i32
      %scan3A_120 = arith.constant 1 : i32
      scf.for %scan3A_210 = %scan3A_117 to %scan3A_119 step %scan3A_120  : i32 {
        %mul3A_211 = arith.constant 5 : i32
        %mul3A_212 = arith.muli %scan3A_210, %mul3A_211 : i32
        %add3A_213 = arith.constant 0 : i32
        %add3A_214 = arith.addi %add3A_213, %mul3A_212 : i32
        %dma_wait3A_215 = arith.constant 0 : i32
        %dma_wait3A_216 = arith.constant 0 : i32
        %dma_wait3A_217 = arith.constant 0 : i32
        %dma_wait3A_218 = arith.constant 0 : i32
        %dma_wait3A_219 = tpu.memref_slice %arg6[%scan3A_100, %dma_wait3A_217, %dma_wait3A_218] : memref<5x50x128xf32, #tpu.memory_space<vmem>> -> memref<1x50x128xf32, #tpu.memory_space<vmem>>
        %dma_wait3A_220 = tpu.memref_squeeze %dma_wait3A_219 : memref<1x50x128xf32, #tpu.memory_space<vmem>> -> memref<50x128xf32, #tpu.memory_space<vmem>>
        %dma_wait3A_221 = arith.constant 0 : i32
        %dma_wait3A_222 = tpu.memref_slice %arg5[%dma_wait3A_215, %dma_wait3A_216, %dma_wait3A_221] : memref<2x40x50xi32, #tpu.memory_space<vmem>> -> memref<1x1x50xi32, #tpu.memory_space<vmem>>
        %dma_wait3A_223 = tpu.memref_squeeze %dma_wait3A_222 : memref<1x1x50xi32, #tpu.memory_space<vmem>> -> memref<50xi32, #tpu.memory_space<vmem>>
        %dma_wait3A_224 = arith.constant 0 : i32
        %dma_wait3A_225 = arith.constant 0 : i32
        %dma_wait3A_226 = tpu.memref_slice %arg2[%arg0, %dma_wait3A_224, %dma_wait3A_225] : memref<2x10000x128xf32, #tpu.memory_space<hbm>> -> memref<1x10000x128xf32, #tpu.memory_space<hbm>>
        %dma_wait3A_227 = tpu.memref_squeeze %dma_wait3A_226 : memref<1x10000x128xf32, #tpu.memory_space<hbm>> -> memref<10000x128xf32, #tpu.memory_space<hbm>>
        %dma_wait3A_228 = arith.constant 0 : i32
        %dma_wait3A_229 = arith.constant 0 : i32
        %dma_wait3A_230 = tpu.memref_slice %dma_wait3A_227[%dma_wait3A_228, %dma_wait3A_229] : memref<10000x128xf32, #tpu.memory_space<hbm>> -> memref<10000x128xf32, #tpu.memory_space<hbm>>
        tpu.wait_indirect_dma semaphore(%arg9 : memref<!tpu.dma_semaphore, #tpu.memory_space<semaphore_mem>>) src(%dma_wait3A_230 : memref<10000x128xf32, #tpu.memory_space<hbm>>) dst(%dma_wait3A_220 : memref<50x128xf32, #tpu.memory_space<vmem>>)
        %add3A_231 = arith.constant 0 : i32
        %add3A_232 = arith.addi %add3A_214, %add3A_231 : i32
        %run_scoped3A_233 = arith.constant 1 : i32
        "tpu.region"() ({
          %run_scoped3A_405 = tpu.sem_alloc : memref<!tpu.dma_semaphore, #tpu.memory_space<semaphore_mem>>
          %dma_start3A_406 = arith.constant 0 : i32
          %dma_start3A_407 = arith.constant 0 : i32
          %dma_start3A_408 = tpu.memref_slice %arg6[%scan3A_100, %dma_start3A_406, %dma_start3A_407] : memref<5x50x128xf32, #tpu.memory_space<vmem>> -> memref<1x50x128xf32, #tpu.memory_space<vmem>>
          %dma_start3A_409 = tpu.memref_squeeze %dma_start3A_408 : memref<1x50x128xf32, #tpu.memory_space<vmem>> -> memref<50x128xf32, #tpu.memory_space<vmem>>
          %dma_start3A_410 = arith.constant 0 : i32
          %dma_start3A_411 = tpu.memref_slice %arg5[%run_scoped3A_233, %add3A_232, %dma_start3A_410] : memref<2x40x50xi32, #tpu.memory_space<vmem>> -> memref<1x1x50xi32, #tpu.memory_space<vmem>>
          %dma_start3A_412 = tpu.memref_squeeze %dma_start3A_411 : memref<1x1x50xi32, #tpu.memory_space<vmem>> -> memref<50xi32, #tpu.memory_space<vmem>>
          %dma_start3A_413 = arith.constant 0 : i32
          %dma_start3A_414 = arith.constant 0 : i32
          %dma_start3A_415 = tpu.memref_slice %arg8[%dma_start3A_413, %dma_start3A_414] : memref<10240x128xf32, #tpu.memory_space<vmem_shared>> -> memref<10240x128xf32, #tpu.memory_space<vmem_shared>>
          tpu.enqueue_indirect_dma source(%dma_start3A_409 : memref<50x128xf32, #tpu.memory_space<vmem>>) target(%dma_start3A_415 : memref<10240x128xf32, #tpu.memory_space<vmem_shared>>) offsets(%dma_start3A_412 : memref<50xi32, #tpu.memory_space<vmem>>) semaphore(%run_scoped3A_405 : memref<!tpu.dma_semaphore, #tpu.memory_space<semaphore_mem>>) {add = true}
          %dma_wait3A_416 = arith.constant 0 : i32
          %dma_wait3A_417 = arith.constant 0 : i32
          %dma_wait3A_418 = tpu.memref_slice %arg6[%scan3A_100, %dma_wait3A_416, %dma_wait3A_417] : memref<5x50x128xf32, #tpu.memory_space<vmem>> -> memref<1x50x128xf32, #tpu.memory_space<vmem>>
          %dma_wait3A_419 = tpu.memref_squeeze %dma_wait3A_418 : memref<1x50x128xf32, #tpu.memory_space<vmem>> -> memref<50x128xf32, #tpu.memory_space<vmem>>
          %dma_wait3A_420 = arith.constant 0 : i32
          %dma_wait3A_421 = tpu.memref_slice %arg5[%run_scoped3A_233, %add3A_232, %dma_wait3A_420] : memref<2x40x50xi32, #tpu.memory_space<vmem>> -> memref<1x1x50xi32, #tpu.memory_space<vmem>>
          %dma_wait3A_422 = tpu.memref_squeeze %dma_wait3A_421 : memref<1x1x50xi32, #tpu.memory_space<vmem>> -> memref<50xi32, #tpu.memory_space<vmem>>
          %dma_wait3A_423 = arith.constant 0 : i32
          %dma_wait3A_424 = arith.constant 0 : i32
          %dma_wait3A_425 = tpu.memref_slice %arg8[%dma_wait3A_423, %dma_wait3A_424] : memref<10240x128xf32, #tpu.memory_space<vmem_shared>> -> memref<10240x128xf32, #tpu.memory_space<vmem_shared>>
          tpu.wait_indirect_dma semaphore(%run_scoped3A_405 : memref<!tpu.dma_semaphore, #tpu.memory_space<semaphore_mem>>) src(%dma_wait3A_419 : memref<50x128xf32, #tpu.memory_space<vmem>>) dst(%dma_wait3A_425 : memref<10240x128xf32, #tpu.memory_space<vmem_shared>>)
          tpu.yield
        }) : () -> ()
        %add3A_234 = arith.constant 0 : i32
        %add3A_235 = arith.addi %add3A_214, %add3A_234 : i32
        %add3A_236 = arith.constant 5 : i32
        %add3A_237 = arith.addi %add3A_235, %add3A_236 : i32
        %dma_start3A_238 = arith.constant 0 : i32
        %dma_start3A_239 = arith.constant 0 : i32
        %dma_start3A_240 = arith.constant 0 : i32
        %dma_start3A_241 = tpu.memref_slice %arg6[%scan3A_100, %dma_start3A_239, %dma_start3A_240] : memref<5x50x128xf32, #tpu.memory_space<vmem>> -> memref<1x50x128xf32, #tpu.memory_space<vmem>>
        %dma_start3A_242 = tpu.memref_squeeze %dma_start3A_241 : memref<1x50x128xf32, #tpu.memory_space<vmem>> -> memref<50x128xf32, #tpu.memory_space<vmem>>
        %dma_start3A_243 = arith.constant 0 : i32
        %dma_start3A_244 = tpu.memref_slice %arg5[%dma_start3A_238, %add3A_237, %dma_start3A_243] : memref<2x40x50xi32, #tpu.memory_space<vmem>> -> memref<1x1x50xi32, #tpu.memory_space<vmem>>
        %dma_start3A_245 = tpu.memref_squeeze %dma_start3A_244 : memref<1x1x50xi32, #tpu.memory_space<vmem>> -> memref<50xi32, #tpu.memory_space<vmem>>
        %dma_start3A_246 = arith.constant 0 : i32
        %dma_start3A_247 = arith.constant 0 : i32
        %dma_start3A_248 = tpu.memref_slice %arg2[%arg0, %dma_start3A_246, %dma_start3A_247] : memref<2x10000x128xf32, #tpu.memory_space<hbm>> -> memref<1x10000x128xf32, #tpu.memory_space<hbm>>
        %dma_start3A_249 = tpu.memref_squeeze %dma_start3A_248 : memref<1x10000x128xf32, #tpu.memory_space<hbm>> -> memref<10000x128xf32, #tpu.memory_space<hbm>>
        %dma_start3A_250 = arith.constant 0 : i32
        %dma_start3A_251 = arith.constant 0 : i32
        %dma_start3A_252 = tpu.memref_slice %dma_start3A_249[%dma_start3A_250, %dma_start3A_251] : memref<10000x128xf32, #tpu.memory_space<hbm>> -> memref<10000x128xf32, #tpu.memory_space<hbm>>
        tpu.enqueue_indirect_dma source(%dma_start3A_252 : memref<10000x128xf32, #tpu.memory_space<hbm>>) target(%dma_start3A_242 : memref<50x128xf32, #tpu.memory_space<vmem>>) offsets(%dma_start3A_245 : memref<50xi32, #tpu.memory_space<vmem>>) semaphore(%arg9 : memref<!tpu.dma_semaphore, #tpu.memory_space<semaphore_mem>>)
        %dma_wait3A_253 = arith.constant 0 : i32
        %dma_wait3A_254 = arith.constant 0 : i32
        %dma_wait3A_255 = arith.constant 0 : i32
        %dma_wait3A_256 = arith.constant 0 : i32
        %dma_wait3A_257 = tpu.memref_slice %arg6[%scan3A_101, %dma_wait3A_255, %dma_wait3A_256] : memref<5x50x128xf32, #tpu.memory_space<vmem>> -> memref<1x50x128xf32, #tpu.memory_space<vmem>>
        %dma_wait3A_258 = tpu.memref_squeeze %dma_wait3A_257 : memref<1x50x128xf32, #tpu.memory_space<vmem>> -> memref<50x128xf32, #tpu.memory_space<vmem>>
        %dma_wait3A_259 = arith.constant 0 : i32
        %dma_wait3A_260 = tpu.memref_slice %arg5[%dma_wait3A_253, %dma_wait3A_254, %dma_wait3A_259] : memref<2x40x50xi32, #tpu.memory_space<vmem>> -> memref<1x1x50xi32, #tpu.memory_space<vmem>>
        %dma_wait3A_261 = tpu.memref_squeeze %dma_wait3A_260 : memref<1x1x50xi32, #tpu.memory_space<vmem>> -> memref<50xi32, #tpu.memory_space<vmem>>
        %dma_wait3A_262 = arith.constant 0 : i32
        %dma_wait3A_263 = arith.constant 0 : i32
        %dma_wait3A_264 = tpu.memref_slice %arg2[%arg0, %dma_wait3A_262, %dma_wait3A_263] : memref<2x10000x128xf32, #tpu.memory_space<hbm>> -> memref<1x10000x128xf32, #tpu.memory_space<hbm>>
        %dma_wait3A_265 = tpu.memref_squeeze %dma_wait3A_264 : memref<1x10000x128xf32, #tpu.memory_space<hbm>> -> memref<10000x128xf32, #tpu.memory_space<hbm>>
        %dma_wait3A_266 = arith.constant 0 : i32
        %dma_wait3A_267 = arith.constant 0 : i32
        %dma_wait3A_268 = tpu.memref_slice %dma_wait3A_265[%dma_wait3A_266, %dma_wait3A_267] : memref<10000x128xf32, #tpu.memory_space<hbm>> -> memref<10000x128xf32, #tpu.memory_space<hbm>>
        tpu.wait_indirect_dma semaphore(%arg10 : memref<!tpu.dma_semaphore, #tpu.memory_space<semaphore_mem>>) src(%dma_wait3A_268 : memref<10000x128xf32, #tpu.memory_space<hbm>>) dst(%dma_wait3A_258 : memref<50x128xf32, #tpu.memory_space<vmem>>)
        %add3A_269 = arith.constant 1 : i32
        %add3A_270 = arith.addi %add3A_214, %add3A_269 : i32
        %run_scoped3A_271 = arith.constant 1 : i32
        "tpu.region"() ({
          %run_scoped3A_405 = tpu.sem_alloc : memref<!tpu.dma_semaphore, #tpu.memory_space<semaphore_mem>>
          %dma_start3A_406 = arith.constant 0 : i32
          %dma_start3A_407 = arith.constant 0 : i32
          %dma_start3A_408 = tpu.memref_slice %arg6[%scan3A_101, %dma_start3A_406, %dma_start3A_407] : memref<5x50x128xf32, #tpu.memory_space<vmem>> -> memref<1x50x128xf32, #tpu.memory_space<vmem>>
          %dma_start3A_409 = tpu.memref_squeeze %dma_start3A_408 : memref<1x50x128xf32, #tpu.memory_space<vmem>> -> memref<50x128xf32, #tpu.memory_space<vmem>>
          %dma_start3A_410 = arith.constant 0 : i32
          %dma_start3A_411 = tpu.memref_slice %arg5[%run_scoped3A_271, %add3A_270, %dma_start3A_410] : memref<2x40x50xi32, #tpu.memory_space<vmem>> -> memref<1x1x50xi32, #tpu.memory_space<vmem>>
          %dma_start3A_412 = tpu.memref_squeeze %dma_start3A_411 : memref<1x1x50xi32, #tpu.memory_space<vmem>> -> memref<50xi32, #tpu.memory_space<vmem>>
          %dma_start3A_413 = arith.constant 0 : i32
          %dma_start3A_414 = arith.constant 0 : i32
          %dma_start3A_415 = tpu.memref_slice %arg8[%dma_start3A_413, %dma_start3A_414] : memref<10240x128xf32, #tpu.memory_space<vmem_shared>> -> memref<10240x128xf32, #tpu.memory_space<vmem_shared>>
          tpu.enqueue_indirect_dma source(%dma_start3A_409 : memref<50x128xf32, #tpu.memory_space<vmem>>) target(%dma_start3A_415 : memref<10240x128xf32, #tpu.memory_space<vmem_shared>>) offsets(%dma_start3A_412 : memref<50xi32, #tpu.memory_space<vmem>>) semaphore(%run_scoped3A_405 : memref<!tpu.dma_semaphore, #tpu.memory_space<semaphore_mem>>) {add = true}
          %dma_wait3A_416 = arith.constant 0 : i32
          %dma_wait3A_417 = arith.constant 0 : i32
          %dma_wait3A_418 = tpu.memref_slice %arg6[%scan3A_101, %dma_wait3A_416, %dma_wait3A_417] : memref<5x50x128xf32, #tpu.memory_space<vmem>> -> memref<1x50x128xf32, #tpu.memory_space<vmem>>
          %dma_wait3A_419 = tpu.memref_squeeze %dma_wait3A_418 : memref<1x50x128xf32, #tpu.memory_space<vmem>> -> memref<50x128xf32, #tpu.memory_space<vmem>>
          %dma_wait3A_420 = arith.constant 0 : i32
          %dma_wait3A_421 = tpu.memref_slice %arg5[%run_scoped3A_271, %add3A_270, %dma_wait3A_420] : memref<2x40x50xi32, #tpu.memory_space<vmem>> -> memref<1x1x50xi32, #tpu.memory_space<vmem>>
          %dma_wait3A_422 = tpu.memref_squeeze %dma_wait3A_421 : memref<1x1x50xi32, #tpu.memory_space<vmem>> -> memref<50xi32, #tpu.memory_space<vmem>>
          %dma_wait3A_423 = arith.constant 0 : i32
          %dma_wait3A_424 = arith.constant 0 : i32
          %dma_wait3A_425 = tpu.memref_slice %arg8[%dma_wait3A_423, %dma_wait3A_424] : memref<10240x128xf32, #tpu.memory_space<vmem_shared>> -> memref<10240x128xf32, #tpu.memory_space<vmem_shared>>
          tpu.wait_indirect_dma semaphore(%run_scoped3A_405 : memref<!tpu.dma_semaphore, #tpu.memory_space<semaphore_mem>>) src(%dma_wait3A_419 : memref<50x128xf32, #tpu.memory_space<vmem>>) dst(%dma_wait3A_425 : memref<10240x128xf32, #tpu.memory_space<vmem_shared>>)
          tpu.yield
        }) : () -> ()
        %add3A_272 = arith.constant 1 : i32
        %add3A_273 = arith.addi %add3A_214, %add3A_272 : i32
        %add3A_274 = arith.constant 5 : i32
        %add3A_275 = arith.addi %add3A_273, %add3A_274 : i32
        %dma_start3A_276 = arith.constant 0 : i32
        %dma_start3A_277 = arith.constant 0 : i32
        %dma_start3A_278 = arith.constant 0 : i32
        %dma_start3A_279 = tpu.memref_slice %arg6[%scan3A_101, %dma_start3A_277, %dma_start3A_278] : memref<5x50x128xf32, #tpu.memory_space<vmem>> -> memref<1x50x128xf32, #tpu.memory_space<vmem>>
        %dma_start3A_280 = tpu.memref_squeeze %dma_start3A_279 : memref<1x50x128xf32, #tpu.memory_space<vmem>> -> memref<50x128xf32, #tpu.memory_space<vmem>>
        %dma_start3A_281 = arith.constant 0 : i32
        %dma_start3A_282 = tpu.memref_slice %arg5[%dma_start3A_276, %add3A_275, %dma_start3A_281] : memref<2x40x50xi32, #tpu.memory_space<vmem>> -> memref<1x1x50xi32, #tpu.memory_space<vmem>>
        %dma_start3A_283 = tpu.memref_squeeze %dma_start3A_282 : memref<1x1x50xi32, #tpu.memory_space<vmem>> -> memref<50xi32, #tpu.memory_space<vmem>>
        %dma_start3A_284 = arith.constant 0 : i32
        %dma_start3A_285 = arith.constant 0 : i32
        %dma_start3A_286 = tpu.memref_slice %arg2[%arg0, %dma_start3A_284, %dma_start3A_285] : memref<2x10000x128xf32, #tpu.memory_space<hbm>> -> memref<1x10000x128xf32, #tpu.memory_space<hbm>>
        %dma_start3A_287 = tpu.memref_squeeze %dma_start3A_286 : memref<1x10000x128xf32, #tpu.memory_space<hbm>> -> memref<10000x128xf32, #tpu.memory_space<hbm>>
        %dma_start3A_288 = arith.constant 0 : i32
        %dma_start3A_289 = arith.constant 0 : i32
        %dma_start3A_290 = tpu.memref_slice %dma_start3A_287[%dma_start3A_288, %dma_start3A_289] : memref<10000x128xf32, #tpu.memory_space<hbm>> -> memref<10000x128xf32, #tpu.memory_space<hbm>>
        tpu.enqueue_indirect_dma source(%dma_start3A_290 : memref<10000x128xf32, #tpu.memory_space<hbm>>) target(%dma_start3A_280 : memref<50x128xf32, #tpu.memory_space<vmem>>) offsets(%dma_start3A_283 : memref<50xi32, #tpu.memory_space<vmem>>) semaphore(%arg10 : memref<!tpu.dma_semaphore, #tpu.memory_space<semaphore_mem>>)
        %dma_wait3A_291 = arith.constant 0 : i32
        %dma_wait3A_292 = arith.constant 0 : i32
        %dma_wait3A_293 = arith.constant 0 : i32
        %dma_wait3A_294 = arith.constant 0 : i32
        %dma_wait3A_295 = tpu.memref_slice %arg6[%scan3A_102, %dma_wait3A_293, %dma_wait3A_294] : memref<5x50x128xf32, #tpu.memory_space<vmem>> -> memref<1x50x128xf32, #tpu.memory_space<vmem>>
        %dma_wait3A_296 = tpu.memref_squeeze %dma_wait3A_295 : memref<1x50x128xf32, #tpu.memory_space<vmem>> -> memref<50x128xf32, #tpu.memory_space<vmem>>
        %dma_wait3A_297 = arith.constant 0 : i32
        %dma_wait3A_298 = tpu.memref_slice %arg5[%dma_wait3A_291, %dma_wait3A_292, %dma_wait3A_297] : memref<2x40x50xi32, #tpu.memory_space<vmem>> -> memref<1x1x50xi32, #tpu.memory_space<vmem>>
        %dma_wait3A_299 = tpu.memref_squeeze %dma_wait3A_298 : memref<1x1x50xi32, #tpu.memory_space<vmem>> -> memref<50xi32, #tpu.memory_space<vmem>>
        %dma_wait3A_300 = arith.constant 0 : i32
        %dma_wait3A_301 = arith.constant 0 : i32
        %dma_wait3A_302 = tpu.memref_slice %arg2[%arg0, %dma_wait3A_300, %dma_wait3A_301] : memref<2x10000x128xf32, #tpu.memory_space<hbm>> -> memref<1x10000x128xf32, #tpu.memory_space<hbm>>
        %dma_wait3A_303 = tpu.memref_squeeze %dma_wait3A_302 : memref<1x10000x128xf32, #tpu.memory_space<hbm>> -> memref<10000x128xf32, #tpu.memory_space<hbm>>
        %dma_wait3A_304 = arith.constant 0 : i32
        %dma_wait3A_305 = arith.constant 0 : i32
        %dma_wait3A_306 = tpu.memref_slice %dma_wait3A_303[%dma_wait3A_304, %dma_wait3A_305] : memref<10000x128xf32, #tpu.memory_space<hbm>> -> memref<10000x128xf32, #tpu.memory_space<hbm>>
        tpu.wait_indirect_dma semaphore(%arg11 : memref<!tpu.dma_semaphore, #tpu.memory_space<semaphore_mem>>) src(%dma_wait3A_306 : memref<10000x128xf32, #tpu.memory_space<hbm>>) dst(%dma_wait3A_296 : memref<50x128xf32, #tpu.memory_space<vmem>>)
        %add3A_307 = arith.constant 2 : i32
        %add3A_308 = arith.addi %add3A_214, %add3A_307 : i32
        %run_scoped3A_309 = arith.constant 1 : i32
        "tpu.region"() ({
          %run_scoped3A_405 = tpu.sem_alloc : memref<!tpu.dma_semaphore, #tpu.memory_space<semaphore_mem>>
          %dma_start3A_406 = arith.constant 0 : i32
          %dma_start3A_407 = arith.constant 0 : i32
          %dma_start3A_408 = tpu.memref_slice %arg6[%scan3A_102, %dma_start3A_406, %dma_start3A_407] : memref<5x50x128xf32, #tpu.memory_space<vmem>> -> memref<1x50x128xf32, #tpu.memory_space<vmem>>
          %dma_start3A_409 = tpu.memref_squeeze %dma_start3A_408 : memref<1x50x128xf32, #tpu.memory_space<vmem>> -> memref<50x128xf32, #tpu.memory_space<vmem>>
          %dma_start3A_410 = arith.constant 0 : i32
          %dma_start3A_411 = tpu.memref_slice %arg5[%run_scoped3A_309, %add3A_308, %dma_start3A_410] : memref<2x40x50xi32, #tpu.memory_space<vmem>> -> memref<1x1x50xi32, #tpu.memory_space<vmem>>
          %dma_start3A_412 = tpu.memref_squeeze %dma_start3A_411 : memref<1x1x50xi32, #tpu.memory_space<vmem>> -> memref<50xi32, #tpu.memory_space<vmem>>
          %dma_start3A_413 = arith.constant 0 : i32
          %dma_start3A_414 = arith.constant 0 : i32
          %dma_start3A_415 = tpu.memref_slice %arg8[%dma_start3A_413, %dma_start3A_414] : memref<10240x128xf32, #tpu.memory_space<vmem_shared>> -> memref<10240x128xf32, #tpu.memory_space<vmem_shared>>
          tpu.enqueue_indirect_dma source(%dma_start3A_409 : memref<50x128xf32, #tpu.memory_space<vmem>>) target(%dma_start3A_415 : memref<10240x128xf32, #tpu.memory_space<vmem_shared>>) offsets(%dma_start3A_412 : memref<50xi32, #tpu.memory_space<vmem>>) semaphore(%run_scoped3A_405 : memref<!tpu.dma_semaphore, #tpu.memory_space<semaphore_mem>>) {add = true}
          %dma_wait3A_416 = arith.constant 0 : i32
          %dma_wait3A_417 = arith.constant 0 : i32
          %dma_wait3A_418 = tpu.memref_slice %arg6[%scan3A_102, %dma_wait3A_416, %dma_wait3A_417] : memref<5x50x128xf32, #tpu.memory_space<vmem>> -> memref<1x50x128xf32, #tpu.memory_space<vmem>>
          %dma_wait3A_419 = tpu.memref_squeeze %dma_wait3A_418 : memref<1x50x128xf32, #tpu.memory_space<vmem>> -> memref<50x128xf32, #tpu.memory_space<vmem>>
          %dma_wait3A_420 = arith.constant 0 : i32
          %dma_wait3A_421 = tpu.memref_slice %arg5[%run_scoped3A_309, %add3A_308, %dma_wait3A_420] : memref<2x40x50xi32, #tpu.memory_space<vmem>> -> memref<1x1x50xi32, #tpu.memory_space<vmem>>
          %dma_wait3A_422 = tpu.memref_squeeze %dma_wait3A_421 : memref<1x1x50xi32, #tpu.memory_space<vmem>> -> memref<50xi32, #tpu.memory_space<vmem>>
          %dma_wait3A_423 = arith.constant 0 : i32
          %dma_wait3A_424 = arith.constant 0 : i32
          %dma_wait3A_425 = tpu.memref_slice %arg8[%dma_wait3A_423, %dma_wait3A_424] : memref<10240x128xf32, #tpu.memory_space<vmem_shared>> -> memref<10240x128xf32, #tpu.memory_space<vmem_shared>>
          tpu.wait_indirect_dma semaphore(%run_scoped3A_405 : memref<!tpu.dma_semaphore, #tpu.memory_space<semaphore_mem>>) src(%dma_wait3A_419 : memref<50x128xf32, #tpu.memory_space<vmem>>) dst(%dma_wait3A_425 : memref<10240x128xf32, #tpu.memory_space<vmem_shared>>)
          tpu.yield
        }) : () -> ()
        %add3A_310 = arith.constant 2 : i32
        %add3A_311 = arith.addi %add3A_214, %add3A_310 : i32
        %add3A_312 = arith.constant 5 : i32
        %add3A_313 = arith.addi %add3A_311, %add3A_312 : i32
        %dma_start3A_314 = arith.constant 0 : i32
        %dma_start3A_315 = arith.constant 0 : i32
        %dma_start3A_316 = arith.constant 0 : i32
        %dma_start3A_317 = tpu.memref_slice %arg6[%scan3A_102, %dma_start3A_315, %dma_start3A_316] : memref<5x50x128xf32, #tpu.memory_space<vmem>> -> memref<1x50x128xf32, #tpu.memory_space<vmem>>
        %dma_start3A_318 = tpu.memref_squeeze %dma_start3A_317 : memref<1x50x128xf32, #tpu.memory_space<vmem>> -> memref<50x128xf32, #tpu.memory_space<vmem>>
        %dma_start3A_319 = arith.constant 0 : i32
        %dma_start3A_320 = tpu.memref_slice %arg5[%dma_start3A_314, %add3A_313, %dma_start3A_319] : memref<2x40x50xi32, #tpu.memory_space<vmem>> -> memref<1x1x50xi32, #tpu.memory_space<vmem>>
        %dma_start3A_321 = tpu.memref_squeeze %dma_start3A_320 : memref<1x1x50xi32, #tpu.memory_space<vmem>> -> memref<50xi32, #tpu.memory_space<vmem>>
        %dma_start3A_322 = arith.constant 0 : i32
        %dma_start3A_323 = arith.constant 0 : i32
        %dma_start3A_324 = tpu.memref_slice %arg2[%arg0, %dma_start3A_322, %dma_start3A_323] : memref<2x10000x128xf32, #tpu.memory_space<hbm>> -> memref<1x10000x128xf32, #tpu.memory_space<hbm>>
        %dma_start3A_325 = tpu.memref_squeeze %dma_start3A_324 : memref<1x10000x128xf32, #tpu.memory_space<hbm>> -> memref<10000x128xf32, #tpu.memory_space<hbm>>
        %dma_start3A_326 = arith.constant 0 : i32
        %dma_start3A_327 = arith.constant 0 : i32
        %dma_start3A_328 = tpu.memref_slice %dma_start3A_325[%dma_start3A_326, %dma_start3A_327] : memref<10000x128xf32, #tpu.memory_space<hbm>> -> memref<10000x128xf32, #tpu.memory_space<hbm>>
        tpu.enqueue_indirect_dma source(%dma_start3A_328 : memref<10000x128xf32, #tpu.memory_space<hbm>>) target(%dma_start3A_318 : memref<50x128xf32, #tpu.memory_space<vmem>>) offsets(%dma_start3A_321 : memref<50xi32, #tpu.memory_space<vmem>>) semaphore(%arg11 : memref<!tpu.dma_semaphore, #tpu.memory_space<semaphore_mem>>)
        %dma_wait3A_329 = arith.constant 0 : i32
        %dma_wait3A_330 = arith.constant 0 : i32
        %dma_wait3A_331 = arith.constant 0 : i32
        %dma_wait3A_332 = arith.constant 0 : i32
        %dma_wait3A_333 = tpu.memref_slice %arg6[%scan3A_103, %dma_wait3A_331, %dma_wait3A_332] : memref<5x50x128xf32, #tpu.memory_space<vmem>> -> memref<1x50x128xf32, #tpu.memory_space<vmem>>
        %dma_wait3A_334 = tpu.memref_squeeze %dma_wait3A_333 : memref<1x50x128xf32, #tpu.memory_space<vmem>> -> memref<50x128xf32, #tpu.memory_space<vmem>>
        %dma_wait3A_335 = arith.constant 0 : i32
        %dma_wait3A_336 = tpu.memref_slice %arg5[%dma_wait3A_329, %dma_wait3A_330, %dma_wait3A_335] : memref<2x40x50xi32, #tpu.memory_space<vmem>> -> memref<1x1x50xi32, #tpu.memory_space<vmem>>
        %dma_wait3A_337 = tpu.memref_squeeze %dma_wait3A_336 : memref<1x1x50xi32, #tpu.memory_space<vmem>> -> memref<50xi32, #tpu.memory_space<vmem>>
        %dma_wait3A_338 = arith.constant 0 : i32
        %dma_wait3A_339 = arith.constant 0 : i32
        %dma_wait3A_340 = tpu.memref_slice %arg2[%arg0, %dma_wait3A_338, %dma_wait3A_339] : memref<2x10000x128xf32, #tpu.memory_space<hbm>> -> memref<1x10000x128xf32, #tpu.memory_space<hbm>>
        %dma_wait3A_341 = tpu.memref_squeeze %dma_wait3A_340 : memref<1x10000x128xf32, #tpu.memory_space<hbm>> -> memref<10000x128xf32, #tpu.memory_space<hbm>>
        %dma_wait3A_342 = arith.constant 0 : i32
        %dma_wait3A_343 = arith.constant 0 : i32
        %dma_wait3A_344 = tpu.memref_slice %dma_wait3A_341[%dma_wait3A_342, %dma_wait3A_343] : memref<10000x128xf32, #tpu.memory_space<hbm>> -> memref<10000x128xf32, #tpu.memory_space<hbm>>
        tpu.wait_indirect_dma semaphore(%arg12 : memref<!tpu.dma_semaphore, #tpu.memory_space<semaphore_mem>>) src(%dma_wait3A_344 : memref<10000x128xf32, #tpu.memory_space<hbm>>) dst(%dma_wait3A_334 : memref<50x128xf32, #tpu.memory_space<vmem>>)
        %add3A_345 = arith.constant 3 : i32
        %add3A_346 = arith.addi %add3A_214, %add3A_345 : i32
        %run_scoped3A_347 = arith.constant 1 : i32
        "tpu.region"() ({
          %run_scoped3A_405 = tpu.sem_alloc : memref<!tpu.dma_semaphore, #tpu.memory_space<semaphore_mem>>
          %dma_start3A_406 = arith.constant 0 : i32
          %dma_start3A_407 = arith.constant 0 : i32
          %dma_start3A_408 = tpu.memref_slice %arg6[%scan3A_103, %dma_start3A_406, %dma_start3A_407] : memref<5x50x128xf32, #tpu.memory_space<vmem>> -> memref<1x50x128xf32, #tpu.memory_space<vmem>>
          %dma_start3A_409 = tpu.memref_squeeze %dma_start3A_408 : memref<1x50x128xf32, #tpu.memory_space<vmem>> -> memref<50x128xf32, #tpu.memory_space<vmem>>
          %dma_start3A_410 = arith.constant 0 : i32
          %dma_start3A_411 = tpu.memref_slice %arg5[%run_scoped3A_347, %add3A_346, %dma_start3A_410] : memref<2x40x50xi32, #tpu.memory_space<vmem>> -> memref<1x1x50xi32, #tpu.memory_space<vmem>>
          %dma_start3A_412 = tpu.memref_squeeze %dma_start3A_411 : memref<1x1x50xi32, #tpu.memory_space<vmem>> -> memref<50xi32, #tpu.memory_space<vmem>>
          %dma_start3A_413 = arith.constant 0 : i32
          %dma_start3A_414 = arith.constant 0 : i32
          %dma_start3A_415 = tpu.memref_slice %arg8[%dma_start3A_413, %dma_start3A_414] : memref<10240x128xf32, #tpu.memory_space<vmem_shared>> -> memref<10240x128xf32, #tpu.memory_space<vmem_shared>>
          tpu.enqueue_indirect_dma source(%dma_start3A_409 : memref<50x128xf32, #tpu.memory_space<vmem>>) target(%dma_start3A_415 : memref<10240x128xf32, #tpu.memory_space<vmem_shared>>) offsets(%dma_start3A_412 : memref<50xi32, #tpu.memory_space<vmem>>) semaphore(%run_scoped3A_405 : memref<!tpu.dma_semaphore, #tpu.memory_space<semaphore_mem>>) {add = true}
          %dma_wait3A_416 = arith.constant 0 : i32
          %dma_wait3A_417 = arith.constant 0 : i32
          %dma_wait3A_418 = tpu.memref_slice %arg6[%scan3A_103, %dma_wait3A_416, %dma_wait3A_417] : memref<5x50x128xf32, #tpu.memory_space<vmem>> -> memref<1x50x128xf32, #tpu.memory_space<vmem>>
          %dma_wait3A_419 = tpu.memref_squeeze %dma_wait3A_418 : memref<1x50x128xf32, #tpu.memory_space<vmem>> -> memref<50x128xf32, #tpu.memory_space<vmem>>
          %dma_wait3A_420 = arith.constant 0 : i32
          %dma_wait3A_421 = tpu.memref_slice %arg5[%run_scoped3A_347, %add3A_346, %dma_wait3A_420] : memref<2x40x50xi32, #tpu.memory_space<vmem>> -> memref<1x1x50xi32, #tpu.memory_space<vmem>>
          %dma_wait3A_422 = tpu.memref_squeeze %dma_wait3A_421 : memref<1x1x50xi32, #tpu.memory_space<vmem>> -> memref<50xi32, #tpu.memory_space<vmem>>
          %dma_wait3A_423 = arith.constant 0 : i32
          %dma_wait3A_424 = arith.constant 0 : i32
          %dma_wait3A_425 = tpu.memref_slice %arg8[%dma_wait3A_423, %dma_wait3A_424] : memref<10240x128xf32, #tpu.memory_space<vmem_shared>> -> memref<10240x128xf32, #tpu.memory_space<vmem_shared>>
          tpu.wait_indirect_dma semaphore(%run_scoped3A_405 : memref<!tpu.dma_semaphore, #tpu.memory_space<semaphore_mem>>) src(%dma_wait3A_419 : memref<50x128xf32, #tpu.memory_space<vmem>>) dst(%dma_wait3A_425 : memref<10240x128xf32, #tpu.memory_space<vmem_shared>>)
          tpu.yield
        }) : () -> ()
        %add3A_348 = arith.constant 3 : i32
        %add3A_349 = arith.addi %add3A_214, %add3A_348 : i32
        %add3A_350 = arith.constant 5 : i32
        %add3A_351 = arith.addi %add3A_349, %add3A_350 : i32
        %dma_start3A_352 = arith.constant 0 : i32
        %dma_start3A_353 = arith.constant 0 : i32
        %dma_start3A_354 = arith.constant 0 : i32
        %dma_start3A_355 = tpu.memref_slice %arg6[%scan3A_103, %dma_start3A_353, %dma_start3A_354] : memref<5x50x128xf32, #tpu.memory_space<vmem>> -> memref<1x50x128xf32, #tpu.memory_space<vmem>>
        %dma_start3A_356 = tpu.memref_squeeze %dma_start3A_355 : memref<1x50x128xf32, #tpu.memory_space<vmem>> -> memref<50x128xf32, #tpu.memory_space<vmem>>
        %dma_start3A_357 = arith.constant 0 : i32
        %dma_start3A_358 = tpu.memref_slice %arg5[%dma_start3A_352, %add3A_351, %dma_start3A_357] : memref<2x40x50xi32, #tpu.memory_space<vmem>> -> memref<1x1x50xi32, #tpu.memory_space<vmem>>
        %dma_start3A_359 = tpu.memref_squeeze %dma_start3A_358 : memref<1x1x50xi32, #tpu.memory_space<vmem>> -> memref<50xi32, #tpu.memory_space<vmem>>
        %dma_start3A_360 = arith.constant 0 : i32
        %dma_start3A_361 = arith.constant 0 : i32
        %dma_start3A_362 = tpu.memref_slice %arg2[%arg0, %dma_start3A_360, %dma_start3A_361] : memref<2x10000x128xf32, #tpu.memory_space<hbm>> -> memref<1x10000x128xf32, #tpu.memory_space<hbm>>
        %dma_start3A_363 = tpu.memref_squeeze %dma_start3A_362 : memref<1x10000x128xf32, #tpu.memory_space<hbm>> -> memref<10000x128xf32, #tpu.memory_space<hbm>>
        %dma_start3A_364 = arith.constant 0 : i32
        %dma_start3A_365 = arith.constant 0 : i32
        %dma_start3A_366 = tpu.memref_slice %dma_start3A_363[%dma_start3A_364, %dma_start3A_365] : memref<10000x128xf32, #tpu.memory_space<hbm>> -> memref<10000x128xf32, #tpu.memory_space<hbm>>
        tpu.enqueue_indirect_dma source(%dma_start3A_366 : memref<10000x128xf32, #tpu.memory_space<hbm>>) target(%dma_start3A_356 : memref<50x128xf32, #tpu.memory_space<vmem>>) offsets(%dma_start3A_359 : memref<50xi32, #tpu.memory_space<vmem>>) semaphore(%arg12 : memref<!tpu.dma_semaphore, #tpu.memory_space<semaphore_mem>>)
        %dma_wait3A_367 = arith.constant 0 : i32
        %dma_wait3A_368 = arith.constant 0 : i32
        %dma_wait3A_369 = arith.constant 0 : i32
        %dma_wait3A_370 = arith.constant 0 : i32
        %dma_wait3A_371 = tpu.memref_slice %arg6[%scan3A_104, %dma_wait3A_369, %dma_wait3A_370] : memref<5x50x128xf32, #tpu.memory_space<vmem>> -> memref<1x50x128xf32, #tpu.memory_space<vmem>>
        %dma_wait3A_372 = tpu.memref_squeeze %dma_wait3A_371 : memref<1x50x128xf32, #tpu.memory_space<vmem>> -> memref<50x128xf32, #tpu.memory_space<vmem>>
        %dma_wait3A_373 = arith.constant 0 : i32
        %dma_wait3A_374 = tpu.memref_slice %arg5[%dma_wait3A_367, %dma_wait3A_368, %dma_wait3A_373] : memref<2x40x50xi32, #tpu.memory_space<vmem>> -> memref<1x1x50xi32, #tpu.memory_space<vmem>>
        %dma_wait3A_375 = tpu.memref_squeeze %dma_wait3A_374 : memref<1x1x50xi32, #tpu.memory_space<vmem>> -> memref<50xi32, #tpu.memory_space<vmem>>
        %dma_wait3A_376 = arith.constant 0 : i32
        %dma_wait3A_377 = arith.constant 0 : i32
        %dma_wait3A_378 = tpu.memref_slice %arg2[%arg0, %dma_wait3A_376, %dma_wait3A_377] : memref<2x10000x128xf32, #tpu.memory_space<hbm>> -> memref<1x10000x128xf32, #tpu.memory_space<hbm>>
        %dma_wait3A_379 = tpu.memref_squeeze %dma_wait3A_378 : memref<1x10000x128xf32, #tpu.memory_space<hbm>> -> memref<10000x128xf32, #tpu.memory_space<hbm>>
        %dma_wait3A_380 = arith.constant 0 : i32
        %dma_wait3A_381 = arith.constant 0 : i32
        %dma_wait3A_382 = tpu.memref_slice %dma_wait3A_379[%dma_wait3A_380, %dma_wait3A_381] : memref<10000x128xf32, #tpu.memory_space<hbm>> -> memref<10000x128xf32, #tpu.memory_space<hbm>>
        tpu.wait_indirect_dma semaphore(%arg13 : memref<!tpu.dma_semaphore, #tpu.memory_space<semaphore_mem>>) src(%dma_wait3A_382 : memref<10000x128xf32, #tpu.memory_space<hbm>>) dst(%dma_wait3A_372 : memref<50x128xf32, #tpu.memory_space<vmem>>)
        %add3A_383 = arith.constant 4 : i32
        %add3A_384 = arith.addi %add3A_214, %add3A_383 : i32
        %run_scoped3A_385 = arith.constant 1 : i32
        "tpu.region"() ({
          %run_scoped3A_405 = tpu.sem_alloc : memref<!tpu.dma_semaphore, #tpu.memory_space<semaphore_mem>>
          %dma_start3A_406 = arith.constant 0 : i32
          %dma_start3A_407 = arith.constant 0 : i32
          %dma_start3A_408 = tpu.memref_slice %arg6[%scan3A_104, %dma_start3A_406, %dma_start3A_407] : memref<5x50x128xf32, #tpu.memory_space<vmem>> -> memref<1x50x128xf32, #tpu.memory_space<vmem>>
          %dma_start3A_409 = tpu.memref_squeeze %dma_start3A_408 : memref<1x50x128xf32, #tpu.memory_space<vmem>> -> memref<50x128xf32, #tpu.memory_space<vmem>>
          %dma_start3A_410 = arith.constant 0 : i32
          %dma_start3A_411 = tpu.memref_slice %arg5[%run_scoped3A_385, %add3A_384, %dma_start3A_410] : memref<2x40x50xi32, #tpu.memory_space<vmem>> -> memref<1x1x50xi32, #tpu.memory_space<vmem>>
          %dma_start3A_412 = tpu.memref_squeeze %dma_start3A_411 : memref<1x1x50xi32, #tpu.memory_space<vmem>> -> memref<50xi32, #tpu.memory_space<vmem>>
          %dma_start3A_413 = arith.constant 0 : i32
          %dma_start3A_414 = arith.constant 0 : i32
          %dma_start3A_415 = tpu.memref_slice %arg8[%dma_start3A_413, %dma_start3A_414] : memref<10240x128xf32, #tpu.memory_space<vmem_shared>> -> memref<10240x128xf32, #tpu.memory_space<vmem_shared>>
          tpu.enqueue_indirect_dma source(%dma_start3A_409 : memref<50x128xf32, #tpu.memory_space<vmem>>) target(%dma_start3A_415 : memref<10240x128xf32, #tpu.memory_space<vmem_shared>>) offsets(%dma_start3A_412 : memref<50xi32, #tpu.memory_space<vmem>>) semaphore(%run_scoped3A_405 : memref<!tpu.dma_semaphore, #tpu.memory_space<semaphore_mem>>) {add = true}
          %dma_wait3A_416 = arith.constant 0 : i32
          %dma_wait3A_417 = arith.constant 0 : i32
          %dma_wait3A_418 = tpu.memref_slice %arg6[%scan3A_104, %dma_wait3A_416, %dma_wait3A_417] : memref<5x50x128xf32, #tpu.memory_space<vmem>> -> memref<1x50x128xf32, #tpu.memory_space<vmem>>
          %dma_wait3A_419 = tpu.memref_squeeze %dma_wait3A_418 : memref<1x50x128xf32, #tpu.memory_space<vmem>> -> memref<50x128xf32, #tpu.memory_space<vmem>>
          %dma_wait3A_420 = arith.constant 0 : i32
          %dma_wait3A_421 = tpu.memref_slice %arg5[%run_scoped3A_385, %add3A_384, %dma_wait3A_420] : memref<2x40x50xi32, #tpu.memory_space<vmem>> -> memref<1x1x50xi32, #tpu.memory_space<vmem>>
          %dma_wait3A_422 = tpu.memref_squeeze %dma_wait3A_421 : memref<1x1x50xi32, #tpu.memory_space<vmem>> -> memref<50xi32, #tpu.memory_space<vmem>>
          %dma_wait3A_423 = arith.constant 0 : i32
          %dma_wait3A_424 = arith.constant 0 : i32
          %dma_wait3A_425 = tpu.memref_slice %arg8[%dma_wait3A_423, %dma_wait3A_424] : memref<10240x128xf32, #tpu.memory_space<vmem_shared>> -> memref<10240x128xf32, #tpu.memory_space<vmem_shared>>
          tpu.wait_indirect_dma semaphore(%run_scoped3A_405 : memref<!tpu.dma_semaphore, #tpu.memory_space<semaphore_mem>>) src(%dma_wait3A_419 : memref<50x128xf32, #tpu.memory_space<vmem>>) dst(%dma_wait3A_425 : memref<10240x128xf32, #tpu.memory_space<vmem_shared>>)
          tpu.yield
        }) : () -> ()
        %add3A_386 = arith.constant 4 : i32
        %add3A_387 = arith.addi %add3A_214, %add3A_386 : i32
        %add3A_388 = arith.constant 5 : i32
        %add3A_389 = arith.addi %add3A_387, %add3A_388 : i32
        %dma_start3A_390 = arith.constant 0 : i32
        %dma_start3A_391 = arith.constant 0 : i32
        %dma_start3A_392 = arith.constant 0 : i32
        %dma_start3A_393 = tpu.memref_slice %arg6[%scan3A_104, %dma_start3A_391, %dma_start3A_392] : memref<5x50x128xf32, #tpu.memory_space<vmem>> -> memref<1x50x128xf32, #tpu.memory_space<vmem>>
        %dma_start3A_394 = tpu.memref_squeeze %dma_start3A_393 : memref<1x50x128xf32, #tpu.memory_space<vmem>> -> memref<50x128xf32, #tpu.memory_space<vmem>>
        %dma_start3A_395 = arith.constant 0 : i32
        %dma_start3A_396 = tpu.memref_slice %arg5[%dma_start3A_390, %add3A_389, %dma_start3A_395] : memref<2x40x50xi32, #tpu.memory_space<vmem>> -> memref<1x1x50xi32, #tpu.memory_space<vmem>>
        %dma_start3A_397 = tpu.memref_squeeze %dma_start3A_396 : memref<1x1x50xi32, #tpu.memory_space<vmem>> -> memref<50xi32, #tpu.memory_space<vmem>>
        %dma_start3A_398 = arith.constant 0 : i32
        %dma_start3A_399 = arith.constant 0 : i32
        %dma_start3A_400 = tpu.memref_slice %arg2[%arg0, %dma_start3A_398, %dma_start3A_399] : memref<2x10000x128xf32, #tpu.memory_space<hbm>> -> memref<1x10000x128xf32, #tpu.memory_space<hbm>>
        %dma_start3A_401 = tpu.memref_squeeze %dma_start3A_400 : memref<1x10000x128xf32, #tpu.memory_space<hbm>> -> memref<10000x128xf32, #tpu.memory_space<hbm>>
        %dma_start3A_402 = arith.constant 0 : i32
        %dma_start3A_403 = arith.constant 0 : i32
        %dma_start3A_404 = tpu.memref_slice %dma_start3A_401[%dma_start3A_402, %dma_start3A_403] : memref<10000x128xf32, #tpu.memory_space<hbm>> -> memref<10000x128xf32, #tpu.memory_space<hbm>>
        tpu.enqueue_indirect_dma source(%dma_start3A_404 : memref<10000x128xf32, #tpu.memory_space<hbm>>) target(%dma_start3A_394 : memref<50x128xf32, #tpu.memory_space<vmem>>) offsets(%dma_start3A_397 : memref<50xi32, #tpu.memory_space<vmem>>) semaphore(%arg13 : memref<!tpu.dma_semaphore, #tpu.memory_space<semaphore_mem>>)
      }
      %scan3A_121 = arith.constant 7 : i32
      %dma_wait3A = arith.constant 0 : i32
      %dma_wait3A_122 = arith.constant 0 : i32
      %dma_wait3A_123 = arith.constant 0 : i32
      %dma_wait3A_124 = arith.constant 0 : i32
      %dma_wait3A_125 = tpu.memref_slice %arg6[%scan3A_100, %dma_wait3A_123, %dma_wait3A_124] : memref<5x50x128xf32, #tpu.memory_space<vmem>> -> memref<1x50x128xf32, #tpu.memory_space<vmem>>
      %dma_wait3A_126 = tpu.memref_squeeze %dma_wait3A_125 : memref<1x50x128xf32, #tpu.memory_space<vmem>> -> memref<50x128xf32, #tpu.memory_space<vmem>>
      %dma_wait3A_127 = arith.constant 0 : i32
      %dma_wait3A_128 = tpu.memref_slice %arg5[%dma_wait3A, %dma_wait3A_122, %dma_wait3A_127] : memref<2x40x50xi32, #tpu.memory_space<vmem>> -> memref<1x1x50xi32, #tpu.memory_space<vmem>>
      %dma_wait3A_129 = tpu.memref_squeeze %dma_wait3A_128 : memref<1x1x50xi32, #tpu.memory_space<vmem>> -> memref<50xi32, #tpu.memory_space<vmem>>
      %dma_wait3A_130 = arith.constant 0 : i32
      %dma_wait3A_131 = arith.constant 0 : i32
      %dma_wait3A_132 = tpu.memref_slice %arg2[%arg0, %dma_wait3A_130, %dma_wait3A_131] : memref<2x10000x128xf32, #tpu.memory_space<hbm>> -> memref<1x10000x128xf32, #tpu.memory_space<hbm>>
      %dma_wait3A_133 = tpu.memref_squeeze %dma_wait3A_132 : memref<1x10000x128xf32, #tpu.memory_space<hbm>> -> memref<10000x128xf32, #tpu.memory_space<hbm>>
      %dma_wait3A_134 = arith.constant 0 : i32
      %dma_wait3A_135 = arith.constant 0 : i32
      %dma_wait3A_136 = tpu.memref_slice %dma_wait3A_133[%dma_wait3A_134, %dma_wait3A_135] : memref<10000x128xf32, #tpu.memory_space<hbm>> -> memref<10000x128xf32, #tpu.memory_space<hbm>>
      tpu.wait_indirect_dma semaphore(%arg9 : memref<!tpu.dma_semaphore, #tpu.memory_space<semaphore_mem>>) src(%dma_wait3A_136 : memref<10000x128xf32, #tpu.memory_space<hbm>>) dst(%dma_wait3A_126 : memref<50x128xf32, #tpu.memory_space<vmem>>)
      %run_scoped3A = arith.constant 1 : i32
      %run_scoped3A_137 = arith.constant 35 : i32
      "tpu.region"() ({
        %run_scoped3A_210 = tpu.sem_alloc : memref<!tpu.dma_semaphore, #tpu.memory_space<semaphore_mem>>
        %dma_start3A_211 = arith.constant 0 : i32
        %dma_start3A_212 = arith.constant 0 : i32
        %dma_start3A_213 = tpu.memref_slice %arg6[%scan3A_100, %dma_start3A_211, %dma_start3A_212] : memref<5x50x128xf32, #tpu.memory_space<vmem>> -> memref<1x50x128xf32, #tpu.memory_space<vmem>>
        %dma_start3A_214 = tpu.memref_squeeze %dma_start3A_213 : memref<1x50x128xf32, #tpu.memory_space<vmem>> -> memref<50x128xf32, #tpu.memory_space<vmem>>
        %dma_start3A_215 = arith.constant 0 : i32
        %dma_start3A_216 = tpu.memref_slice %arg5[%run_scoped3A, %run_scoped3A_137, %dma_start3A_215] : memref<2x40x50xi32, #tpu.memory_space<vmem>> -> memref<1x1x50xi32, #tpu.memory_space<vmem>>
        %dma_start3A_217 = tpu.memref_squeeze %dma_start3A_216 : memref<1x1x50xi32, #tpu.memory_space<vmem>> -> memref<50xi32, #tpu.memory_space<vmem>>
        %dma_start3A_218 = arith.constant 0 : i32
        %dma_start3A_219 = arith.constant 0 : i32
        %dma_start3A_220 = tpu.memref_slice %arg8[%dma_start3A_218, %dma_start3A_219] : memref<10240x128xf32, #tpu.memory_space<vmem_shared>> -> memref<10240x128xf32, #tpu.memory_space<vmem_shared>>
        tpu.enqueue_indirect_dma source(%dma_start3A_214 : memref<50x128xf32, #tpu.memory_space<vmem>>) target(%dma_start3A_220 : memref<10240x128xf32, #tpu.memory_space<vmem_shared>>) offsets(%dma_start3A_217 : memref<50xi32, #tpu.memory_space<vmem>>) semaphore(%run_scoped3A_210 : memref<!tpu.dma_semaphore, #tpu.memory_space<semaphore_mem>>) {add = true}
        %dma_wait3A_221 = arith.constant 0 : i32
        %dma_wait3A_222 = arith.constant 0 : i32
        %dma_wait3A_223 = tpu.memref_slice %arg6[%scan3A_100, %dma_wait3A_221, %dma_wait3A_222] : memref<5x50x128xf32, #tpu.memory_space<vmem>> -> memref<1x50x128xf32, #tpu.memory_space<vmem>>
        %dma_wait3A_224 = tpu.memref_squeeze %dma_wait3A_223 : memref<1x50x128xf32, #tpu.memory_space<vmem>> -> memref<50x128xf32, #tpu.memory_space<vmem>>
        %dma_wait3A_225 = arith.constant 0 : i32
        %dma_wait3A_226 = tpu.memref_slice %arg5[%run_scoped3A, %run_scoped3A_137, %dma_wait3A_225] : memref<2x40x50xi32, #tpu.memory_space<vmem>> -> memref<1x1x50xi32, #tpu.memory_space<vmem>>
        %dma_wait3A_227 = tpu.memref_squeeze %dma_wait3A_226 : memref<1x1x50xi32, #tpu.memory_space<vmem>> -> memref<50xi32, #tpu.memory_space<vmem>>
        %dma_wait3A_228 = arith.constant 0 : i32
        %dma_wait3A_229 = arith.constant 0 : i32
        %dma_wait3A_230 = tpu.memref_slice %arg8[%dma_wait3A_228, %dma_wait3A_229] : memref<10240x128xf32, #tpu.memory_space<vmem_shared>> -> memref<10240x128xf32, #tpu.memory_space<vmem_shared>>
        tpu.wait_indirect_dma semaphore(%run_scoped3A_210 : memref<!tpu.dma_semaphore, #tpu.memory_space<semaphore_mem>>) src(%dma_wait3A_224 : memref<50x128xf32, #tpu.memory_space<vmem>>) dst(%dma_wait3A_230 : memref<10240x128xf32, #tpu.memory_space<vmem_shared>>)
        tpu.yield
      }) : () -> ()
      %dma_wait3A_138 = arith.constant 0 : i32
      %dma_wait3A_139 = arith.constant 0 : i32
      %dma_wait3A_140 = arith.constant 0 : i32
      %dma_wait3A_141 = arith.constant 0 : i32
      %dma_wait3A_142 = tpu.memref_slice %arg6[%scan3A_101, %dma_wait3A_140, %dma_wait3A_141] : memref<5x50x128xf32, #tpu.memory_space<vmem>> -> memref<1x50x128xf32, #tpu.memory_space<vmem>>
      %dma_wait3A_143 = tpu.memref_squeeze %dma_wait3A_142 : memref<1x50x128xf32, #tpu.memory_space<vmem>> -> memref<50x128xf32, #tpu.memory_space<vmem>>
      %dma_wait3A_144 = arith.constant 0 : i32
      %dma_wait3A_145 = tpu.memref_slice %arg5[%dma_wait3A_138, %dma_wait3A_139, %dma_wait3A_144] : memref<2x40x50xi32, #tpu.memory_space<vmem>> -> memref<1x1x50xi32, #tpu.memory_space<vmem>>
      %dma_wait3A_146 = tpu.memref_squeeze %dma_wait3A_145 : memref<1x1x50xi32, #tpu.memory_space<vmem>> -> memref<50xi32, #tpu.memory_space<vmem>>
      %dma_wait3A_147 = arith.constant 0 : i32
      %dma_wait3A_148 = arith.constant 0 : i32
      %dma_wait3A_149 = tpu.memref_slice %arg2[%arg0, %dma_wait3A_147, %dma_wait3A_148] : memref<2x10000x128xf32, #tpu.memory_space<hbm>> -> memref<1x10000x128xf32, #tpu.memory_space<hbm>>
      %dma_wait3A_150 = tpu.memref_squeeze %dma_wait3A_149 : memref<1x10000x128xf32, #tpu.memory_space<hbm>> -> memref<10000x128xf32, #tpu.memory_space<hbm>>
      %dma_wait3A_151 = arith.constant 0 : i32
      %dma_wait3A_152 = arith.constant 0 : i32
      %dma_wait3A_153 = tpu.memref_slice %dma_wait3A_150[%dma_wait3A_151, %dma_wait3A_152] : memref<10000x128xf32, #tpu.memory_space<hbm>> -> memref<10000x128xf32, #tpu.memory_space<hbm>>
      tpu.wait_indirect_dma semaphore(%arg10 : memref<!tpu.dma_semaphore, #tpu.memory_space<semaphore_mem>>) src(%dma_wait3A_153 : memref<10000x128xf32, #tpu.memory_space<hbm>>) dst(%dma_wait3A_143 : memref<50x128xf32, #tpu.memory_space<vmem>>)
      %run_scoped3A_154 = arith.constant 1 : i32
      %run_scoped3A_155 = arith.constant 36 : i32
      "tpu.region"() ({
        %run_scoped3A_210 = tpu.sem_alloc : memref<!tpu.dma_semaphore, #tpu.memory_space<semaphore_mem>>
        %dma_start3A_211 = arith.constant 0 : i32
        %dma_start3A_212 = arith.constant 0 : i32
        %dma_start3A_213 = tpu.memref_slice %arg6[%scan3A_101, %dma_start3A_211, %dma_start3A_212] : memref<5x50x128xf32, #tpu.memory_space<vmem>> -> memref<1x50x128xf32, #tpu.memory_space<vmem>>
        %dma_start3A_214 = tpu.memref_squeeze %dma_start3A_213 : memref<1x50x128xf32, #tpu.memory_space<vmem>> -> memref<50x128xf32, #tpu.memory_space<vmem>>
        %dma_start3A_215 = arith.constant 0 : i32
        %dma_start3A_216 = tpu.memref_slice %arg5[%run_scoped3A_154, %run_scoped3A_155, %dma_start3A_215] : memref<2x40x50xi32, #tpu.memory_space<vmem>> -> memref<1x1x50xi32, #tpu.memory_space<vmem>>
        %dma_start3A_217 = tpu.memref_squeeze %dma_start3A_216 : memref<1x1x50xi32, #tpu.memory_space<vmem>> -> memref<50xi32, #tpu.memory_space<vmem>>
        %dma_start3A_218 = arith.constant 0 : i32
        %dma_start3A_219 = arith.constant 0 : i32
        %dma_start3A_220 = tpu.memref_slice %arg8[%dma_start3A_218, %dma_start3A_219] : memref<10240x128xf32, #tpu.memory_space<vmem_shared>> -> memref<10240x128xf32, #tpu.memory_space<vmem_shared>>
        tpu.enqueue_indirect_dma source(%dma_start3A_214 : memref<50x128xf32, #tpu.memory_space<vmem>>) target(%dma_start3A_220 : memref<10240x128xf32, #tpu.memory_space<vmem_shared>>) offsets(%dma_start3A_217 : memref<50xi32, #tpu.memory_space<vmem>>) semaphore(%run_scoped3A_210 : memref<!tpu.dma_semaphore, #tpu.memory_space<semaphore_mem>>) {add = true}
        %dma_wait3A_221 = arith.constant 0 : i32
        %dma_wait3A_222 = arith.constant 0 : i32
        %dma_wait3A_223 = tpu.memref_slice %arg6[%scan3A_101, %dma_wait3A_221, %dma_wait3A_222] : memref<5x50x128xf32, #tpu.memory_space<vmem>> -> memref<1x50x128xf32, #tpu.memory_space<vmem>>
        %dma_wait3A_224 = tpu.memref_squeeze %dma_wait3A_223 : memref<1x50x128xf32, #tpu.memory_space<vmem>> -> memref<50x128xf32, #tpu.memory_space<vmem>>
        %dma_wait3A_225 = arith.constant 0 : i32
        %dma_wait3A_226 = tpu.memref_slice %arg5[%run_scoped3A_154, %run_scoped3A_155, %dma_wait3A_225] : memref<2x40x50xi32, #tpu.memory_space<vmem>> -> memref<1x1x50xi32, #tpu.memory_space<vmem>>
        %dma_wait3A_227 = tpu.memref_squeeze %dma_wait3A_226 : memref<1x1x50xi32, #tpu.memory_space<vmem>> -> memref<50xi32, #tpu.memory_space<vmem>>
        %dma_wait3A_228 = arith.constant 0 : i32
        %dma_wait3A_229 = arith.constant 0 : i32
        %dma_wait3A_230 = tpu.memref_slice %arg8[%dma_wait3A_228, %dma_wait3A_229] : memref<10240x128xf32, #tpu.memory_space<vmem_shared>> -> memref<10240x128xf32, #tpu.memory_space<vmem_shared>>
        tpu.wait_indirect_dma semaphore(%run_scoped3A_210 : memref<!tpu.dma_semaphore, #tpu.memory_space<semaphore_mem>>) src(%dma_wait3A_224 : memref<50x128xf32, #tpu.memory_space<vmem>>) dst(%dma_wait3A_230 : memref<10240x128xf32, #tpu.memory_space<vmem_shared>>)
        tpu.yield
      }) : () -> ()
      %dma_wait3A_156 = arith.constant 0 : i32
      %dma_wait3A_157 = arith.constant 0 : i32
      %dma_wait3A_158 = arith.constant 0 : i32
      %dma_wait3A_159 = arith.constant 0 : i32
      %dma_wait3A_160 = tpu.memref_slice %arg6[%scan3A_102, %dma_wait3A_158, %dma_wait3A_159] : memref<5x50x128xf32, #tpu.memory_space<vmem>> -> memref<1x50x128xf32, #tpu.memory_space<vmem>>
      %dma_wait3A_161 = tpu.memref_squeeze %dma_wait3A_160 : memref<1x50x128xf32, #tpu.memory_space<vmem>> -> memref<50x128xf32, #tpu.memory_space<vmem>>
      %dma_wait3A_162 = arith.constant 0 : i32
      %dma_wait3A_163 = tpu.memref_slice %arg5[%dma_wait3A_156, %dma_wait3A_157, %dma_wait3A_162] : memref<2x40x50xi32, #tpu.memory_space<vmem>> -> memref<1x1x50xi32, #tpu.memory_space<vmem>>
      %dma_wait3A_164 = tpu.memref_squeeze %dma_wait3A_163 : memref<1x1x50xi32, #tpu.memory_space<vmem>> -> memref<50xi32, #tpu.memory_space<vmem>>
      %dma_wait3A_165 = arith.constant 0 : i32
      %dma_wait3A_166 = arith.constant 0 : i32
      %dma_wait3A_167 = tpu.memref_slice %arg2[%arg0, %dma_wait3A_165, %dma_wait3A_166] : memref<2x10000x128xf32, #tpu.memory_space<hbm>> -> memref<1x10000x128xf32, #tpu.memory_space<hbm>>
      %dma_wait3A_168 = tpu.memref_squeeze %dma_wait3A_167 : memref<1x10000x128xf32, #tpu.memory_space<hbm>> -> memref<10000x128xf32, #tpu.memory_space<hbm>>
      %dma_wait3A_169 = arith.constant 0 : i32
      %dma_wait3A_170 = arith.constant 0 : i32
      %dma_wait3A_171 = tpu.memref_slice %dma_wait3A_168[%dma_wait3A_169, %dma_wait3A_170] : memref<10000x128xf32, #tpu.memory_space<hbm>> -> memref<10000x128xf32, #tpu.memory_space<hbm>>
      tpu.wait_indirect_dma semaphore(%arg11 : memref<!tpu.dma_semaphore, #tpu.memory_space<semaphore_mem>>) src(%dma_wait3A_171 : memref<10000x128xf32, #tpu.memory_space<hbm>>) dst(%dma_wait3A_161 : memref<50x128xf32, #tpu.memory_space<vmem>>)
      %run_scoped3A_172 = arith.constant 1 : i32
      %run_scoped3A_173 = arith.constant 37 : i32
      "tpu.region"() ({
        %run_scoped3A_210 = tpu.sem_alloc : memref<!tpu.dma_semaphore, #tpu.memory_space<semaphore_mem>>
        %dma_start3A_211 = arith.constant 0 : i32
        %dma_start3A_212 = arith.constant 0 : i32
        %dma_start3A_213 = tpu.memref_slice %arg6[%scan3A_102, %dma_start3A_211, %dma_start3A_212] : memref<5x50x128xf32, #tpu.memory_space<vmem>> -> memref<1x50x128xf32, #tpu.memory_space<vmem>>
        %dma_start3A_214 = tpu.memref_squeeze %dma_start3A_213 : memref<1x50x128xf32, #tpu.memory_space<vmem>> -> memref<50x128xf32, #tpu.memory_space<vmem>>
        %dma_start3A_215 = arith.constant 0 : i32
        %dma_start3A_216 = tpu.memref_slice %arg5[%run_scoped3A_172, %run_scoped3A_173, %dma_start3A_215] : memref<2x40x50xi32, #tpu.memory_space<vmem>> -> memref<1x1x50xi32, #tpu.memory_space<vmem>>
        %dma_start3A_217 = tpu.memref_squeeze %dma_start3A_216 : memref<1x1x50xi32, #tpu.memory_space<vmem>> -> memref<50xi32, #tpu.memory_space<vmem>>
        %dma_start3A_218 = arith.constant 0 : i32
        %dma_start3A_219 = arith.constant 0 : i32
        %dma_start3A_220 = tpu.memref_slice %arg8[%dma_start3A_218, %dma_start3A_219] : memref<10240x128xf32, #tpu.memory_space<vmem_shared>> -> memref<10240x128xf32, #tpu.memory_space<vmem_shared>>
        tpu.enqueue_indirect_dma source(%dma_start3A_214 : memref<50x128xf32, #tpu.memory_space<vmem>>) target(%dma_start3A_220 : memref<10240x128xf32, #tpu.memory_space<vmem_shared>>) offsets(%dma_start3A_217 : memref<50xi32, #tpu.memory_space<vmem>>) semaphore(%run_scoped3A_210 : memref<!tpu.dma_semaphore, #tpu.memory_space<semaphore_mem>>) {add = true}
        %dma_wait3A_221 = arith.constant 0 : i32
        %dma_wait3A_222 = arith.constant 0 : i32
        %dma_wait3A_223 = tpu.memref_slice %arg6[%scan3A_102, %dma_wait3A_221, %dma_wait3A_222] : memref<5x50x128xf32, #tpu.memory_space<vmem>> -> memref<1x50x128xf32, #tpu.memory_space<vmem>>
        %dma_wait3A_224 = tpu.memref_squeeze %dma_wait3A_223 : memref<1x50x128xf32, #tpu.memory_space<vmem>> -> memref<50x128xf32, #tpu.memory_space<vmem>>
        %dma_wait3A_225 = arith.constant 0 : i32
        %dma_wait3A_226 = tpu.memref_slice %arg5[%run_scoped3A_172, %run_scoped3A_173, %dma_wait3A_225] : memref<2x40x50xi32, #tpu.memory_space<vmem>> -> memref<1x1x50xi32, #tpu.memory_space<vmem>>
        %dma_wait3A_227 = tpu.memref_squeeze %dma_wait3A_226 : memref<1x1x50xi32, #tpu.memory_space<vmem>> -> memref<50xi32, #tpu.memory_space<vmem>>
        %dma_wait3A_228 = arith.constant 0 : i32
        %dma_wait3A_229 = arith.constant 0 : i32
        %dma_wait3A_230 = tpu.memref_slice %arg8[%dma_wait3A_228, %dma_wait3A_229] : memref<10240x128xf32, #tpu.memory_space<vmem_shared>> -> memref<10240x128xf32, #tpu.memory_space<vmem_shared>>
        tpu.wait_indirect_dma semaphore(%run_scoped3A_210 : memref<!tpu.dma_semaphore, #tpu.memory_space<semaphore_mem>>) src(%dma_wait3A_224 : memref<50x128xf32, #tpu.memory_space<vmem>>) dst(%dma_wait3A_230 : memref<10240x128xf32, #tpu.memory_space<vmem_shared>>)
        tpu.yield
      }) : () -> ()
      %dma_wait3A_174 = arith.constant 0 : i32
      %dma_wait3A_175 = arith.constant 0 : i32
      %dma_wait3A_176 = arith.constant 0 : i32
      %dma_wait3A_177 = arith.constant 0 : i32
      %dma_wait3A_178 = tpu.memref_slice %arg6[%scan3A_103, %dma_wait3A_176, %dma_wait3A_177] : memref<5x50x128xf32, #tpu.memory_space<vmem>> -> memref<1x50x128xf32, #tpu.memory_space<vmem>>
      %dma_wait3A_179 = tpu.memref_squeeze %dma_wait3A_178 : memref<1x50x128xf32, #tpu.memory_space<vmem>> -> memref<50x128xf32, #tpu.memory_space<vmem>>
      %dma_wait3A_180 = arith.constant 0 : i32
      %dma_wait3A_181 = tpu.memref_slice %arg5[%dma_wait3A_174, %dma_wait3A_175, %dma_wait3A_180] : memref<2x40x50xi32, #tpu.memory_space<vmem>> -> memref<1x1x50xi32, #tpu.memory_space<vmem>>
      %dma_wait3A_182 = tpu.memref_squeeze %dma_wait3A_181 : memref<1x1x50xi32, #tpu.memory_space<vmem>> -> memref<50xi32, #tpu.memory_space<vmem>>
      %dma_wait3A_183 = arith.constant 0 : i32
      %dma_wait3A_184 = arith.constant 0 : i32
      %dma_wait3A_185 = tpu.memref_slice %arg2[%arg0, %dma_wait3A_183, %dma_wait3A_184] : memref<2x10000x128xf32, #tpu.memory_space<hbm>> -> memref<1x10000x128xf32, #tpu.memory_space<hbm>>
      %dma_wait3A_186 = tpu.memref_squeeze %dma_wait3A_185 : memref<1x10000x128xf32, #tpu.memory_space<hbm>> -> memref<10000x128xf32, #tpu.memory_space<hbm>>
      %dma_wait3A_187 = arith.constant 0 : i32
      %dma_wait3A_188 = arith.constant 0 : i32
      %dma_wait3A_189 = tpu.memref_slice %dma_wait3A_186[%dma_wait3A_187, %dma_wait3A_188] : memref<10000x128xf32, #tpu.memory_space<hbm>> -> memref<10000x128xf32, #tpu.memory_space<hbm>>
      tpu.wait_indirect_dma semaphore(%arg12 : memref<!tpu.dma_semaphore, #tpu.memory_space<semaphore_mem>>) src(%dma_wait3A_189 : memref<10000x128xf32, #tpu.memory_space<hbm>>) dst(%dma_wait3A_179 : memref<50x128xf32, #tpu.memory_space<vmem>>)
      %run_scoped3A_190 = arith.constant 1 : i32
      %run_scoped3A_191 = arith.constant 38 : i32
      "tpu.region"() ({
        %run_scoped3A_210 = tpu.sem_alloc : memref<!tpu.dma_semaphore, #tpu.memory_space<semaphore_mem>>
        %dma_start3A_211 = arith.constant 0 : i32
        %dma_start3A_212 = arith.constant 0 : i32
        %dma_start3A_213 = tpu.memref_slice %arg6[%scan3A_103, %dma_start3A_211, %dma_start3A_212] : memref<5x50x128xf32, #tpu.memory_space<vmem>> -> memref<1x50x128xf32, #tpu.memory_space<vmem>>
        %dma_start3A_214 = tpu.memref_squeeze %dma_start3A_213 : memref<1x50x128xf32, #tpu.memory_space<vmem>> -> memref<50x128xf32, #tpu.memory_space<vmem>>
        %dma_start3A_215 = arith.constant 0 : i32
        %dma_start3A_216 = tpu.memref_slice %arg5[%run_scoped3A_190, %run_scoped3A_191, %dma_start3A_215] : memref<2x40x50xi32, #tpu.memory_space<vmem>> -> memref<1x1x50xi32, #tpu.memory_space<vmem>>
        %dma_start3A_217 = tpu.memref_squeeze %dma_start3A_216 : memref<1x1x50xi32, #tpu.memory_space<vmem>> -> memref<50xi32, #tpu.memory_space<vmem>>
        %dma_start3A_218 = arith.constant 0 : i32
        %dma_start3A_219 = arith.constant 0 : i32
        %dma_start3A_220 = tpu.memref_slice %arg8[%dma_start3A_218, %dma_start3A_219] : memref<10240x128xf32, #tpu.memory_space<vmem_shared>> -> memref<10240x128xf32, #tpu.memory_space<vmem_shared>>
        tpu.enqueue_indirect_dma source(%dma_start3A_214 : memref<50x128xf32, #tpu.memory_space<vmem>>) target(%dma_start3A_220 : memref<10240x128xf32, #tpu.memory_space<vmem_shared>>) offsets(%dma_start3A_217 : memref<50xi32, #tpu.memory_space<vmem>>) semaphore(%run_scoped3A_210 : memref<!tpu.dma_semaphore, #tpu.memory_space<semaphore_mem>>) {add = true}
        %dma_wait3A_221 = arith.constant 0 : i32
        %dma_wait3A_222 = arith.constant 0 : i32
        %dma_wait3A_223 = tpu.memref_slice %arg6[%scan3A_103, %dma_wait3A_221, %dma_wait3A_222] : memref<5x50x128xf32, #tpu.memory_space<vmem>> -> memref<1x50x128xf32, #tpu.memory_space<vmem>>
        %dma_wait3A_224 = tpu.memref_squeeze %dma_wait3A_223 : memref<1x50x128xf32, #tpu.memory_space<vmem>> -> memref<50x128xf32, #tpu.memory_space<vmem>>
        %dma_wait3A_225 = arith.constant 0 : i32
        %dma_wait3A_226 = tpu.memref_slice %arg5[%run_scoped3A_190, %run_scoped3A_191, %dma_wait3A_225] : memref<2x40x50xi32, #tpu.memory_space<vmem>> -> memref<1x1x50xi32, #tpu.memory_space<vmem>>
        %dma_wait3A_227 = tpu.memref_squeeze %dma_wait3A_226 : memref<1x1x50xi32, #tpu.memory_space<vmem>> -> memref<50xi32, #tpu.memory_space<vmem>>
        %dma_wait3A_228 = arith.constant 0 : i32
        %dma_wait3A_229 = arith.constant 0 : i32
        %dma_wait3A_230 = tpu.memref_slice %arg8[%dma_wait3A_228, %dma_wait3A_229] : memref<10240x128xf32, #tpu.memory_space<vmem_shared>> -> memref<10240x128xf32, #tpu.memory_space<vmem_shared>>
        tpu.wait_indirect_dma semaphore(%run_scoped3A_210 : memref<!tpu.dma_semaphore, #tpu.memory_space<semaphore_mem>>) src(%dma_wait3A_224 : memref<50x128xf32, #tpu.memory_space<vmem>>) dst(%dma_wait3A_230 : memref<10240x128xf32, #tpu.memory_space<vmem_shared>>)
        tpu.yield
      }) : () -> ()
      %dma_wait3A_192 = arith.constant 0 : i32
      %dma_wait3A_193 = arith.constant 0 : i32
      %dma_wait3A_194 = arith.constant 0 : i32
      %dma_wait3A_195 = arith.constant 0 : i32
      %dma_wait3A_196 = tpu.memref_slice %arg6[%scan3A_104, %dma_wait3A_194, %dma_wait3A_195] : memref<5x50x128xf32, #tpu.memory_space<vmem>> -> memref<1x50x128xf32, #tpu.memory_space<vmem>>
      %dma_wait3A_197 = tpu.memref_squeeze %dma_wait3A_196 : memref<1x50x128xf32, #tpu.memory_space<vmem>> -> memref<50x128xf32, #tpu.memory_space<vmem>>
      %dma_wait3A_198 = arith.constant 0 : i32
      %dma_wait3A_199 = tpu.memref_slice %arg5[%dma_wait3A_192, %dma_wait3A_193, %dma_wait3A_198] : memref<2x40x50xi32, #tpu.memory_space<vmem>> -> memref<1x1x50xi32, #tpu.memory_space<vmem>>
      %dma_wait3A_200 = tpu.memref_squeeze %dma_wait3A_199 : memref<1x1x50xi32, #tpu.memory_space<vmem>> -> memref<50xi32, #tpu.memory_space<vmem>>
      %dma_wait3A_201 = arith.constant 0 : i32
      %dma_wait3A_202 = arith.constant 0 : i32
      %dma_wait3A_203 = tpu.memref_slice %arg2[%arg0, %dma_wait3A_201, %dma_wait3A_202] : memref<2x10000x128xf32, #tpu.memory_space<hbm>> -> memref<1x10000x128xf32, #tpu.memory_space<hbm>>
      %dma_wait3A_204 = tpu.memref_squeeze %dma_wait3A_203 : memref<1x10000x128xf32, #tpu.memory_space<hbm>> -> memref<10000x128xf32, #tpu.memory_space<hbm>>
      %dma_wait3A_205 = arith.constant 0 : i32
      %dma_wait3A_206 = arith.constant 0 : i32
      %dma_wait3A_207 = tpu.memref_slice %dma_wait3A_204[%dma_wait3A_205, %dma_wait3A_206] : memref<10000x128xf32, #tpu.memory_space<hbm>> -> memref<10000x128xf32, #tpu.memory_space<hbm>>
      tpu.wait_indirect_dma semaphore(%arg13 : memref<!tpu.dma_semaphore, #tpu.memory_space<semaphore_mem>>) src(%dma_wait3A_207 : memref<10000x128xf32, #tpu.memory_space<hbm>>) dst(%dma_wait3A_197 : memref<50x128xf32, #tpu.memory_space<vmem>>)
      %run_scoped3A_208 = arith.constant 1 : i32
      %run_scoped3A_209 = arith.constant 39 : i32
      "tpu.region"() ({
        %run_scoped3A_210 = tpu.sem_alloc : memref<!tpu.dma_semaphore, #tpu.memory_space<semaphore_mem>>
        %dma_start3A_211 = arith.constant 0 : i32
        %dma_start3A_212 = arith.constant 0 : i32
        %dma_start3A_213 = tpu.memref_slice %arg6[%scan3A_104, %dma_start3A_211, %dma_start3A_212] : memref<5x50x128xf32, #tpu.memory_space<vmem>> -> memref<1x50x128xf32, #tpu.memory_space<vmem>>
        %dma_start3A_214 = tpu.memref_squeeze %dma_start3A_213 : memref<1x50x128xf32, #tpu.memory_space<vmem>> -> memref<50x128xf32, #tpu.memory_space<vmem>>
        %dma_start3A_215 = arith.constant 0 : i32
        %dma_start3A_216 = tpu.memref_slice %arg5[%run_scoped3A_208, %run_scoped3A_209, %dma_start3A_215] : memref<2x40x50xi32, #tpu.memory_space<vmem>> -> memref<1x1x50xi32, #tpu.memory_space<vmem>>
        %dma_start3A_217 = tpu.memref_squeeze %dma_start3A_216 : memref<1x1x50xi32, #tpu.memory_space<vmem>> -> memref<50xi32, #tpu.memory_space<vmem>>
        %dma_start3A_218 = arith.constant 0 : i32
        %dma_start3A_219 = arith.constant 0 : i32
        %dma_start3A_220 = tpu.memref_slice %arg8[%dma_start3A_218, %dma_start3A_219] : memref<10240x128xf32, #tpu.memory_space<vmem_shared>> -> memref<10240x128xf32, #tpu.memory_space<vmem_shared>>
        tpu.enqueue_indirect_dma source(%dma_start3A_214 : memref<50x128xf32, #tpu.memory_space<vmem>>) target(%dma_start3A_220 : memref<10240x128xf32, #tpu.memory_space<vmem_shared>>) offsets(%dma_start3A_217 : memref<50xi32, #tpu.memory_space<vmem>>) semaphore(%run_scoped3A_210 : memref<!tpu.dma_semaphore, #tpu.memory_space<semaphore_mem>>) {add = true}
        %dma_wait3A_221 = arith.constant 0 : i32
        %dma_wait3A_222 = arith.constant 0 : i32
        %dma_wait3A_223 = tpu.memref_slice %arg6[%scan3A_104, %dma_wait3A_221, %dma_wait3A_222] : memref<5x50x128xf32, #tpu.memory_space<vmem>> -> memref<1x50x128xf32, #tpu.memory_space<vmem>>
        %dma_wait3A_224 = tpu.memref_squeeze %dma_wait3A_223 : memref<1x50x128xf32, #tpu.memory_space<vmem>> -> memref<50x128xf32, #tpu.memory_space<vmem>>
        %dma_wait3A_225 = arith.constant 0 : i32
        %dma_wait3A_226 = tpu.memref_slice %arg5[%run_scoped3A_208, %run_scoped3A_209, %dma_wait3A_225] : memref<2x40x50xi32, #tpu.memory_space<vmem>> -> memref<1x1x50xi32, #tpu.memory_space<vmem>>
        %dma_wait3A_227 = tpu.memref_squeeze %dma_wait3A_226 : memref<1x1x50xi32, #tpu.memory_space<vmem>> -> memref<50xi32, #tpu.memory_space<vmem>>
        %dma_wait3A_228 = arith.constant 0 : i32
        %dma_wait3A_229 = arith.constant 0 : i32
        %dma_wait3A_230 = tpu.memref_slice %arg8[%dma_wait3A_228, %dma_wait3A_229] : memref<10240x128xf32, #tpu.memory_space<vmem_shared>> -> memref<10240x128xf32, #tpu.memory_space<vmem_shared>>
        tpu.wait_indirect_dma semaphore(%run_scoped3A_210 : memref<!tpu.dma_semaphore, #tpu.memory_space<semaphore_mem>>) src(%dma_wait3A_224 : memref<50x128xf32, #tpu.memory_space<vmem>>) dst(%dma_wait3A_230 : memref<10240x128xf32, #tpu.memory_space<vmem_shared>>)
        tpu.yield
      }) : () -> ()
    }
    %scan3A_109 = arith.constant 5 : i32
    %barrier3A_110 = arith.constant 0 : index
    tpu.barrier barrier_id(%barrier3A_110)
    "tpu.region"() ({
      %run_scoped3A = tpu.sem_alloc : memref<!tpu.dma_semaphore, #tpu.memory_space<semaphore_mem>>
      %dma_start3A_111 = arith.constant 0 : i32
      %dma_start3A_112 = arith.constant 0 : i32
      %dma_start3A_113 = tpu.memref_slice %arg4[%arg0, %dma_start3A_111, %dma_start3A_112] : memref<2x10240x128xf32, #tpu.memory_space<hbm>> -> memref<1x10240x128xf32, #tpu.memory_space<hbm>>
      %dma_start3A_114 = tpu.memref_squeeze %dma_start3A_113 : memref<1x10240x128xf32, #tpu.memory_space<hbm>> -> memref<10240x128xf32, #tpu.memory_space<hbm>>
      %dma_start3A_115 = arith.constant 0 : i32
      %dma_start3A_116 = tpu.memref_slice %dma_start3A_114[%mul3A_0, %dma_start3A_115] : memref<10240x128xf32, #tpu.memory_space<hbm>> -> memref<640x128xf32, #tpu.memory_space<hbm>>
      %dma_start3A_117 = arith.constant 0 : i32
      %dma_start3A_118 = tpu.memref_slice %arg8[%mul3A_0, %dma_start3A_117] : memref<10240x128xf32, #tpu.memory_space<vmem_shared>> -> memref<640x128xf32, #tpu.memory_space<vmem_shared>>
      tpu.enqueue_dma source(%dma_start3A_118 : memref<640x128xf32, #tpu.memory_space<vmem_shared>>) target(%dma_start3A_116 : memref<640x128xf32, #tpu.memory_space<hbm>>) target_semaphore(%run_scoped3A : memref<!tpu.dma_semaphore, #tpu.memory_space<semaphore_mem>>)
      %dma_wait3A = arith.constant 0 : i32
      %dma_wait3A_119 = arith.constant 0 : i32
      %dma_wait3A_120 = tpu.memref_slice %arg4[%arg0, %dma_wait3A, %dma_wait3A_119] : memref<2x10240x128xf32, #tpu.memory_space<hbm>> -> memref<1x10240x128xf32, #tpu.memory_space<hbm>>
      %dma_wait3A_121 = tpu.memref_squeeze %dma_wait3A_120 : memref<1x10240x128xf32, #tpu.memory_space<hbm>> -> memref<10240x128xf32, #tpu.memory_space<hbm>>
      %dma_wait3A_122 = arith.constant 0 : i32
      %dma_wait3A_123 = tpu.memref_slice %dma_wait3A_121[%mul3A_0, %dma_wait3A_122] : memref<10240x128xf32, #tpu.memory_space<hbm>> -> memref<640x128xf32, #tpu.memory_space<hbm>>
      %dma_wait3A_124 = arith.constant 0 : i32
      %dma_wait3A_125 = tpu.memref_slice %arg8[%mul3A_0, %dma_wait3A_124] : memref<10240x128xf32, #tpu.memory_space<vmem_shared>> -> memref<640x128xf32, #tpu.memory_space<vmem_shared>>
      tpu.wait_dma2 semaphore(%run_scoped3A : memref<!tpu.dma_semaphore, #tpu.memory_space<semaphore_mem>>) src(%dma_wait3A_125 : memref<640x128xf32, #tpu.memory_space<vmem_shared>>) dst(%dma_wait3A_123 : memref<640x128xf32, #tpu.memory_space<hbm>>)
      tpu.yield
    }) : () -> ()
    return
  }
}

#map = affine_map<(d0, d1) -> (0, 0, 0)>
#map1 = affine_map<(d0, d1) -> (0, 0, 0, 0)>
module attributes {stable_mosaic.version = 14 : i64} {
  func.func @_sc_agg(%arg0: i32, %arg1: i32, %arg2: memref<2x10000x128xf32, #tpu.memory_space<hbm>>, %arg3: memref<2x16x200x50xi32, #tpu.memory_space<hbm>>, %arg4: memref<2x10240x128xf32, #tpu.memory_space<hbm>>, %arg5: memref<2x40x50xi32, #tpu.memory_space<vmem>>, %arg6: memref<5x50x128xf32, #tpu.memory_space<vmem>>, %arg7: memref<16x128xf32, #tpu.memory_space<vmem>>, %arg8: memref<10240x128xf32, #tpu.memory_space<vmem_shared>>, %arg9: memref<!tpu.dma_semaphore, #tpu.memory_space<semaphore_mem>>, %arg10: memref<!tpu.dma_semaphore, #tpu.memory_space<semaphore_mem>>, %arg11: memref<!tpu.dma_semaphore, #tpu.memory_space<semaphore_mem>>, %arg12: memref<!tpu.dma_semaphore, #tpu.memory_space<semaphore_mem>>, %arg13: memref<!tpu.dma_semaphore, #tpu.memory_space<semaphore_mem>>, %arg14: memref<!tpu.dma_semaphore, #tpu.memory_space<semaphore_mem>>) attributes {dimension_semantics = [#tpu.dimension_semantics<core_parallel>, #tpu.dimension_semantics<subcore_parallel>], iteration_bounds = array<i64: 2, 16>, scalar_prefetch = 0 : i64, scratch_operands = 10 : i64, tpu.core_type = #tpu.core_type<sc_vector_subcore>, window_params = [{transform_indices = #map}, {transform_indices = #map1}, {transform_indices = #map}]} {
    %mul3A = arith.constant 640 : i32
    %mul3A_0 = arith.muli %arg1, %mul3A : i32
    "tpu.region"() ({
      %run_scoped3A = tpu.sem_alloc : memref<!tpu.dma_semaphore, #tpu.memory_space<semaphore_mem>>
      %dma_start3A_111 = arith.constant 0 : i32
      %dma_start3A_112 = arith.constant 0 : i32
      %dma_start3A_113 = arith.constant 0 : i32
      %dma_start3A_114 = tpu.memref_slice %arg3[%dma_start3A_111, %arg1, %dma_start3A_112, %dma_start3A_113] : memref<2x16x200x50xi32, #tpu.memory_space<hbm>> -> memref<2x1x40x50xi32, #tpu.memory_space<hbm>>
      %dma_start3A_115 = tpu.memref_squeeze %dma_start3A_114 : memref<2x1x40x50xi32, #tpu.memory_space<hbm>> -> memref<2x40x50xi32, #tpu.memory_space<hbm>>
      %dma_start3A_116 = arith.constant 0 : i32
      %dma_start3A_117 = arith.constant 0 : i32
      %dma_start3A_118 = arith.constant 0 : i32
      %dma_start3A_119 = tpu.memref_slice %arg3[%dma_start3A_116, %arg1, %dma_start3A_117, %dma_start3A_118] : memref<2x16x200x50xi32, #tpu.memory_space<hbm>> -> memref<2x1x40x50xi32, #tpu.memory_space<hbm>>
      %dma_start3A_120 = tpu.memref_squeeze %dma_start3A_119 : memref<2x1x40x50xi32, #tpu.memory_space<hbm>> -> memref<2x40x50xi32, #tpu.memory_space<hbm>>
      tpu.enqueue_dma source(%dma_start3A_120 : memref<2x40x50xi32, #tpu.memory_space<hbm>>) target(%arg5 : memref<2x40x50xi32, #tpu.memory_space<vmem>>) target_semaphore(%run_scoped3A : memref<!tpu.dma_semaphore, #tpu.memory_space<semaphore_mem>>)
      %dma_wait3A = arith.constant 0 : i32
      %dma_wait3A_121 = arith.constant 0 : i32
      %dma_wait3A_122 = arith.constant 0 : i32
      %dma_wait3A_123 = tpu.memref_slice %arg3[%dma_wait3A, %arg1, %dma_wait3A_121, %dma_wait3A_122] : memref<2x16x200x50xi32, #tpu.memory_space<hbm>> -> memref<2x1x40x50xi32, #tpu.memory_space<hbm>>
      %dma_wait3A_124 = tpu.memref_squeeze %dma_wait3A_123 : memref<2x1x40x50xi32, #tpu.memory_space<hbm>> -> memref<2x40x50xi32, #tpu.memory_space<hbm>>
      %dma_wait3A_125 = arith.constant 0 : i32
      %dma_wait3A_126 = arith.constant 0 : i32
      %dma_wait3A_127 = arith.constant 0 : i32
      %dma_wait3A_128 = tpu.memref_slice %arg3[%dma_wait3A_125, %arg1, %dma_wait3A_126, %dma_wait3A_127] : memref<2x16x200x50xi32, #tpu.memory_space<hbm>> -> memref<2x1x40x50xi32, #tpu.memory_space<hbm>>
      %dma_wait3A_129 = tpu.memref_squeeze %dma_wait3A_128 : memref<2x1x40x50xi32, #tpu.memory_space<hbm>> -> memref<2x40x50xi32, #tpu.memory_space<hbm>>
      tpu.wait_dma2 semaphore(%run_scoped3A : memref<!tpu.dma_semaphore, #tpu.memory_space<semaphore_mem>>) src(%dma_wait3A_129 : memref<2x40x50xi32, #tpu.memory_space<hbm>>) dst(%arg5 : memref<2x40x50xi32, #tpu.memory_space<vmem>>)
      tpu.yield
    }) : () -> ()
    %dma_start3A = arith.constant 0 : i32
    %dma_start3A_1 = arith.constant 0 : i32
    %dma_start3A_2 = arith.constant 0 : i32
    %dma_start3A_3 = arith.constant 0 : i32
    %dma_start3A_4 = arith.constant 0 : i32
    %dma_start3A_5 = tpu.memref_slice %arg6[%dma_start3A_2, %dma_start3A_3, %dma_start3A_4] : memref<5x50x128xf32, #tpu.memory_space<vmem>> -> memref<1x50x128xf32, #tpu.memory_space<vmem>>
    %dma_start3A_6 = tpu.memref_squeeze %dma_start3A_5 : memref<1x50x128xf32, #tpu.memory_space<vmem>> -> memref<50x128xf32, #tpu.memory_space<vmem>>
    %dma_start3A_7 = arith.constant 0 : i32
    %dma_start3A_8 = tpu.memref_slice %arg5[%dma_start3A, %dma_start3A_1, %dma_start3A_7] : memref<2x40x50xi32, #tpu.memory_space<vmem>> -> memref<1x1x50xi32, #tpu.memory_space<vmem>>
    %dma_start3A_9 = tpu.memref_squeeze %dma_start3A_8 : memref<1x1x50xi32, #tpu.memory_space<vmem>> -> memref<50xi32, #tpu.memory_space<vmem>>
    %dma_start3A_10 = arith.constant 0 : i32
    %dma_start3A_11 = arith.constant 0 : i32
    %dma_start3A_12 = tpu.memref_slice %arg2[%arg0, %dma_start3A_10, %dma_start3A_11] : memref<2x10000x128xf32, #tpu.memory_space<hbm>> -> memref<1x10000x128xf32, #tpu.memory_space<hbm>>
    %dma_start3A_13 = tpu.memref_squeeze %dma_start3A_12 : memref<1x10000x128xf32, #tpu.memory_space<hbm>> -> memref<10000x128xf32, #tpu.memory_space<hbm>>
    %dma_start3A_14 = arith.constant 0 : i32
    %dma_start3A_15 = arith.constant 0 : i32
    %dma_start3A_16 = tpu.memref_slice %dma_start3A_13[%dma_start3A_14, %dma_start3A_15] : memref<10000x128xf32, #tpu.memory_space<hbm>> -> memref<10000x128xf32, #tpu.memory_space<hbm>>
    tpu.enqueue_indirect_dma source(%dma_start3A_16 : memref<10000x128xf32, #tpu.memory_space<hbm>>) target(%dma_start3A_6 : memref<50x128xf32, #tpu.memory_space<vmem>>) offsets(%dma_start3A_9 : memref<50xi32, #tpu.memory_space<vmem>>) semaphore(%arg9 : memref<!tpu.dma_semaphore, #tpu.memory_space<semaphore_mem>>)
    %dma_start3A_17 = arith.constant 0 : i32
    %dma_start3A_18 = arith.constant 1 : i32
    %dma_start3A_19 = arith.constant 1 : i32
    %dma_start3A_20 = arith.constant 0 : i32
    %dma_start3A_21 = arith.constant 0 : i32
    %dma_start3A_22 = tpu.memref_slice %arg6[%dma_start3A_19, %dma_start3A_20, %dma_start3A_21] : memref<5x50x128xf32, #tpu.memory_space<vmem>> -> memref<1x50x128xf32, #tpu.memory_space<vmem>>
    %dma_start3A_23 = tpu.memref_squeeze %dma_start3A_22 : memref<1x50x128xf32, #tpu.memory_space<vmem>> -> memref<50x128xf32, #tpu.memory_space<vmem>>
    %dma_start3A_24 = arith.constant 0 : i32
    %dma_start3A_25 = tpu.memref_slice %arg5[%dma_start3A_17, %dma_start3A_18, %dma_start3A_24] : memref<2x40x50xi32, #tpu.memory_space<vmem>> -> memref<1x1x50xi32, #tpu.memory_space<vmem>>
    %dma_start3A_26 = tpu.memref_squeeze %dma_start3A_25 : memref<1x1x50xi32, #tpu.memory_space<vmem>> -> memref<50xi32, #tpu.memory_space<vmem>>
    %dma_start3A_27 = arith.constant 0 : i32
    %dma_start3A_28 = arith.constant 0 : i32
    %dma_start3A_29 = tpu.memref_slice %arg2[%arg0, %dma_start3A_27, %dma_start3A_28] : memref<2x10000x128xf32, #tpu.memory_space<hbm>> -> memref<1x10000x128xf32, #tpu.memory_space<hbm>>
    %dma_start3A_30 = tpu.memref_squeeze %dma_start3A_29 : memref<1x10000x128xf32, #tpu.memory_space<hbm>> -> memref<10000x128xf32, #tpu.memory_space<hbm>>
    %dma_start3A_31 = arith.constant 0 : i32
    %dma_start3A_32 = arith.constant 0 : i32
    %dma_start3A_33 = tpu.memref_slice %dma_start3A_30[%dma_start3A_31, %dma_start3A_32] : memref<10000x128xf32, #tpu.memory_space<hbm>> -> memref<10000x128xf32, #tpu.memory_space<hbm>>
    tpu.enqueue_indirect_dma source(%dma_start3A_33 : memref<10000x128xf32, #tpu.memory_space<hbm>>) target(%dma_start3A_23 : memref<50x128xf32, #tpu.memory_space<vmem>>) offsets(%dma_start3A_26 : memref<50xi32, #tpu.memory_space<vmem>>) semaphore(%arg10 : memref<!tpu.dma_semaphore, #tpu.memory_space<semaphore_mem>>)
    %dma_start3A_34 = arith.constant 0 : i32
    %dma_start3A_35 = arith.constant 2 : i32
    %dma_start3A_36 = arith.constant 2 : i32
    %dma_start3A_37 = arith.constant 0 : i32
    %dma_start3A_38 = arith.constant 0 : i32
    %dma_start3A_39 = tpu.memref_slice %arg6[%dma_start3A_36, %dma_start3A_37, %dma_start3A_38] : memref<5x50x128xf32, #tpu.memory_space<vmem>> -> memref<1x50x128xf32, #tpu.memory_space<vmem>>
    %dma_start3A_40 = tpu.memref_squeeze %dma_start3A_39 : memref<1x50x128xf32, #tpu.memory_space<vmem>> -> memref<50x128xf32, #tpu.memory_space<vmem>>
    %dma_start3A_41 = arith.constant 0 : i32
    %dma_start3A_42 = tpu.memref_slice %arg5[%dma_start3A_34, %dma_start3A_35, %dma_start3A_41] : memref<2x40x50xi32, #tpu.memory_space<vmem>> -> memref<1x1x50xi32, #tpu.memory_space<vmem>>
    %dma_start3A_43 = tpu.memref_squeeze %dma_start3A_42 : memref<1x1x50xi32, #tpu.memory_space<vmem>> -> memref<50xi32, #tpu.memory_space<vmem>>
    %dma_start3A_44 = arith.constant 0 : i32
    %dma_start3A_45 = arith.constant 0 : i32
    %dma_start3A_46 = tpu.memref_slice %arg2[%arg0, %dma_start3A_44, %dma_start3A_45] : memref<2x10000x128xf32, #tpu.memory_space<hbm>> -> memref<1x10000x128xf32, #tpu.memory_space<hbm>>
    %dma_start3A_47 = tpu.memref_squeeze %dma_start3A_46 : memref<1x10000x128xf32, #tpu.memory_space<hbm>> -> memref<10000x128xf32, #tpu.memory_space<hbm>>
    %dma_start3A_48 = arith.constant 0 : i32
    %dma_start3A_49 = arith.constant 0 : i32
    %dma_start3A_50 = tpu.memref_slice %dma_start3A_47[%dma_start3A_48, %dma_start3A_49] : memref<10000x128xf32, #tpu.memory_space<hbm>> -> memref<10000x128xf32, #tpu.memory_space<hbm>>
    tpu.enqueue_indirect_dma source(%dma_start3A_50 : memref<10000x128xf32, #tpu.memory_space<hbm>>) target(%dma_start3A_40 : memref<50x128xf32, #tpu.memory_space<vmem>>) offsets(%dma_start3A_43 : memref<50xi32, #tpu.memory_space<vmem>>) semaphore(%arg11 : memref<!tpu.dma_semaphore, #tpu.memory_space<semaphore_mem>>)
    %dma_start3A_51 = arith.constant 0 : i32
    %dma_start3A_52 = arith.constant 3 : i32
    %dma_start3A_53 = arith.constant 3 : i32
    %dma_start3A_54 = arith.constant 0 : i32
    %dma_start3A_55 = arith.constant 0 : i32
    %dma_start3A_56 = tpu.memref_slice %arg6[%dma_start3A_53, %dma_start3A_54, %dma_start3A_55] : memref<5x50x128xf32, #tpu.memory_space<vmem>> -> memref<1x50x128xf32, #tpu.memory_space<vmem>>
    %dma_start3A_57 = tpu.memref_squeeze %dma_start3A_56 : memref<1x50x128xf32, #tpu.memory_space<vmem>> -> memref<50x128xf32, #tpu.memory_space<vmem>>
    %dma_start3A_58 = arith.constant 0 : i32
    %dma_start3A_59 = tpu.memref_slice %arg5[%dma_start3A_51, %dma_start3A_52, %dma_start3A_58] : memref<2x40x50xi32, #tpu.memory_space<vmem>> -> memref<1x1x50xi32, #tpu.memory_space<vmem>>
    %dma_start3A_60 = tpu.memref_squeeze %dma_start3A_59 : memref<1x1x50xi32, #tpu.memory_space<vmem>> -> memref<50xi32, #tpu.memory_space<vmem>>
    %dma_start3A_61 = arith.constant 0 : i32
    %dma_start3A_62 = arith.constant 0 : i32
    %dma_start3A_63 = tpu.memref_slice %arg2[%arg0, %dma_start3A_61, %dma_start3A_62] : memref<2x10000x128xf32, #tpu.memory_space<hbm>> -> memref<1x10000x128xf32, #tpu.memory_space<hbm>>
    %dma_start3A_64 = tpu.memref_squeeze %dma_start3A_63 : memref<1x10000x128xf32, #tpu.memory_space<hbm>> -> memref<10000x128xf32, #tpu.memory_space<hbm>>
    %dma_start3A_65 = arith.constant 0 : i32
    %dma_start3A_66 = arith.constant 0 : i32
    %dma_start3A_67 = tpu.memref_slice %dma_start3A_64[%dma_start3A_65, %dma_start3A_66] : memref<10000x128xf32, #tpu.memory_space<hbm>> -> memref<10000x128xf32, #tpu.memory_space<hbm>>
    tpu.enqueue_indirect_dma source(%dma_start3A_67 : memref<10000x128xf32, #tpu.memory_space<hbm>>) target(%dma_start3A_57 : memref<50x128xf32, #tpu.memory_space<vmem>>) offsets(%dma_start3A_60 : memref<50xi32, #tpu.memory_space<vmem>>) semaphore(%arg12 : memref<!tpu.dma_semaphore, #tpu.memory_space<semaphore_mem>>)
    %dma_start3A_68 = arith.constant 0 : i32
    %dma_start3A_69 = arith.constant 4 : i32
    %dma_start3A_70 = arith.constant 4 : i32
    %dma_start3A_71 = arith.constant 0 : i32
    %dma_start3A_72 = arith.constant 0 : i32
    %dma_start3A_73 = tpu.memref_slice %arg6[%dma_start3A_70, %dma_start3A_71, %dma_start3A_72] : memref<5x50x128xf32, #tpu.memory_space<vmem>> -> memref<1x50x128xf32, #tpu.memory_space<vmem>>
    %dma_start3A_74 = tpu.memref_squeeze %dma_start3A_73 : memref<1x50x128xf32, #tpu.memory_space<vmem>> -> memref<50x128xf32, #tpu.memory_space<vmem>>
    %dma_start3A_75 = arith.constant 0 : i32
    %dma_start3A_76 = tpu.memref_slice %arg5[%dma_start3A_68, %dma_start3A_69, %dma_start3A_75] : memref<2x40x50xi32, #tpu.memory_space<vmem>> -> memref<1x1x50xi32, #tpu.memory_space<vmem>>
    %dma_start3A_77 = tpu.memref_squeeze %dma_start3A_76 : memref<1x1x50xi32, #tpu.memory_space<vmem>> -> memref<50xi32, #tpu.memory_space<vmem>>
    %dma_start3A_78 = arith.constant 0 : i32
    %dma_start3A_79 = arith.constant 0 : i32
    %dma_start3A_80 = tpu.memref_slice %arg2[%arg0, %dma_start3A_78, %dma_start3A_79] : memref<2x10000x128xf32, #tpu.memory_space<hbm>> -> memref<1x10000x128xf32, #tpu.memory_space<hbm>>
    %dma_start3A_81 = tpu.memref_squeeze %dma_start3A_80 : memref<1x10000x128xf32, #tpu.memory_space<hbm>> -> memref<10000x128xf32, #tpu.memory_space<hbm>>
    %dma_start3A_82 = arith.constant 0 : i32
    %dma_start3A_83 = arith.constant 0 : i32
    %dma_start3A_84 = tpu.memref_slice %dma_start3A_81[%dma_start3A_82, %dma_start3A_83] : memref<10000x128xf32, #tpu.memory_space<hbm>> -> memref<10000x128xf32, #tpu.memory_space<hbm>>
    tpu.enqueue_indirect_dma source(%dma_start3A_84 : memref<10000x128xf32, #tpu.memory_space<hbm>>) target(%dma_start3A_74 : memref<50x128xf32, #tpu.memory_space<vmem>>) offsets(%dma_start3A_77 : memref<50xi32, #tpu.memory_space<vmem>>) semaphore(%arg13 : memref<!tpu.dma_semaphore, #tpu.memory_space<semaphore_mem>>)
    %broadcast_in_dim3A = arith.constant 0.000000e+00 : f32
    %broadcast_in_dim3A_85 = vector.broadcast %broadcast_in_dim3A : f32 to vector<16xf32>
    %scan3A = arith.constant 0 : i32
    %scan3A_86 = arith.constant 16 : i32
    %scan3A_87 = arith.addi %scan3A, %scan3A_86 : i32
    %scan3A_88 = arith.constant 1 : i32
    scf.for %scan3A_111 = %scan3A to %scan3A_87 step %scan3A_88  : i32 {
      %mul3A_112 = arith.constant 1 : i32
      %mul3A_113 = arith.muli %scan3A_111, %mul3A_112 : i32
      %add3A = arith.constant 0 : i32
      %add3A_114 = arith.addi %add3A, %mul3A_113 : i32
      %swap3A = arith.index_cast %add3A_114 : i32 to index
      %swap3A_115 = arith.constant 0 : index
      %swap3A_116 = tpu.vector_load %arg7[%swap3A, %swap3A_115] {strides = array<i32>} : memref<16x128xf32, #tpu.memory_space<vmem>>, vector<1x16xf32>,
      %swap3A_117 = vector.shape_cast %swap3A_116 : vector<1x16xf32> to vector<16xf32>
      %swap3A_118 = vector.shape_cast %broadcast_in_dim3A_85 : vector<16xf32> to vector<1x16xf32>
      tpu.vector_store %arg7[%swap3A, %swap3A_115], %swap3A_118 {strides = array<i32>} : memref<16x128xf32, #tpu.memory_space<vmem>>, vector<1x16xf32>,
      %swap3A_119 = arith.index_cast %add3A_114 : i32 to index
      %swap3A_120 = arith.constant 16 : index
      %swap3A_121 = tpu.vector_load %arg7[%swap3A_119, %swap3A_120] {strides = array<i32>} : memref<16x128xf32, #tpu.memory_space<vmem>>, vector<1x16xf32>,
      %swap3A_122 = vector.shape_cast %swap3A_121 : vector<1x16xf32> to vector<16xf32>
      %swap3A_123 = vector.shape_cast %broadcast_in_dim3A_85 : vector<16xf32> to vector<1x16xf32>
      tpu.vector_store %arg7[%swap3A_119, %swap3A_120], %swap3A_123 {strides = array<i32>} : memref<16x128xf32, #tpu.memory_space<vmem>>, vector<1x16xf32>,
      %swap3A_124 = arith.index_cast %add3A_114 : i32 to index
      %swap3A_125 = arith.constant 32 : index
      %swap3A_126 = tpu.vector_load %arg7[%swap3A_124, %swap3A_125] {strides = array<i32>} : memref<16x128xf32, #tpu.memory_space<vmem>>, vector<1x16xf32>,
      %swap3A_127 = vector.shape_cast %swap3A_126 : vector<1x16xf32> to vector<16xf32>
      %swap3A_128 = vector.shape_cast %broadcast_in_dim3A_85 : vector<16xf32> to vector<1x16xf32>
      tpu.vector_store %arg7[%swap3A_124, %swap3A_125], %swap3A_128 {strides = array<i32>} : memref<16x128xf32, #tpu.memory_space<vmem>>, vector<1x16xf32>,
      %swap3A_129 = arith.index_cast %add3A_114 : i32 to index
      %swap3A_130 = arith.constant 48 : index
      %swap3A_131 = tpu.vector_load %arg7[%swap3A_129, %swap3A_130] {strides = array<i32>} : memref<16x128xf32, #tpu.memory_space<vmem>>, vector<1x16xf32>,
      %swap3A_132 = vector.shape_cast %swap3A_131 : vector<1x16xf32> to vector<16xf32>
      %swap3A_133 = vector.shape_cast %broadcast_in_dim3A_85 : vector<16xf32> to vector<1x16xf32>
      tpu.vector_store %arg7[%swap3A_129, %swap3A_130], %swap3A_133 {strides = array<i32>} : memref<16x128xf32, #tpu.memory_space<vmem>>, vector<1x16xf32>,
      %swap3A_134 = arith.index_cast %add3A_114 : i32 to index
      %swap3A_135 = arith.constant 64 : index
      %swap3A_136 = tpu.vector_load %arg7[%swap3A_134, %swap3A_135] {strides = array<i32>} : memref<16x128xf32, #tpu.memory_space<vmem>>, vector<1x16xf32>,
      %swap3A_137 = vector.shape_cast %swap3A_136 : vector<1x16xf32> to vector<16xf32>
      %swap3A_138 = vector.shape_cast %broadcast_in_dim3A_85 : vector<16xf32> to vector<1x16xf32>
      tpu.vector_store %arg7[%swap3A_134, %swap3A_135], %swap3A_138 {strides = array<i32>} : memref<16x128xf32, #tpu.memory_space<vmem>>, vector<1x16xf32>,
      %swap3A_139 = arith.index_cast %add3A_114 : i32 to index
      %swap3A_140 = arith.constant 80 : index
      %swap3A_141 = tpu.vector_load %arg7[%swap3A_139, %swap3A_140] {strides = array<i32>} : memref<16x128xf32, #tpu.memory_space<vmem>>, vector<1x16xf32>,
      %swap3A_142 = vector.shape_cast %swap3A_141 : vector<1x16xf32> to vector<16xf32>
      %swap3A_143 = vector.shape_cast %broadcast_in_dim3A_85 : vector<16xf32> to vector<1x16xf32>
      tpu.vector_store %arg7[%swap3A_139, %swap3A_140], %swap3A_143 {strides = array<i32>} : memref<16x128xf32, #tpu.memory_space<vmem>>, vector<1x16xf32>,
      %swap3A_144 = arith.index_cast %add3A_114 : i32 to index
      %swap3A_145 = arith.constant 96 : index
      %swap3A_146 = tpu.vector_load %arg7[%swap3A_144, %swap3A_145] {strides = array<i32>} : memref<16x128xf32, #tpu.memory_space<vmem>>, vector<1x16xf32>,
      %swap3A_147 = vector.shape_cast %swap3A_146 : vector<1x16xf32> to vector<16xf32>
      %swap3A_148 = vector.shape_cast %broadcast_in_dim3A_85 : vector<16xf32> to vector<1x16xf32>
      tpu.vector_store %arg7[%swap3A_144, %swap3A_145], %swap3A_148 {strides = array<i32>} : memref<16x128xf32, #tpu.memory_space<vmem>>, vector<1x16xf32>,
      %swap3A_149 = arith.index_cast %add3A_114 : i32 to index
      %swap3A_150 = arith.constant 112 : index
      %swap3A_151 = tpu.vector_load %arg7[%swap3A_149, %swap3A_150] {strides = array<i32>} : memref<16x128xf32, #tpu.memory_space<vmem>>, vector<1x16xf32>,
      %swap3A_152 = vector.shape_cast %swap3A_151 : vector<1x16xf32> to vector<16xf32>
      %swap3A_153 = vector.shape_cast %broadcast_in_dim3A_85 : vector<16xf32> to vector<1x16xf32>
      tpu.vector_store %arg7[%swap3A_149, %swap3A_150], %swap3A_153 {strides = array<i32>} : memref<16x128xf32, #tpu.memory_space<vmem>>, vector<1x16xf32>,
    }
    %scan3A_89 = arith.constant 16 : i32
    %scan3A_90 = arith.constant 0 : i32
    %scan3A_91 = arith.constant 40 : i32
    %scan3A_92 = arith.addi %scan3A_90, %scan3A_91 : i32
    %scan3A_93 = arith.constant 1 : i32
    scf.for %scan3A_111 = %scan3A_90 to %scan3A_92 step %scan3A_93  : i32 {
      %mul3A_112 = arith.constant 1 : i32
      %mul3A_113 = arith.muli %scan3A_111, %mul3A_112 : i32
      %add3A = arith.constant 0 : i32
      %add3A_114 = arith.addi %add3A, %mul3A_113 : i32
      %mul3A_115 = arith.constant 16 : i32
      %mul3A_116 = arith.muli %add3A_114, %mul3A_115 : i32
      %add3A_117 = arith.addi %mul3A_0, %mul3A_116 : i32
      %dma_start3A_118 = arith.constant 0 : i32
      %dma_start3A_119 = tpu.memref_slice %arg8[%add3A_117, %dma_start3A_118] : memref<10240x128xf32, #tpu.memory_space<vmem_shared>> -> memref<16x128xf32, #tpu.memory_space<vmem_shared>>
      %dma_start3A_120 = arith.constant 0 : i32
      %dma_start3A_121 = tpu.memref_slice %arg8[%add3A_117, %dma_start3A_120] : memref<10240x128xf32, #tpu.memory_space<vmem_shared>> -> memref<16x128xf32, #tpu.memory_space<vmem_shared>>
      tpu.enqueue_dma source(%arg7 : memref<16x128xf32, #tpu.memory_space<vmem>>) target(%dma_start3A_121 : memref<16x128xf32, #tpu.memory_space<vmem_shared>>) target_semaphore(%arg14 : memref<!tpu.dma_semaphore, #tpu.memory_space<semaphore_mem>>)
    }
    %scan3A_94 = arith.constant 40 : i32
    %scan3A_95 = arith.constant 0 : i32
    %scan3A_96 = arith.constant 40 : i32
    %scan3A_97 = arith.addi %scan3A_95, %scan3A_96 : i32
    %scan3A_98 = arith.constant 1 : i32
    scf.for %scan3A_111 = %scan3A_95 to %scan3A_97 step %scan3A_98  : i32 {
      %mul3A_112 = arith.constant 1 : i32
      %mul3A_113 = arith.muli %scan3A_111, %mul3A_112 : i32
      %add3A = arith.constant 0 : i32
      %add3A_114 = arith.addi %add3A, %mul3A_113 : i32
      %dma_wait3A = arith.constant 0 : i32
      %dma_wait3A_115 = tpu.memref_slice %arg8[%mul3A_0, %dma_wait3A] : memref<10240x128xf32, #tpu.memory_space<vmem_shared>> -> memref<16x128xf32, #tpu.memory_space<vmem_shared>>
      %dma_wait3A_116 = arith.constant 0 : i32
      %dma_wait3A_117 = tpu.memref_slice %arg8[%mul3A_0, %dma_wait3A_116] : memref<10240x128xf32, #tpu.memory_space<vmem_shared>> -> memref<16x128xf32, #tpu.memory_space<vmem_shared>>
      tpu.wait_dma2 semaphore(%arg14 : memref<!tpu.dma_semaphore, #tpu.memory_space<semaphore_mem>>) src(%arg7 : memref<16x128xf32, #tpu.memory_space<vmem>>) dst(%dma_wait3A_117 : memref<16x128xf32, #tpu.memory_space<vmem_shared>>)
    }
    %scan3A_99 = arith.constant 40 : i32
    %barrier3A = arith.constant 0 : index
    tpu.barrier barrier_id(%barrier3A)
    %scan3A_100 = arith.constant 0 : i32
    %scan3A_101 = arith.constant 1 : i32
    %scan3A_102 = arith.constant 2 : i32
    %scan3A_103 = arith.constant 3 : i32
    %scan3A_104 = arith.constant 4 : i32
    %scan3A_105 = arith.constant 0 : i32
    %scan3A_106 = arith.constant 5 : i32
    %scan3A_107 = arith.addi %scan3A_105, %scan3A_106 : i32
    %scan3A_108 = arith.constant 1 : i32
    scf.for %scan3A_111 = %scan3A_105 to %scan3A_107 step %scan3A_108  : i32 {
      %mul3A_112 = arith.constant 1 : i32
      %mul3A_113 = arith.muli %scan3A_111, %mul3A_112 : i32
      %add3A = arith.constant 0 : i32
      %add3A_114 = arith.addi %add3A, %mul3A_113 : i32
      %gt3A = arith.constant 0 : i32
      %gt3A_115 = arith.cmpi sgt, %add3A_114, %gt3A : i32
      %convert_element_type3A = arith.extui %gt3A_115 : i1 to i32
      %cond3A = arith.constant 0 : i32
      %cond3A_116 = arith.cmpi ne, %convert_element_type3A, %cond3A : i32
      scf.if %cond3A_116 {
        %mul3A_210 = arith.constant 40 : i32
        %mul3A_211 = arith.muli %add3A_114, %mul3A_210 : i32
        "tpu.region"() ({
          %run_scoped3A_292 = tpu.sem_alloc : memref<!tpu.dma_semaphore, #tpu.memory_space<semaphore_mem>>
          %dma_start3A_293 = arith.constant 0 : i32
          %dma_start3A_294 = arith.constant 0 : i32
          %dma_start3A_295 = tpu.memref_slice %arg3[%dma_start3A_293, %arg1, %mul3A_211, %dma_start3A_294] : memref<2x16x200x50xi32, #tpu.memory_space<hbm>> -> memref<2x1x40x50xi32, #tpu.memory_space<hbm>>
          %dma_start3A_296 = tpu.memref_squeeze %dma_start3A_295 : memref<2x1x40x50xi32, #tpu.memory_space<hbm>> -> memref<2x40x50xi32, #tpu.memory_space<hbm>>
          %dma_start3A_297 = arith.constant 0 : i32
          %dma_start3A_298 = arith.constant 0 : i32
          %dma_start3A_299 = tpu.memref_slice %arg3[%dma_start3A_297, %arg1, %mul3A_211, %dma_start3A_298] : memref<2x16x200x50xi32, #tpu.memory_space<hbm>> -> memref<2x1x40x50xi32, #tpu.memory_space<hbm>>
          %dma_start3A_300 = tpu.memref_squeeze %dma_start3A_299 : memref<2x1x40x50xi32, #tpu.memory_space<hbm>> -> memref<2x40x50xi32, #tpu.memory_space<hbm>>
          tpu.enqueue_dma source(%dma_start3A_300 : memref<2x40x50xi32, #tpu.memory_space<hbm>>) target(%arg5 : memref<2x40x50xi32, #tpu.memory_space<vmem>>) target_semaphore(%run_scoped3A_292 : memref<!tpu.dma_semaphore, #tpu.memory_space<semaphore_mem>>)
          %dma_wait3A_301 = arith.constant 0 : i32
          %dma_wait3A_302 = arith.constant 0 : i32
          %dma_wait3A_303 = tpu.memref_slice %arg3[%dma_wait3A_301, %arg1, %mul3A_211, %dma_wait3A_302] : memref<2x16x200x50xi32, #tpu.memory_space<hbm>> -> memref<2x1x40x50xi32, #tpu.memory_space<hbm>>
          %dma_wait3A_304 = tpu.memref_squeeze %dma_wait3A_303 : memref<2x1x40x50xi32, #tpu.memory_space<hbm>> -> memref<2x40x50xi32, #tpu.memory_space<hbm>>
          %dma_wait3A_305 = arith.constant 0 : i32
          %dma_wait3A_306 = arith.constant 0 : i32
          %dma_wait3A_307 = tpu.memref_slice %arg3[%dma_wait3A_305, %arg1, %mul3A_211, %dma_wait3A_306] : memref<2x16x200x50xi32, #tpu.memory_space<hbm>> -> memref<2x1x40x50xi32, #tpu.memory_space<hbm>>
          %dma_wait3A_308 = tpu.memref_squeeze %dma_wait3A_307 : memref<2x1x40x50xi32, #tpu.memory_space<hbm>> -> memref<2x40x50xi32, #tpu.memory_space<hbm>>
          tpu.wait_dma2 semaphore(%run_scoped3A_292 : memref<!tpu.dma_semaphore, #tpu.memory_space<semaphore_mem>>) src(%dma_wait3A_308 : memref<2x40x50xi32, #tpu.memory_space<hbm>>) dst(%arg5 : memref<2x40x50xi32, #tpu.memory_space<vmem>>)
          tpu.yield
        }) : () -> ()
        %dma_start3A_212 = arith.constant 0 : i32
        %dma_start3A_213 = arith.constant 0 : i32
        %dma_start3A_214 = arith.constant 0 : i32
        %dma_start3A_215 = arith.constant 0 : i32
        %dma_start3A_216 = tpu.memref_slice %arg6[%scan3A_100, %dma_start3A_214, %dma_start3A_215] : memref<5x50x128xf32, #tpu.memory_space<vmem>> -> memref<1x50x128xf32, #tpu.memory_space<vmem>>
        %dma_start3A_217 = tpu.memref_squeeze %dma_start3A_216 : memref<1x50x128xf32, #tpu.memory_space<vmem>> -> memref<50x128xf32, #tpu.memory_space<vmem>>
        %dma_start3A_218 = arith.constant 0 : i32
        %dma_start3A_219 = tpu.memref_slice %arg5[%dma_start3A_212, %dma_start3A_213, %dma_start3A_218] : memref<2x40x50xi32, #tpu.memory_space<vmem>> -> memref<1x1x50xi32, #tpu.memory_space<vmem>>
        %dma_start3A_220 = tpu.memref_squeeze %dma_start3A_219 : memref<1x1x50xi32, #tpu.memory_space<vmem>> -> memref<50xi32, #tpu.memory_space<vmem>>
        %dma_start3A_221 = arith.constant 0 : i32
        %dma_start3A_222 = arith.constant 0 : i32
        %dma_start3A_223 = tpu.memref_slice %arg2[%arg0, %dma_start3A_221, %dma_start3A_222] : memref<2x10000x128xf32, #tpu.memory_space<hbm>> -> memref<1x10000x128xf32, #tpu.memory_space<hbm>>
        %dma_start3A_224 = tpu.memref_squeeze %dma_start3A_223 : memref<1x10000x128xf32, #tpu.memory_space<hbm>> -> memref<10000x128xf32, #tpu.memory_space<hbm>>
        %dma_start3A_225 = arith.constant 0 : i32
        %dma_start3A_226 = arith.constant 0 : i32
        %dma_start3A_227 = tpu.memref_slice %dma_start3A_224[%dma_start3A_225, %dma_start3A_226] : memref<10000x128xf32, #tpu.memory_space<hbm>> -> memref<10000x128xf32, #tpu.memory_space<hbm>>
        tpu.enqueue_indirect_dma source(%dma_start3A_227 : memref<10000x128xf32, #tpu.memory_space<hbm>>) target(%dma_start3A_217 : memref<50x128xf32, #tpu.memory_space<vmem>>) offsets(%dma_start3A_220 : memref<50xi32, #tpu.memory_space<vmem>>) semaphore(%arg9 : memref<!tpu.dma_semaphore, #tpu.memory_space<semaphore_mem>>)
        %dma_start3A_228 = arith.constant 0 : i32
        %dma_start3A_229 = arith.constant 1 : i32
        %dma_start3A_230 = arith.constant 0 : i32
        %dma_start3A_231 = arith.constant 0 : i32
        %dma_start3A_232 = tpu.memref_slice %arg6[%scan3A_101, %dma_start3A_230, %dma_start3A_231] : memref<5x50x128xf32, #tpu.memory_space<vmem>> -> memref<1x50x128xf32, #tpu.memory_space<vmem>>
        %dma_start3A_233 = tpu.memref_squeeze %dma_start3A_232 : memref<1x50x128xf32, #tpu.memory_space<vmem>> -> memref<50x128xf32, #tpu.memory_space<vmem>>
        %dma_start3A_234 = arith.constant 0 : i32
        %dma_start3A_235 = tpu.memref_slice %arg5[%dma_start3A_228, %dma_start3A_229, %dma_start3A_234] : memref<2x40x50xi32, #tpu.memory_space<vmem>> -> memref<1x1x50xi32, #tpu.memory_space<vmem>>
        %dma_start3A_236 = tpu.memref_squeeze %dma_start3A_235 : memref<1x1x50xi32, #tpu.memory_space<vmem>> -> memref<50xi32, #tpu.memory_space<vmem>>
        %dma_start3A_237 = arith.constant 0 : i32
        %dma_start3A_238 = arith.constant 0 : i32
        %dma_start3A_239 = tpu.memref_slice %arg2[%arg0, %dma_start3A_237, %dma_start3A_238] : memref<2x10000x128xf32, #tpu.memory_space<hbm>> -> memref<1x10000x128xf32, #tpu.memory_space<hbm>>
        %dma_start3A_240 = tpu.memref_squeeze %dma_start3A_239 : memref<1x10000x128xf32, #tpu.memory_space<hbm>> -> memref<10000x128xf32, #tpu.memory_space<hbm>>
        %dma_start3A_241 = arith.constant 0 : i32
        %dma_start3A_242 = arith.constant 0 : i32
        %dma_start3A_243 = tpu.memref_slice %dma_start3A_240[%dma_start3A_241, %dma_start3A_242] : memref<10000x128xf32, #tpu.memory_space<hbm>> -> memref<10000x128xf32, #tpu.memory_space<hbm>>
        tpu.enqueue_indirect_dma source(%dma_start3A_243 : memref<10000x128xf32, #tpu.memory_space<hbm>>) target(%dma_start3A_233 : memref<50x128xf32, #tpu.memory_space<vmem>>) offsets(%dma_start3A_236 : memref<50xi32, #tpu.memory_space<vmem>>) semaphore(%arg10 : memref<!tpu.dma_semaphore, #tpu.memory_space<semaphore_mem>>)
        %dma_start3A_244 = arith.constant 0 : i32
        %dma_start3A_245 = arith.constant 2 : i32
        %dma_start3A_246 = arith.constant 0 : i32
        %dma_start3A_247 = arith.constant 0 : i32
        %dma_start3A_248 = tpu.memref_slice %arg6[%scan3A_102, %dma_start3A_246, %dma_start3A_247] : memref<5x50x128xf32, #tpu.memory_space<vmem>> -> memref<1x50x128xf32, #tpu.memory_space<vmem>>
        %dma_start3A_249 = tpu.memref_squeeze %dma_start3A_248 : memref<1x50x128xf32, #tpu.memory_space<vmem>> -> memref<50x128xf32, #tpu.memory_space<vmem>>
        %dma_start3A_250 = arith.constant 0 : i32
        %dma_start3A_251 = tpu.memref_slice %arg5[%dma_start3A_244, %dma_start3A_245, %dma_start3A_250] : memref<2x40x50xi32, #tpu.memory_space<vmem>> -> memref<1x1x50xi32, #tpu.memory_space<vmem>>
        %dma_start3A_252 = tpu.memref_squeeze %dma_start3A_251 : memref<1x1x50xi32, #tpu.memory_space<vmem>> -> memref<50xi32, #tpu.memory_space<vmem>>
        %dma_start3A_253 = arith.constant 0 : i32
        %dma_start3A_254 = arith.constant 0 : i32
        %dma_start3A_255 = tpu.memref_slice %arg2[%arg0, %dma_start3A_253, %dma_start3A_254] : memref<2x10000x128xf32, #tpu.memory_space<hbm>> -> memref<1x10000x128xf32, #tpu.memory_space<hbm>>
        %dma_start3A_256 = tpu.memref_squeeze %dma_start3A_255 : memref<1x10000x128xf32, #tpu.memory_space<hbm>> -> memref<10000x128xf32, #tpu.memory_space<hbm>>
        %dma_start3A_257 = arith.constant 0 : i32
        %dma_start3A_258 = arith.constant 0 : i32
        %dma_start3A_259 = tpu.memref_slice %dma_start3A_256[%dma_start3A_257, %dma_start3A_258] : memref<10000x128xf32, #tpu.memory_space<hbm>> -> memref<10000x128xf32, #tpu.memory_space<hbm>>
        tpu.enqueue_indirect_dma source(%dma_start3A_259 : memref<10000x128xf32, #tpu.memory_space<hbm>>) target(%dma_start3A_249 : memref<50x128xf32, #tpu.memory_space<vmem>>) offsets(%dma_start3A_252 : memref<50xi32, #tpu.memory_space<vmem>>) semaphore(%arg11 : memref<!tpu.dma_semaphore, #tpu.memory_space<semaphore_mem>>)
        %dma_start3A_260 = arith.constant 0 : i32
        %dma_start3A_261 = arith.constant 3 : i32
        %dma_start3A_262 = arith.constant 0 : i32
        %dma_start3A_263 = arith.constant 0 : i32
        %dma_start3A_264 = tpu.memref_slice %arg6[%scan3A_103, %dma_start3A_262, %dma_start3A_263] : memref<5x50x128xf32, #tpu.memory_space<vmem>> -> memref<1x50x128xf32, #tpu.memory_space<vmem>>
        %dma_start3A_265 = tpu.memref_squeeze %dma_start3A_264 : memref<1x50x128xf32, #tpu.memory_space<vmem>> -> memref<50x128xf32, #tpu.memory_space<vmem>>
        %dma_start3A_266 = arith.constant 0 : i32
        %dma_start3A_267 = tpu.memref_slice %arg5[%dma_start3A_260, %dma_start3A_261, %dma_start3A_266] : memref<2x40x50xi32, #tpu.memory_space<vmem>> -> memref<1x1x50xi32, #tpu.memory_space<vmem>>
        %dma_start3A_268 = tpu.memref_squeeze %dma_start3A_267 : memref<1x1x50xi32, #tpu.memory_space<vmem>> -> memref<50xi32, #tpu.memory_space<vmem>>
        %dma_start3A_269 = arith.constant 0 : i32
        %dma_start3A_270 = arith.constant 0 : i32
        %dma_start3A_271 = tpu.memref_slice %arg2[%arg0, %dma_start3A_269, %dma_start3A_270] : memref<2x10000x128xf32, #tpu.memory_space<hbm>> -> memref<1x10000x128xf32, #tpu.memory_space<hbm>>
        %dma_start3A_272 = tpu.memref_squeeze %dma_start3A_271 : memref<1x10000x128xf32, #tpu.memory_space<hbm>> -> memref<10000x128xf32, #tpu.memory_space<hbm>>
        %dma_start3A_273 = arith.constant 0 : i32
        %dma_start3A_274 = arith.constant 0 : i32
        %dma_start3A_275 = tpu.memref_slice %dma_start3A_272[%dma_start3A_273, %dma_start3A_274] : memref<10000x128xf32, #tpu.memory_space<hbm>> -> memref<10000x128xf32, #tpu.memory_space<hbm>>
        tpu.enqueue_indirect_dma source(%dma_start3A_275 : memref<10000x128xf32, #tpu.memory_space<hbm>>) target(%dma_start3A_265 : memref<50x128xf32, #tpu.memory_space<vmem>>) offsets(%dma_start3A_268 : memref<50xi32, #tpu.memory_space<vmem>>) semaphore(%arg12 : memref<!tpu.dma_semaphore, #tpu.memory_space<semaphore_mem>>)
        %dma_start3A_276 = arith.constant 0 : i32
        %dma_start3A_277 = arith.constant 4 : i32
        %dma_start3A_278 = arith.constant 0 : i32
        %dma_start3A_279 = arith.constant 0 : i32
        %dma_start3A_280 = tpu.memref_slice %arg6[%scan3A_104, %dma_start3A_278, %dma_start3A_279] : memref<5x50x128xf32, #tpu.memory_space<vmem>> -> memref<1x50x128xf32, #tpu.memory_space<vmem>>
        %dma_start3A_281 = tpu.memref_squeeze %dma_start3A_280 : memref<1x50x128xf32, #tpu.memory_space<vmem>> -> memref<50x128xf32, #tpu.memory_space<vmem>>
        %dma_start3A_282 = arith.constant 0 : i32
        %dma_start3A_283 = tpu.memref_slice %arg5[%dma_start3A_276, %dma_start3A_277, %dma_start3A_282] : memref<2x40x50xi32, #tpu.memory_space<vmem>> -> memref<1x1x50xi32, #tpu.memory_space<vmem>>
        %dma_start3A_284 = tpu.memref_squeeze %dma_start3A_283 : memref<1x1x50xi32, #tpu.memory_space<vmem>> -> memref<50xi32, #tpu.memory_space<vmem>>
        %dma_start3A_285 = arith.constant 0 : i32
        %dma_start3A_286 = arith.constant 0 : i32
        %dma_start3A_287 = tpu.memref_slice %arg2[%arg0, %dma_start3A_285, %dma_start3A_286] : memref<2x10000x128xf32, #tpu.memory_space<hbm>> -> memref<1x10000x128xf32, #tpu.memory_space<hbm>>
        %dma_start3A_288 = tpu.memref_squeeze %dma_start3A_287 : memref<1x10000x128xf32, #tpu.memory_space<hbm>> -> memref<10000x128xf32, #tpu.memory_space<hbm>>
        %dma_start3A_289 = arith.constant 0 : i32
        %dma_start3A_290 = arith.constant 0 : i32
        %dma_start3A_291 = tpu.memref_slice %dma_start3A_288[%dma_start3A_289, %dma_start3A_290] : memref<10000x128xf32, #tpu.memory_space<hbm>> -> memref<10000x128xf32, #tpu.memory_space<hbm>>
        tpu.enqueue_indirect_dma source(%dma_start3A_291 : memref<10000x128xf32, #tpu.memory_space<hbm>>) target(%dma_start3A_281 : memref<50x128xf32, #tpu.memory_space<vmem>>) offsets(%dma_start3A_284 : memref<50xi32, #tpu.memory_space<vmem>>) semaphore(%arg13 : memref<!tpu.dma_semaphore, #tpu.memory_space<semaphore_mem>>)
      } else {
      }
      %scan3A_117 = arith.constant 0 : i32
      %scan3A_118 = arith.constant 7 : i32
      %scan3A_119 = arith.addi %scan3A_117, %scan3A_118 : i32
      %scan3A_120 = arith.constant 1 : i32
      scf.for %scan3A_210 = %scan3A_117 to %scan3A_119 step %scan3A_120  : i32 {
        %mul3A_211 = arith.constant 5 : i32
        %mul3A_212 = arith.muli %scan3A_210, %mul3A_211 : i32
        %add3A_213 = arith.constant 0 : i32
        %add3A_214 = arith.addi %add3A_213, %mul3A_212 : i32
        %dma_wait3A_215 = arith.constant 0 : i32
        %dma_wait3A_216 = arith.constant 0 : i32
        %dma_wait3A_217 = arith.constant 0 : i32
        %dma_wait3A_218 = arith.constant 0 : i32
        %dma_wait3A_219 = tpu.memref_slice %arg6[%scan3A_100, %dma_wait3A_217, %dma_wait3A_218] : memref<5x50x128xf32, #tpu.memory_space<vmem>> -> memref<1x50x128xf32, #tpu.memory_space<vmem>>
        %dma_wait3A_220 = tpu.memref_squeeze %dma_wait3A_219 : memref<1x50x128xf32, #tpu.memory_space<vmem>> -> memref<50x128xf32, #tpu.memory_space<vmem>>
        %dma_wait3A_221 = arith.constant 0 : i32
        %dma_wait3A_222 = tpu.memref_slice %arg5[%dma_wait3A_215, %dma_wait3A_216, %dma_wait3A_221] : memref<2x40x50xi32, #tpu.memory_space<vmem>> -> memref<1x1x50xi32, #tpu.memory_space<vmem>>
        %dma_wait3A_223 = tpu.memref_squeeze %dma_wait3A_222 : memref<1x1x50xi32, #tpu.memory_space<vmem>> -> memref<50xi32, #tpu.memory_space<vmem>>
        %dma_wait3A_224 = arith.constant 0 : i32
        %dma_wait3A_225 = arith.constant 0 : i32
        %dma_wait3A_226 = tpu.memref_slice %arg2[%arg0, %dma_wait3A_224, %dma_wait3A_225] : memref<2x10000x128xf32, #tpu.memory_space<hbm>> -> memref<1x10000x128xf32, #tpu.memory_space<hbm>>
        %dma_wait3A_227 = tpu.memref_squeeze %dma_wait3A_226 : memref<1x10000x128xf32, #tpu.memory_space<hbm>> -> memref<10000x128xf32, #tpu.memory_space<hbm>>
        %dma_wait3A_228 = arith.constant 0 : i32
        %dma_wait3A_229 = arith.constant 0 : i32
        %dma_wait3A_230 = tpu.memref_slice %dma_wait3A_227[%dma_wait3A_228, %dma_wait3A_229] : memref<10000x128xf32, #tpu.memory_space<hbm>> -> memref<10000x128xf32, #tpu.memory_space<hbm>>
        tpu.wait_indirect_dma semaphore(%arg9 : memref<!tpu.dma_semaphore, #tpu.memory_space<semaphore_mem>>) src(%dma_wait3A_230 : memref<10000x128xf32, #tpu.memory_space<hbm>>) dst(%dma_wait3A_220 : memref<50x128xf32, #tpu.memory_space<vmem>>)
        %add3A_231 = arith.constant 0 : i32
        %add3A_232 = arith.addi %add3A_214, %add3A_231 : i32
        %run_scoped3A_233 = arith.constant 1 : i32
        "tpu.region"() ({
          %run_scoped3A_405 = tpu.sem_alloc : memref<!tpu.dma_semaphore, #tpu.memory_space<semaphore_mem>>
          %dma_start3A_406 = arith.constant 0 : i32
          %dma_start3A_407 = arith.constant 0 : i32
          %dma_start3A_408 = tpu.memref_slice %arg6[%scan3A_100, %dma_start3A_406, %dma_start3A_407] : memref<5x50x128xf32, #tpu.memory_space<vmem>> -> memref<1x50x128xf32, #tpu.memory_space<vmem>>
          %dma_start3A_409 = tpu.memref_squeeze %dma_start3A_408 : memref<1x50x128xf32, #tpu.memory_space<vmem>> -> memref<50x128xf32, #tpu.memory_space<vmem>>
          %dma_start3A_410 = arith.constant 0 : i32
          %dma_start3A_411 = tpu.memref_slice %arg5[%run_scoped3A_233, %add3A_232, %dma_start3A_410] : memref<2x40x50xi32, #tpu.memory_space<vmem>> -> memref<1x1x50xi32, #tpu.memory_space<vmem>>
          %dma_start3A_412 = tpu.memref_squeeze %dma_start3A_411 : memref<1x1x50xi32, #tpu.memory_space<vmem>> -> memref<50xi32, #tpu.memory_space<vmem>>
          %dma_start3A_413 = arith.constant 0 : i32
          %dma_start3A_414 = arith.constant 0 : i32
          %dma_start3A_415 = tpu.memref_slice %arg8[%dma_start3A_413, %dma_start3A_414] : memref<10240x128xf32, #tpu.memory_space<vmem_shared>> -> memref<10240x128xf32, #tpu.memory_space<vmem_shared>>
          tpu.enqueue_indirect_dma source(%dma_start3A_409 : memref<50x128xf32, #tpu.memory_space<vmem>>) target(%dma_start3A_415 : memref<10240x128xf32, #tpu.memory_space<vmem_shared>>) offsets(%dma_start3A_412 : memref<50xi32, #tpu.memory_space<vmem>>) semaphore(%run_scoped3A_405 : memref<!tpu.dma_semaphore, #tpu.memory_space<semaphore_mem>>) {add = true}
          %dma_wait3A_416 = arith.constant 0 : i32
          %dma_wait3A_417 = arith.constant 0 : i32
          %dma_wait3A_418 = tpu.memref_slice %arg6[%scan3A_100, %dma_wait3A_416, %dma_wait3A_417] : memref<5x50x128xf32, #tpu.memory_space<vmem>> -> memref<1x50x128xf32, #tpu.memory_space<vmem>>
          %dma_wait3A_419 = tpu.memref_squeeze %dma_wait3A_418 : memref<1x50x128xf32, #tpu.memory_space<vmem>> -> memref<50x128xf32, #tpu.memory_space<vmem>>
          %dma_wait3A_420 = arith.constant 0 : i32
          %dma_wait3A_421 = tpu.memref_slice %arg5[%run_scoped3A_233, %add3A_232, %dma_wait3A_420] : memref<2x40x50xi32, #tpu.memory_space<vmem>> -> memref<1x1x50xi32, #tpu.memory_space<vmem>>
          %dma_wait3A_422 = tpu.memref_squeeze %dma_wait3A_421 : memref<1x1x50xi32, #tpu.memory_space<vmem>> -> memref<50xi32, #tpu.memory_space<vmem>>
          %dma_wait3A_423 = arith.constant 0 : i32
          %dma_wait3A_424 = arith.constant 0 : i32
          %dma_wait3A_425 = tpu.memref_slice %arg8[%dma_wait3A_423, %dma_wait3A_424] : memref<10240x128xf32, #tpu.memory_space<vmem_shared>> -> memref<10240x128xf32, #tpu.memory_space<vmem_shared>>
          tpu.wait_indirect_dma semaphore(%run_scoped3A_405 : memref<!tpu.dma_semaphore, #tpu.memory_space<semaphore_mem>>) src(%dma_wait3A_419 : memref<50x128xf32, #tpu.memory_space<vmem>>) dst(%dma_wait3A_425 : memref<10240x128xf32, #tpu.memory_space<vmem_shared>>)
          tpu.yield
        }) : () -> ()
        %add3A_234 = arith.constant 0 : i32
        %add3A_235 = arith.addi %add3A_214, %add3A_234 : i32
        %add3A_236 = arith.constant 5 : i32
        %add3A_237 = arith.addi %add3A_235, %add3A_236 : i32
        %dma_start3A_238 = arith.constant 0 : i32
        %dma_start3A_239 = arith.constant 0 : i32
        %dma_start3A_240 = arith.constant 0 : i32
        %dma_start3A_241 = tpu.memref_slice %arg6[%scan3A_100, %dma_start3A_239, %dma_start3A_240] : memref<5x50x128xf32, #tpu.memory_space<vmem>> -> memref<1x50x128xf32, #tpu.memory_space<vmem>>
        %dma_start3A_242 = tpu.memref_squeeze %dma_start3A_241 : memref<1x50x128xf32, #tpu.memory_space<vmem>> -> memref<50x128xf32, #tpu.memory_space<vmem>>
        %dma_start3A_243 = arith.constant 0 : i32
        %dma_start3A_244 = tpu.memref_slice %arg5[%dma_start3A_238, %add3A_237, %dma_start3A_243] : memref<2x40x50xi32, #tpu.memory_space<vmem>> -> memref<1x1x50xi32, #tpu.memory_space<vmem>>
        %dma_start3A_245 = tpu.memref_squeeze %dma_start3A_244 : memref<1x1x50xi32, #tpu.memory_space<vmem>> -> memref<50xi32, #tpu.memory_space<vmem>>
        %dma_start3A_246 = arith.constant 0 : i32
        %dma_start3A_247 = arith.constant 0 : i32
        %dma_start3A_248 = tpu.memref_slice %arg2[%arg0, %dma_start3A_246, %dma_start3A_247] : memref<2x10000x128xf32, #tpu.memory_space<hbm>> -> memref<1x10000x128xf32, #tpu.memory_space<hbm>>
        %dma_start3A_249 = tpu.memref_squeeze %dma_start3A_248 : memref<1x10000x128xf32, #tpu.memory_space<hbm>> -> memref<10000x128xf32, #tpu.memory_space<hbm>>
        %dma_start3A_250 = arith.constant 0 : i32
        %dma_start3A_251 = arith.constant 0 : i32
        %dma_start3A_252 = tpu.memref_slice %dma_start3A_249[%dma_start3A_250, %dma_start3A_251] : memref<10000x128xf32, #tpu.memory_space<hbm>> -> memref<10000x128xf32, #tpu.memory_space<hbm>>
        tpu.enqueue_indirect_dma source(%dma_start3A_252 : memref<10000x128xf32, #tpu.memory_space<hbm>>) target(%dma_start3A_242 : memref<50x128xf32, #tpu.memory_space<vmem>>) offsets(%dma_start3A_245 : memref<50xi32, #tpu.memory_space<vmem>>) semaphore(%arg9 : memref<!tpu.dma_semaphore, #tpu.memory_space<semaphore_mem>>)
        %dma_wait3A_253 = arith.constant 0 : i32
        %dma_wait3A_254 = arith.constant 0 : i32
        %dma_wait3A_255 = arith.constant 0 : i32
        %dma_wait3A_256 = arith.constant 0 : i32
        %dma_wait3A_257 = tpu.memref_slice %arg6[%scan3A_101, %dma_wait3A_255, %dma_wait3A_256] : memref<5x50x128xf32, #tpu.memory_space<vmem>> -> memref<1x50x128xf32, #tpu.memory_space<vmem>>
        %dma_wait3A_258 = tpu.memref_squeeze %dma_wait3A_257 : memref<1x50x128xf32, #tpu.memory_space<vmem>> -> memref<50x128xf32, #tpu.memory_space<vmem>>
        %dma_wait3A_259 = arith.constant 0 : i32
        %dma_wait3A_260 = tpu.memref_slice %arg5[%dma_wait3A_253, %dma_wait3A_254, %dma_wait3A_259] : memref<2x40x50xi32, #tpu.memory_space<vmem>> -> memref<1x1x50xi32, #tpu.memory_space<vmem>>
        %dma_wait3A_261 = tpu.memref_squeeze %dma_wait3A_260 : memref<1x1x50xi32, #tpu.memory_space<vmem>> -> memref<50xi32, #tpu.memory_space<vmem>>
        %dma_wait3A_262 = arith.constant 0 : i32
        %dma_wait3A_263 = arith.constant 0 : i32
        %dma_wait3A_264 = tpu.memref_slice %arg2[%arg0, %dma_wait3A_262, %dma_wait3A_263] : memref<2x10000x128xf32, #tpu.memory_space<hbm>> -> memref<1x10000x128xf32, #tpu.memory_space<hbm>>
        %dma_wait3A_265 = tpu.memref_squeeze %dma_wait3A_264 : memref<1x10000x128xf32, #tpu.memory_space<hbm>> -> memref<10000x128xf32, #tpu.memory_space<hbm>>
        %dma_wait3A_266 = arith.constant 0 : i32
        %dma_wait3A_267 = arith.constant 0 : i32
        %dma_wait3A_268 = tpu.memref_slice %dma_wait3A_265[%dma_wait3A_266, %dma_wait3A_267] : memref<10000x128xf32, #tpu.memory_space<hbm>> -> memref<10000x128xf32, #tpu.memory_space<hbm>>
        tpu.wait_indirect_dma semaphore(%arg10 : memref<!tpu.dma_semaphore, #tpu.memory_space<semaphore_mem>>) src(%dma_wait3A_268 : memref<10000x128xf32, #tpu.memory_space<hbm>>) dst(%dma_wait3A_258 : memref<50x128xf32, #tpu.memory_space<vmem>>)
        %add3A_269 = arith.constant 1 : i32
        %add3A_270 = arith.addi %add3A_214, %add3A_269 : i32
        %run_scoped3A_271 = arith.constant 1 : i32
        "tpu.region"() ({
          %run_scoped3A_405 = tpu.sem_alloc : memref<!tpu.dma_semaphore, #tpu.memory_space<semaphore_mem>>
          %dma_start3A_406 = arith.constant 0 : i32
          %dma_start3A_407 = arith.constant 0 : i32
          %dma_start3A_408 = tpu.memref_slice %arg6[%scan3A_101, %dma_start3A_406, %dma_start3A_407] : memref<5x50x128xf32, #tpu.memory_space<vmem>> -> memref<1x50x128xf32, #tpu.memory_space<vmem>>
          %dma_start3A_409 = tpu.memref_squeeze %dma_start3A_408 : memref<1x50x128xf32, #tpu.memory_space<vmem>> -> memref<50x128xf32, #tpu.memory_space<vmem>>
          %dma_start3A_410 = arith.constant 0 : i32
          %dma_start3A_411 = tpu.memref_slice %arg5[%run_scoped3A_271, %add3A_270, %dma_start3A_410] : memref<2x40x50xi32, #tpu.memory_space<vmem>> -> memref<1x1x50xi32, #tpu.memory_space<vmem>>
          %dma_start3A_412 = tpu.memref_squeeze %dma_start3A_411 : memref<1x1x50xi32, #tpu.memory_space<vmem>> -> memref<50xi32, #tpu.memory_space<vmem>>
          %dma_start3A_413 = arith.constant 0 : i32
          %dma_start3A_414 = arith.constant 0 : i32
          %dma_start3A_415 = tpu.memref_slice %arg8[%dma_start3A_413, %dma_start3A_414] : memref<10240x128xf32, #tpu.memory_space<vmem_shared>> -> memref<10240x128xf32, #tpu.memory_space<vmem_shared>>
          tpu.enqueue_indirect_dma source(%dma_start3A_409 : memref<50x128xf32, #tpu.memory_space<vmem>>) target(%dma_start3A_415 : memref<10240x128xf32, #tpu.memory_space<vmem_shared>>) offsets(%dma_start3A_412 : memref<50xi32, #tpu.memory_space<vmem>>) semaphore(%run_scoped3A_405 : memref<!tpu.dma_semaphore, #tpu.memory_space<semaphore_mem>>) {add = true}
          %dma_wait3A_416 = arith.constant 0 : i32
          %dma_wait3A_417 = arith.constant 0 : i32
          %dma_wait3A_418 = tpu.memref_slice %arg6[%scan3A_101, %dma_wait3A_416, %dma_wait3A_417] : memref<5x50x128xf32, #tpu.memory_space<vmem>> -> memref<1x50x128xf32, #tpu.memory_space<vmem>>
          %dma_wait3A_419 = tpu.memref_squeeze %dma_wait3A_418 : memref<1x50x128xf32, #tpu.memory_space<vmem>> -> memref<50x128xf32, #tpu.memory_space<vmem>>
          %dma_wait3A_420 = arith.constant 0 : i32
          %dma_wait3A_421 = tpu.memref_slice %arg5[%run_scoped3A_271, %add3A_270, %dma_wait3A_420] : memref<2x40x50xi32, #tpu.memory_space<vmem>> -> memref<1x1x50xi32, #tpu.memory_space<vmem>>
          %dma_wait3A_422 = tpu.memref_squeeze %dma_wait3A_421 : memref<1x1x50xi32, #tpu.memory_space<vmem>> -> memref<50xi32, #tpu.memory_space<vmem>>
          %dma_wait3A_423 = arith.constant 0 : i32
          %dma_wait3A_424 = arith.constant 0 : i32
          %dma_wait3A_425 = tpu.memref_slice %arg8[%dma_wait3A_423, %dma_wait3A_424] : memref<10240x128xf32, #tpu.memory_space<vmem_shared>> -> memref<10240x128xf32, #tpu.memory_space<vmem_shared>>
          tpu.wait_indirect_dma semaphore(%run_scoped3A_405 : memref<!tpu.dma_semaphore, #tpu.memory_space<semaphore_mem>>) src(%dma_wait3A_419 : memref<50x128xf32, #tpu.memory_space<vmem>>) dst(%dma_wait3A_425 : memref<10240x128xf32, #tpu.memory_space<vmem_shared>>)
          tpu.yield
        }) : () -> ()
        %add3A_272 = arith.constant 1 : i32
        %add3A_273 = arith.addi %add3A_214, %add3A_272 : i32
        %add3A_274 = arith.constant 5 : i32
        %add3A_275 = arith.addi %add3A_273, %add3A_274 : i32
        %dma_start3A_276 = arith.constant 0 : i32
        %dma_start3A_277 = arith.constant 0 : i32
        %dma_start3A_278 = arith.constant 0 : i32
        %dma_start3A_279 = tpu.memref_slice %arg6[%scan3A_101, %dma_start3A_277, %dma_start3A_278] : memref<5x50x128xf32, #tpu.memory_space<vmem>> -> memref<1x50x128xf32, #tpu.memory_space<vmem>>
        %dma_start3A_280 = tpu.memref_squeeze %dma_start3A_279 : memref<1x50x128xf32, #tpu.memory_space<vmem>> -> memref<50x128xf32, #tpu.memory_space<vmem>>
        %dma_start3A_281 = arith.constant 0 : i32
        %dma_start3A_282 = tpu.memref_slice %arg5[%dma_start3A_276, %add3A_275, %dma_start3A_281] : memref<2x40x50xi32, #tpu.memory_space<vmem>> -> memref<1x1x50xi32, #tpu.memory_space<vmem>>
        %dma_start3A_283 = tpu.memref_squeeze %dma_start3A_282 : memref<1x1x50xi32, #tpu.memory_space<vmem>> -> memref<50xi32, #tpu.memory_space<vmem>>
        %dma_start3A_284 = arith.constant 0 : i32
        %dma_start3A_285 = arith.constant 0 : i32
        %dma_start3A_286 = tpu.memref_slice %arg2[%arg0, %dma_start3A_284, %dma_start3A_285] : memref<2x10000x128xf32, #tpu.memory_space<hbm>> -> memref<1x10000x128xf32, #tpu.memory_space<hbm>>
        %dma_start3A_287 = tpu.memref_squeeze %dma_start3A_286 : memref<1x10000x128xf32, #tpu.memory_space<hbm>> -> memref<10000x128xf32, #tpu.memory_space<hbm>>
        %dma_start3A_288 = arith.constant 0 : i32
        %dma_start3A_289 = arith.constant 0 : i32
        %dma_start3A_290 = tpu.memref_slice %dma_start3A_287[%dma_start3A_288, %dma_start3A_289] : memref<10000x128xf32, #tpu.memory_space<hbm>> -> memref<10000x128xf32, #tpu.memory_space<hbm>>
        tpu.enqueue_indirect_dma source(%dma_start3A_290 : memref<10000x128xf32, #tpu.memory_space<hbm>>) target(%dma_start3A_280 : memref<50x128xf32, #tpu.memory_space<vmem>>) offsets(%dma_start3A_283 : memref<50xi32, #tpu.memory_space<vmem>>) semaphore(%arg10 : memref<!tpu.dma_semaphore, #tpu.memory_space<semaphore_mem>>)
        %dma_wait3A_291 = arith.constant 0 : i32
        %dma_wait3A_292 = arith.constant 0 : i32
        %dma_wait3A_293 = arith.constant 0 : i32
        %dma_wait3A_294 = arith.constant 0 : i32
        %dma_wait3A_295 = tpu.memref_slice %arg6[%scan3A_102, %dma_wait3A_293, %dma_wait3A_294] : memref<5x50x128xf32, #tpu.memory_space<vmem>> -> memref<1x50x128xf32, #tpu.memory_space<vmem>>
        %dma_wait3A_296 = tpu.memref_squeeze %dma_wait3A_295 : memref<1x50x128xf32, #tpu.memory_space<vmem>> -> memref<50x128xf32, #tpu.memory_space<vmem>>
        %dma_wait3A_297 = arith.constant 0 : i32
        %dma_wait3A_298 = tpu.memref_slice %arg5[%dma_wait3A_291, %dma_wait3A_292, %dma_wait3A_297] : memref<2x40x50xi32, #tpu.memory_space<vmem>> -> memref<1x1x50xi32, #tpu.memory_space<vmem>>
        %dma_wait3A_299 = tpu.memref_squeeze %dma_wait3A_298 : memref<1x1x50xi32, #tpu.memory_space<vmem>> -> memref<50xi32, #tpu.memory_space<vmem>>
        %dma_wait3A_300 = arith.constant 0 : i32
        %dma_wait3A_301 = arith.constant 0 : i32
        %dma_wait3A_302 = tpu.memref_slice %arg2[%arg0, %dma_wait3A_300, %dma_wait3A_301] : memref<2x10000x128xf32, #tpu.memory_space<hbm>> -> memref<1x10000x128xf32, #tpu.memory_space<hbm>>
        %dma_wait3A_303 = tpu.memref_squeeze %dma_wait3A_302 : memref<1x10000x128xf32, #tpu.memory_space<hbm>> -> memref<10000x128xf32, #tpu.memory_space<hbm>>
        %dma_wait3A_304 = arith.constant 0 : i32
        %dma_wait3A_305 = arith.constant 0 : i32
        %dma_wait3A_306 = tpu.memref_slice %dma_wait3A_303[%dma_wait3A_304, %dma_wait3A_305] : memref<10000x128xf32, #tpu.memory_space<hbm>> -> memref<10000x128xf32, #tpu.memory_space<hbm>>
        tpu.wait_indirect_dma semaphore(%arg11 : memref<!tpu.dma_semaphore, #tpu.memory_space<semaphore_mem>>) src(%dma_wait3A_306 : memref<10000x128xf32, #tpu.memory_space<hbm>>) dst(%dma_wait3A_296 : memref<50x128xf32, #tpu.memory_space<vmem>>)
        %add3A_307 = arith.constant 2 : i32
        %add3A_308 = arith.addi %add3A_214, %add3A_307 : i32
        %run_scoped3A_309 = arith.constant 1 : i32
        "tpu.region"() ({
          %run_scoped3A_405 = tpu.sem_alloc : memref<!tpu.dma_semaphore, #tpu.memory_space<semaphore_mem>>
          %dma_start3A_406 = arith.constant 0 : i32
          %dma_start3A_407 = arith.constant 0 : i32
          %dma_start3A_408 = tpu.memref_slice %arg6[%scan3A_102, %dma_start3A_406, %dma_start3A_407] : memref<5x50x128xf32, #tpu.memory_space<vmem>> -> memref<1x50x128xf32, #tpu.memory_space<vmem>>
          %dma_start3A_409 = tpu.memref_squeeze %dma_start3A_408 : memref<1x50x128xf32, #tpu.memory_space<vmem>> -> memref<50x128xf32, #tpu.memory_space<vmem>>
          %dma_start3A_410 = arith.constant 0 : i32
          %dma_start3A_411 = tpu.memref_slice %arg5[%run_scoped3A_309, %add3A_308, %dma_start3A_410] : memref<2x40x50xi32, #tpu.memory_space<vmem>> -> memref<1x1x50xi32, #tpu.memory_space<vmem>>
          %dma_start3A_412 = tpu.memref_squeeze %dma_start3A_411 : memref<1x1x50xi32, #tpu.memory_space<vmem>> -> memref<50xi32, #tpu.memory_space<vmem>>
          %dma_start3A_413 = arith.constant 0 : i32
          %dma_start3A_414 = arith.constant 0 : i32
          %dma_start3A_415 = tpu.memref_slice %arg8[%dma_start3A_413, %dma_start3A_414] : memref<10240x128xf32, #tpu.memory_space<vmem_shared>> -> memref<10240x128xf32, #tpu.memory_space<vmem_shared>>
          tpu.enqueue_indirect_dma source(%dma_start3A_409 : memref<50x128xf32, #tpu.memory_space<vmem>>) target(%dma_start3A_415 : memref<10240x128xf32, #tpu.memory_space<vmem_shared>>) offsets(%dma_start3A_412 : memref<50xi32, #tpu.memory_space<vmem>>) semaphore(%run_scoped3A_405 : memref<!tpu.dma_semaphore, #tpu.memory_space<semaphore_mem>>) {add = true}
          %dma_wait3A_416 = arith.constant 0 : i32
          %dma_wait3A_417 = arith.constant 0 : i32
          %dma_wait3A_418 = tpu.memref_slice %arg6[%scan3A_102, %dma_wait3A_416, %dma_wait3A_417] : memref<5x50x128xf32, #tpu.memory_space<vmem>> -> memref<1x50x128xf32, #tpu.memory_space<vmem>>
          %dma_wait3A_419 = tpu.memref_squeeze %dma_wait3A_418 : memref<1x50x128xf32, #tpu.memory_space<vmem>> -> memref<50x128xf32, #tpu.memory_space<vmem>>
          %dma_wait3A_420 = arith.constant 0 : i32
          %dma_wait3A_421 = tpu.memref_slice %arg5[%run_scoped3A_309, %add3A_308, %dma_wait3A_420] : memref<2x40x50xi32, #tpu.memory_space<vmem>> -> memref<1x1x50xi32, #tpu.memory_space<vmem>>
          %dma_wait3A_422 = tpu.memref_squeeze %dma_wait3A_421 : memref<1x1x50xi32, #tpu.memory_space<vmem>> -> memref<50xi32, #tpu.memory_space<vmem>>
          %dma_wait3A_423 = arith.constant 0 : i32
          %dma_wait3A_424 = arith.constant 0 : i32
          %dma_wait3A_425 = tpu.memref_slice %arg8[%dma_wait3A_423, %dma_wait3A_424] : memref<10240x128xf32, #tpu.memory_space<vmem_shared>> -> memref<10240x128xf32, #tpu.memory_space<vmem_shared>>
          tpu.wait_indirect_dma semaphore(%run_scoped3A_405 : memref<!tpu.dma_semaphore, #tpu.memory_space<semaphore_mem>>) src(%dma_wait3A_419 : memref<50x128xf32, #tpu.memory_space<vmem>>) dst(%dma_wait3A_425 : memref<10240x128xf32, #tpu.memory_space<vmem_shared>>)
          tpu.yield
        }) : () -> ()
        %add3A_310 = arith.constant 2 : i32
        %add3A_311 = arith.addi %add3A_214, %add3A_310 : i32
        %add3A_312 = arith.constant 5 : i32
        %add3A_313 = arith.addi %add3A_311, %add3A_312 : i32
        %dma_start3A_314 = arith.constant 0 : i32
        %dma_start3A_315 = arith.constant 0 : i32
        %dma_start3A_316 = arith.constant 0 : i32
        %dma_start3A_317 = tpu.memref_slice %arg6[%scan3A_102, %dma_start3A_315, %dma_start3A_316] : memref<5x50x128xf32, #tpu.memory_space<vmem>> -> memref<1x50x128xf32, #tpu.memory_space<vmem>>
        %dma_start3A_318 = tpu.memref_squeeze %dma_start3A_317 : memref<1x50x128xf32, #tpu.memory_space<vmem>> -> memref<50x128xf32, #tpu.memory_space<vmem>>
        %dma_start3A_319 = arith.constant 0 : i32
        %dma_start3A_320 = tpu.memref_slice %arg5[%dma_start3A_314, %add3A_313, %dma_start3A_319] : memref<2x40x50xi32, #tpu.memory_space<vmem>> -> memref<1x1x50xi32, #tpu.memory_space<vmem>>
        %dma_start3A_321 = tpu.memref_squeeze %dma_start3A_320 : memref<1x1x50xi32, #tpu.memory_space<vmem>> -> memref<50xi32, #tpu.memory_space<vmem>>
        %dma_start3A_322 = arith.constant 0 : i32
        %dma_start3A_323 = arith.constant 0 : i32
        %dma_start3A_324 = tpu.memref_slice %arg2[%arg0, %dma_start3A_322, %dma_start3A_323] : memref<2x10000x128xf32, #tpu.memory_space<hbm>> -> memref<1x10000x128xf32, #tpu.memory_space<hbm>>
        %dma_start3A_325 = tpu.memref_squeeze %dma_start3A_324 : memref<1x10000x128xf32, #tpu.memory_space<hbm>> -> memref<10000x128xf32, #tpu.memory_space<hbm>>
        %dma_start3A_326 = arith.constant 0 : i32
        %dma_start3A_327 = arith.constant 0 : i32
        %dma_start3A_328 = tpu.memref_slice %dma_start3A_325[%dma_start3A_326, %dma_start3A_327] : memref<10000x128xf32, #tpu.memory_space<hbm>> -> memref<10000x128xf32, #tpu.memory_space<hbm>>
        tpu.enqueue_indirect_dma source(%dma_start3A_328 : memref<10000x128xf32, #tpu.memory_space<hbm>>) target(%dma_start3A_318 : memref<50x128xf32, #tpu.memory_space<vmem>>) offsets(%dma_start3A_321 : memref<50xi32, #tpu.memory_space<vmem>>) semaphore(%arg11 : memref<!tpu.dma_semaphore, #tpu.memory_space<semaphore_mem>>)
        %dma_wait3A_329 = arith.constant 0 : i32
        %dma_wait3A_330 = arith.constant 0 : i32
        %dma_wait3A_331 = arith.constant 0 : i32
        %dma_wait3A_332 = arith.constant 0 : i32
        %dma_wait3A_333 = tpu.memref_slice %arg6[%scan3A_103, %dma_wait3A_331, %dma_wait3A_332] : memref<5x50x128xf32, #tpu.memory_space<vmem>> -> memref<1x50x128xf32, #tpu.memory_space<vmem>>
        %dma_wait3A_334 = tpu.memref_squeeze %dma_wait3A_333 : memref<1x50x128xf32, #tpu.memory_space<vmem>> -> memref<50x128xf32, #tpu.memory_space<vmem>>
        %dma_wait3A_335 = arith.constant 0 : i32
        %dma_wait3A_336 = tpu.memref_slice %arg5[%dma_wait3A_329, %dma_wait3A_330, %dma_wait3A_335] : memref<2x40x50xi32, #tpu.memory_space<vmem>> -> memref<1x1x50xi32, #tpu.memory_space<vmem>>
        %dma_wait3A_337 = tpu.memref_squeeze %dma_wait3A_336 : memref<1x1x50xi32, #tpu.memory_space<vmem>> -> memref<50xi32, #tpu.memory_space<vmem>>
        %dma_wait3A_338 = arith.constant 0 : i32
        %dma_wait3A_339 = arith.constant 0 : i32
        %dma_wait3A_340 = tpu.memref_slice %arg2[%arg0, %dma_wait3A_338, %dma_wait3A_339] : memref<2x10000x128xf32, #tpu.memory_space<hbm>> -> memref<1x10000x128xf32, #tpu.memory_space<hbm>>
        %dma_wait3A_341 = tpu.memref_squeeze %dma_wait3A_340 : memref<1x10000x128xf32, #tpu.memory_space<hbm>> -> memref<10000x128xf32, #tpu.memory_space<hbm>>
        %dma_wait3A_342 = arith.constant 0 : i32
        %dma_wait3A_343 = arith.constant 0 : i32
        %dma_wait3A_344 = tpu.memref_slice %dma_wait3A_341[%dma_wait3A_342, %dma_wait3A_343] : memref<10000x128xf32, #tpu.memory_space<hbm>> -> memref<10000x128xf32, #tpu.memory_space<hbm>>
        tpu.wait_indirect_dma semaphore(%arg12 : memref<!tpu.dma_semaphore, #tpu.memory_space<semaphore_mem>>) src(%dma_wait3A_344 : memref<10000x128xf32, #tpu.memory_space<hbm>>) dst(%dma_wait3A_334 : memref<50x128xf32, #tpu.memory_space<vmem>>)
        %add3A_345 = arith.constant 3 : i32
        %add3A_346 = arith.addi %add3A_214, %add3A_345 : i32
        %run_scoped3A_347 = arith.constant 1 : i32
        "tpu.region"() ({
          %run_scoped3A_405 = tpu.sem_alloc : memref<!tpu.dma_semaphore, #tpu.memory_space<semaphore_mem>>
          %dma_start3A_406 = arith.constant 0 : i32
          %dma_start3A_407 = arith.constant 0 : i32
          %dma_start3A_408 = tpu.memref_slice %arg6[%scan3A_103, %dma_start3A_406, %dma_start3A_407] : memref<5x50x128xf32, #tpu.memory_space<vmem>> -> memref<1x50x128xf32, #tpu.memory_space<vmem>>
          %dma_start3A_409 = tpu.memref_squeeze %dma_start3A_408 : memref<1x50x128xf32, #tpu.memory_space<vmem>> -> memref<50x128xf32, #tpu.memory_space<vmem>>
          %dma_start3A_410 = arith.constant 0 : i32
          %dma_start3A_411 = tpu.memref_slice %arg5[%run_scoped3A_347, %add3A_346, %dma_start3A_410] : memref<2x40x50xi32, #tpu.memory_space<vmem>> -> memref<1x1x50xi32, #tpu.memory_space<vmem>>
          %dma_start3A_412 = tpu.memref_squeeze %dma_start3A_411 : memref<1x1x50xi32, #tpu.memory_space<vmem>> -> memref<50xi32, #tpu.memory_space<vmem>>
          %dma_start3A_413 = arith.constant 0 : i32
          %dma_start3A_414 = arith.constant 0 : i32
          %dma_start3A_415 = tpu.memref_slice %arg8[%dma_start3A_413, %dma_start3A_414] : memref<10240x128xf32, #tpu.memory_space<vmem_shared>> -> memref<10240x128xf32, #tpu.memory_space<vmem_shared>>
          tpu.enqueue_indirect_dma source(%dma_start3A_409 : memref<50x128xf32, #tpu.memory_space<vmem>>) target(%dma_start3A_415 : memref<10240x128xf32, #tpu.memory_space<vmem_shared>>) offsets(%dma_start3A_412 : memref<50xi32, #tpu.memory_space<vmem>>) semaphore(%run_scoped3A_405 : memref<!tpu.dma_semaphore, #tpu.memory_space<semaphore_mem>>) {add = true}
          %dma_wait3A_416 = arith.constant 0 : i32
          %dma_wait3A_417 = arith.constant 0 : i32
          %dma_wait3A_418 = tpu.memref_slice %arg6[%scan3A_103, %dma_wait3A_416, %dma_wait3A_417] : memref<5x50x128xf32, #tpu.memory_space<vmem>> -> memref<1x50x128xf32, #tpu.memory_space<vmem>>
          %dma_wait3A_419 = tpu.memref_squeeze %dma_wait3A_418 : memref<1x50x128xf32, #tpu.memory_space<vmem>> -> memref<50x128xf32, #tpu.memory_space<vmem>>
          %dma_wait3A_420 = arith.constant 0 : i32
          %dma_wait3A_421 = tpu.memref_slice %arg5[%run_scoped3A_347, %add3A_346, %dma_wait3A_420] : memref<2x40x50xi32, #tpu.memory_space<vmem>> -> memref<1x1x50xi32, #tpu.memory_space<vmem>>
          %dma_wait3A_422 = tpu.memref_squeeze %dma_wait3A_421 : memref<1x1x50xi32, #tpu.memory_space<vmem>> -> memref<50xi32, #tpu.memory_space<vmem>>
          %dma_wait3A_423 = arith.constant 0 : i32
          %dma_wait3A_424 = arith.constant 0 : i32
          %dma_wait3A_425 = tpu.memref_slice %arg8[%dma_wait3A_423, %dma_wait3A_424] : memref<10240x128xf32, #tpu.memory_space<vmem_shared>> -> memref<10240x128xf32, #tpu.memory_space<vmem_shared>>
          tpu.wait_indirect_dma semaphore(%run_scoped3A_405 : memref<!tpu.dma_semaphore, #tpu.memory_space<semaphore_mem>>) src(%dma_wait3A_419 : memref<50x128xf32, #tpu.memory_space<vmem>>) dst(%dma_wait3A_425 : memref<10240x128xf32, #tpu.memory_space<vmem_shared>>)
          tpu.yield
        }) : () -> ()
        %add3A_348 = arith.constant 3 : i32
        %add3A_349 = arith.addi %add3A_214, %add3A_348 : i32
        %add3A_350 = arith.constant 5 : i32
        %add3A_351 = arith.addi %add3A_349, %add3A_350 : i32
        %dma_start3A_352 = arith.constant 0 : i32
        %dma_start3A_353 = arith.constant 0 : i32
        %dma_start3A_354 = arith.constant 0 : i32
        %dma_start3A_355 = tpu.memref_slice %arg6[%scan3A_103, %dma_start3A_353, %dma_start3A_354] : memref<5x50x128xf32, #tpu.memory_space<vmem>> -> memref<1x50x128xf32, #tpu.memory_space<vmem>>
        %dma_start3A_356 = tpu.memref_squeeze %dma_start3A_355 : memref<1x50x128xf32, #tpu.memory_space<vmem>> -> memref<50x128xf32, #tpu.memory_space<vmem>>
        %dma_start3A_357 = arith.constant 0 : i32
        %dma_start3A_358 = tpu.memref_slice %arg5[%dma_start3A_352, %add3A_351, %dma_start3A_357] : memref<2x40x50xi32, #tpu.memory_space<vmem>> -> memref<1x1x50xi32, #tpu.memory_space<vmem>>
        %dma_start3A_359 = tpu.memref_squeeze %dma_start3A_358 : memref<1x1x50xi32, #tpu.memory_space<vmem>> -> memref<50xi32, #tpu.memory_space<vmem>>
        %dma_start3A_360 = arith.constant 0 : i32
        %dma_start3A_361 = arith.constant 0 : i32
        %dma_start3A_362 = tpu.memref_slice %arg2[%arg0, %dma_start3A_360, %dma_start3A_361] : memref<2x10000x128xf32, #tpu.memory_space<hbm>> -> memref<1x10000x128xf32, #tpu.memory_space<hbm>>
        %dma_start3A_363 = tpu.memref_squeeze %dma_start3A_362 : memref<1x10000x128xf32, #tpu.memory_space<hbm>> -> memref<10000x128xf32, #tpu.memory_space<hbm>>
        %dma_start3A_364 = arith.constant 0 : i32
        %dma_start3A_365 = arith.constant 0 : i32
        %dma_start3A_366 = tpu.memref_slice %dma_start3A_363[%dma_start3A_364, %dma_start3A_365] : memref<10000x128xf32, #tpu.memory_space<hbm>> -> memref<10000x128xf32, #tpu.memory_space<hbm>>
        tpu.enqueue_indirect_dma source(%dma_start3A_366 : memref<10000x128xf32, #tpu.memory_space<hbm>>) target(%dma_start3A_356 : memref<50x128xf32, #tpu.memory_space<vmem>>) offsets(%dma_start3A_359 : memref<50xi32, #tpu.memory_space<vmem>>) semaphore(%arg12 : memref<!tpu.dma_semaphore, #tpu.memory_space<semaphore_mem>>)
        %dma_wait3A_367 = arith.constant 0 : i32
        %dma_wait3A_368 = arith.constant 0 : i32
        %dma_wait3A_369 = arith.constant 0 : i32
        %dma_wait3A_370 = arith.constant 0 : i32
        %dma_wait3A_371 = tpu.memref_slice %arg6[%scan3A_104, %dma_wait3A_369, %dma_wait3A_370] : memref<5x50x128xf32, #tpu.memory_space<vmem>> -> memref<1x50x128xf32, #tpu.memory_space<vmem>>
        %dma_wait3A_372 = tpu.memref_squeeze %dma_wait3A_371 : memref<1x50x128xf32, #tpu.memory_space<vmem>> -> memref<50x128xf32, #tpu.memory_space<vmem>>
        %dma_wait3A_373 = arith.constant 0 : i32
        %dma_wait3A_374 = tpu.memref_slice %arg5[%dma_wait3A_367, %dma_wait3A_368, %dma_wait3A_373] : memref<2x40x50xi32, #tpu.memory_space<vmem>> -> memref<1x1x50xi32, #tpu.memory_space<vmem>>
        %dma_wait3A_375 = tpu.memref_squeeze %dma_wait3A_374 : memref<1x1x50xi32, #tpu.memory_space<vmem>> -> memref<50xi32, #tpu.memory_space<vmem>>
        %dma_wait3A_376 = arith.constant 0 : i32
        %dma_wait3A_377 = arith.constant 0 : i32
        %dma_wait3A_378 = tpu.memref_slice %arg2[%arg0, %dma_wait3A_376, %dma_wait3A_377] : memref<2x10000x128xf32, #tpu.memory_space<hbm>> -> memref<1x10000x128xf32, #tpu.memory_space<hbm>>
        %dma_wait3A_379 = tpu.memref_squeeze %dma_wait3A_378 : memref<1x10000x128xf32, #tpu.memory_space<hbm>> -> memref<10000x128xf32, #tpu.memory_space<hbm>>
        %dma_wait3A_380 = arith.constant 0 : i32
        %dma_wait3A_381 = arith.constant 0 : i32
        %dma_wait3A_382 = tpu.memref_slice %dma_wait3A_379[%dma_wait3A_380, %dma_wait3A_381] : memref<10000x128xf32, #tpu.memory_space<hbm>> -> memref<10000x128xf32, #tpu.memory_space<hbm>>
        tpu.wait_indirect_dma semaphore(%arg13 : memref<!tpu.dma_semaphore, #tpu.memory_space<semaphore_mem>>) src(%dma_wait3A_382 : memref<10000x128xf32, #tpu.memory_space<hbm>>) dst(%dma_wait3A_372 : memref<50x128xf32, #tpu.memory_space<vmem>>)
        %add3A_383 = arith.constant 4 : i32
        %add3A_384 = arith.addi %add3A_214, %add3A_383 : i32
        %run_scoped3A_385 = arith.constant 1 : i32
        "tpu.region"() ({
          %run_scoped3A_405 = tpu.sem_alloc : memref<!tpu.dma_semaphore, #tpu.memory_space<semaphore_mem>>
          %dma_start3A_406 = arith.constant 0 : i32
          %dma_start3A_407 = arith.constant 0 : i32
          %dma_start3A_408 = tpu.memref_slice %arg6[%scan3A_104, %dma_start3A_406, %dma_start3A_407] : memref<5x50x128xf32, #tpu.memory_space<vmem>> -> memref<1x50x128xf32, #tpu.memory_space<vmem>>
          %dma_start3A_409 = tpu.memref_squeeze %dma_start3A_408 : memref<1x50x128xf32, #tpu.memory_space<vmem>> -> memref<50x128xf32, #tpu.memory_space<vmem>>
          %dma_start3A_410 = arith.constant 0 : i32
          %dma_start3A_411 = tpu.memref_slice %arg5[%run_scoped3A_385, %add3A_384, %dma_start3A_410] : memref<2x40x50xi32, #tpu.memory_space<vmem>> -> memref<1x1x50xi32, #tpu.memory_space<vmem>>
          %dma_start3A_412 = tpu.memref_squeeze %dma_start3A_411 : memref<1x1x50xi32, #tpu.memory_space<vmem>> -> memref<50xi32, #tpu.memory_space<vmem>>
          %dma_start3A_413 = arith.constant 0 : i32
          %dma_start3A_414 = arith.constant 0 : i32
          %dma_start3A_415 = tpu.memref_slice %arg8[%dma_start3A_413, %dma_start3A_414] : memref<10240x128xf32, #tpu.memory_space<vmem_shared>> -> memref<10240x128xf32, #tpu.memory_space<vmem_shared>>
          tpu.enqueue_indirect_dma source(%dma_start3A_409 : memref<50x128xf32, #tpu.memory_space<vmem>>) target(%dma_start3A_415 : memref<10240x128xf32, #tpu.memory_space<vmem_shared>>) offsets(%dma_start3A_412 : memref<50xi32, #tpu.memory_space<vmem>>) semaphore(%run_scoped3A_405 : memref<!tpu.dma_semaphore, #tpu.memory_space<semaphore_mem>>) {add = true}
          %dma_wait3A_416 = arith.constant 0 : i32
          %dma_wait3A_417 = arith.constant 0 : i32
          %dma_wait3A_418 = tpu.memref_slice %arg6[%scan3A_104, %dma_wait3A_416, %dma_wait3A_417] : memref<5x50x128xf32, #tpu.memory_space<vmem>> -> memref<1x50x128xf32, #tpu.memory_space<vmem>>
          %dma_wait3A_419 = tpu.memref_squeeze %dma_wait3A_418 : memref<1x50x128xf32, #tpu.memory_space<vmem>> -> memref<50x128xf32, #tpu.memory_space<vmem>>
          %dma_wait3A_420 = arith.constant 0 : i32
          %dma_wait3A_421 = tpu.memref_slice %arg5[%run_scoped3A_385, %add3A_384, %dma_wait3A_420] : memref<2x40x50xi32, #tpu.memory_space<vmem>> -> memref<1x1x50xi32, #tpu.memory_space<vmem>>
          %dma_wait3A_422 = tpu.memref_squeeze %dma_wait3A_421 : memref<1x1x50xi32, #tpu.memory_space<vmem>> -> memref<50xi32, #tpu.memory_space<vmem>>
          %dma_wait3A_423 = arith.constant 0 : i32
          %dma_wait3A_424 = arith.constant 0 : i32
          %dma_wait3A_425 = tpu.memref_slice %arg8[%dma_wait3A_423, %dma_wait3A_424] : memref<10240x128xf32, #tpu.memory_space<vmem_shared>> -> memref<10240x128xf32, #tpu.memory_space<vmem_shared>>
          tpu.wait_indirect_dma semaphore(%run_scoped3A_405 : memref<!tpu.dma_semaphore, #tpu.memory_space<semaphore_mem>>) src(%dma_wait3A_419 : memref<50x128xf32, #tpu.memory_space<vmem>>) dst(%dma_wait3A_425 : memref<10240x128xf32, #tpu.memory_space<vmem_shared>>)
          tpu.yield
        }) : () -> ()
        %add3A_386 = arith.constant 4 : i32
        %add3A_387 = arith.addi %add3A_214, %add3A_386 : i32
        %add3A_388 = arith.constant 5 : i32
        %add3A_389 = arith.addi %add3A_387, %add3A_388 : i32
        %dma_start3A_390 = arith.constant 0 : i32
        %dma_start3A_391 = arith.constant 0 : i32
        %dma_start3A_392 = arith.constant 0 : i32
        %dma_start3A_393 = tpu.memref_slice %arg6[%scan3A_104, %dma_start3A_391, %dma_start3A_392] : memref<5x50x128xf32, #tpu.memory_space<vmem>> -> memref<1x50x128xf32, #tpu.memory_space<vmem>>
        %dma_start3A_394 = tpu.memref_squeeze %dma_start3A_393 : memref<1x50x128xf32, #tpu.memory_space<vmem>> -> memref<50x128xf32, #tpu.memory_space<vmem>>
        %dma_start3A_395 = arith.constant 0 : i32
        %dma_start3A_396 = tpu.memref_slice %arg5[%dma_start3A_390, %add3A_389, %dma_start3A_395] : memref<2x40x50xi32, #tpu.memory_space<vmem>> -> memref<1x1x50xi32, #tpu.memory_space<vmem>>
        %dma_start3A_397 = tpu.memref_squeeze %dma_start3A_396 : memref<1x1x50xi32, #tpu.memory_space<vmem>> -> memref<50xi32, #tpu.memory_space<vmem>>
        %dma_start3A_398 = arith.constant 0 : i32
        %dma_start3A_399 = arith.constant 0 : i32
        %dma_start3A_400 = tpu.memref_slice %arg2[%arg0, %dma_start3A_398, %dma_start3A_399] : memref<2x10000x128xf32, #tpu.memory_space<hbm>> -> memref<1x10000x128xf32, #tpu.memory_space<hbm>>
        %dma_start3A_401 = tpu.memref_squeeze %dma_start3A_400 : memref<1x10000x128xf32, #tpu.memory_space<hbm>> -> memref<10000x128xf32, #tpu.memory_space<hbm>>
        %dma_start3A_402 = arith.constant 0 : i32
        %dma_start3A_403 = arith.constant 0 : i32
        %dma_start3A_404 = tpu.memref_slice %dma_start3A_401[%dma_start3A_402, %dma_start3A_403] : memref<10000x128xf32, #tpu.memory_space<hbm>> -> memref<10000x128xf32, #tpu.memory_space<hbm>>
        tpu.enqueue_indirect_dma source(%dma_start3A_404 : memref<10000x128xf32, #tpu.memory_space<hbm>>) target(%dma_start3A_394 : memref<50x128xf32, #tpu.memory_space<vmem>>) offsets(%dma_start3A_397 : memref<50xi32, #tpu.memory_space<vmem>>) semaphore(%arg13 : memref<!tpu.dma_semaphore, #tpu.memory_space<semaphore_mem>>)
      }
      %scan3A_121 = arith.constant 7 : i32
      %dma_wait3A = arith.constant 0 : i32
      %dma_wait3A_122 = arith.constant 0 : i32
      %dma_wait3A_123 = arith.constant 0 : i32
      %dma_wait3A_124 = arith.constant 0 : i32
      %dma_wait3A_125 = tpu.memref_slice %arg6[%scan3A_100, %dma_wait3A_123, %dma_wait3A_124] : memref<5x50x128xf32, #tpu.memory_space<vmem>> -> memref<1x50x128xf32, #tpu.memory_space<vmem>>
      %dma_wait3A_126 = tpu.memref_squeeze %dma_wait3A_125 : memref<1x50x128xf32, #tpu.memory_space<vmem>> -> memref<50x128xf32, #tpu.memory_space<vmem>>
      %dma_wait3A_127 = arith.constant 0 : i32
      %dma_wait3A_128 = tpu.memref_slice %arg5[%dma_wait3A, %dma_wait3A_122, %dma_wait3A_127] : memref<2x40x50xi32, #tpu.memory_space<vmem>> -> memref<1x1x50xi32, #tpu.memory_space<vmem>>
      %dma_wait3A_129 = tpu.memref_squeeze %dma_wait3A_128 : memref<1x1x50xi32, #tpu.memory_space<vmem>> -> memref<50xi32, #tpu.memory_space<vmem>>
      %dma_wait3A_130 = arith.constant 0 : i32
      %dma_wait3A_131 = arith.constant 0 : i32
      %dma_wait3A_132 = tpu.memref_slice %arg2[%arg0, %dma_wait3A_130, %dma_wait3A_131] : memref<2x10000x128xf32, #tpu.memory_space<hbm>> -> memref<1x10000x128xf32, #tpu.memory_space<hbm>>
      %dma_wait3A_133 = tpu.memref_squeeze %dma_wait3A_132 : memref<1x10000x128xf32, #tpu.memory_space<hbm>> -> memref<10000x128xf32, #tpu.memory_space<hbm>>
      %dma_wait3A_134 = arith.constant 0 : i32
      %dma_wait3A_135 = arith.constant 0 : i32
      %dma_wait3A_136 = tpu.memref_slice %dma_wait3A_133[%dma_wait3A_134, %dma_wait3A_135] : memref<10000x128xf32, #tpu.memory_space<hbm>> -> memref<10000x128xf32, #tpu.memory_space<hbm>>
      tpu.wait_indirect_dma semaphore(%arg9 : memref<!tpu.dma_semaphore, #tpu.memory_space<semaphore_mem>>) src(%dma_wait3A_136 : memref<10000x128xf32, #tpu.memory_space<hbm>>) dst(%dma_wait3A_126 : memref<50x128xf32, #tpu.memory_space<vmem>>)
      %run_scoped3A = arith.constant 1 : i32
      %run_scoped3A_137 = arith.constant 35 : i32
      "tpu.region"() ({
        %run_scoped3A_210 = tpu.sem_alloc : memref<!tpu.dma_semaphore, #tpu.memory_space<semaphore_mem>>
        %dma_start3A_211 = arith.constant 0 : i32
        %dma_start3A_212 = arith.constant 0 : i32
        %dma_start3A_213 = tpu.memref_slice %arg6[%scan3A_100, %dma_start3A_211, %dma_start3A_212] : memref<5x50x128xf32, #tpu.memory_space<vmem>> -> memref<1x50x128xf32, #tpu.memory_space<vmem>>
        %dma_start3A_214 = tpu.memref_squeeze %dma_start3A_213 : memref<1x50x128xf32, #tpu.memory_space<vmem>> -> memref<50x128xf32, #tpu.memory_space<vmem>>
        %dma_start3A_215 = arith.constant 0 : i32
        %dma_start3A_216 = tpu.memref_slice %arg5[%run_scoped3A, %run_scoped3A_137, %dma_start3A_215] : memref<2x40x50xi32, #tpu.memory_space<vmem>> -> memref<1x1x50xi32, #tpu.memory_space<vmem>>
        %dma_start3A_217 = tpu.memref_squeeze %dma_start3A_216 : memref<1x1x50xi32, #tpu.memory_space<vmem>> -> memref<50xi32, #tpu.memory_space<vmem>>
        %dma_start3A_218 = arith.constant 0 : i32
        %dma_start3A_219 = arith.constant 0 : i32
        %dma_start3A_220 = tpu.memref_slice %arg8[%dma_start3A_218, %dma_start3A_219] : memref<10240x128xf32, #tpu.memory_space<vmem_shared>> -> memref<10240x128xf32, #tpu.memory_space<vmem_shared>>
        tpu.enqueue_indirect_dma source(%dma_start3A_214 : memref<50x128xf32, #tpu.memory_space<vmem>>) target(%dma_start3A_220 : memref<10240x128xf32, #tpu.memory_space<vmem_shared>>) offsets(%dma_start3A_217 : memref<50xi32, #tpu.memory_space<vmem>>) semaphore(%run_scoped3A_210 : memref<!tpu.dma_semaphore, #tpu.memory_space<semaphore_mem>>) {add = true}
        %dma_wait3A_221 = arith.constant 0 : i32
        %dma_wait3A_222 = arith.constant 0 : i32
        %dma_wait3A_223 = tpu.memref_slice %arg6[%scan3A_100, %dma_wait3A_221, %dma_wait3A_222] : memref<5x50x128xf32, #tpu.memory_space<vmem>> -> memref<1x50x128xf32, #tpu.memory_space<vmem>>
        %dma_wait3A_224 = tpu.memref_squeeze %dma_wait3A_223 : memref<1x50x128xf32, #tpu.memory_space<vmem>> -> memref<50x128xf32, #tpu.memory_space<vmem>>
        %dma_wait3A_225 = arith.constant 0 : i32
        %dma_wait3A_226 = tpu.memref_slice %arg5[%run_scoped3A, %run_scoped3A_137, %dma_wait3A_225] : memref<2x40x50xi32, #tpu.memory_space<vmem>> -> memref<1x1x50xi32, #tpu.memory_space<vmem>>
        %dma_wait3A_227 = tpu.memref_squeeze %dma_wait3A_226 : memref<1x1x50xi32, #tpu.memory_space<vmem>> -> memref<50xi32, #tpu.memory_space<vmem>>
        %dma_wait3A_228 = arith.constant 0 : i32
        %dma_wait3A_229 = arith.constant 0 : i32
        %dma_wait3A_230 = tpu.memref_slice %arg8[%dma_wait3A_228, %dma_wait3A_229] : memref<10240x128xf32, #tpu.memory_space<vmem_shared>> -> memref<10240x128xf32, #tpu.memory_space<vmem_shared>>
        tpu.wait_indirect_dma semaphore(%run_scoped3A_210 : memref<!tpu.dma_semaphore, #tpu.memory_space<semaphore_mem>>) src(%dma_wait3A_224 : memref<50x128xf32, #tpu.memory_space<vmem>>) dst(%dma_wait3A_230 : memref<10240x128xf32, #tpu.memory_space<vmem_shared>>)
        tpu.yield
      }) : () -> ()
      %dma_wait3A_138 = arith.constant 0 : i32
      %dma_wait3A_139 = arith.constant 0 : i32
      %dma_wait3A_140 = arith.constant 0 : i32
      %dma_wait3A_141 = arith.constant 0 : i32
      %dma_wait3A_142 = tpu.memref_slice %arg6[%scan3A_101, %dma_wait3A_140, %dma_wait3A_141] : memref<5x50x128xf32, #tpu.memory_space<vmem>> -> memref<1x50x128xf32, #tpu.memory_space<vmem>>
      %dma_wait3A_143 = tpu.memref_squeeze %dma_wait3A_142 : memref<1x50x128xf32, #tpu.memory_space<vmem>> -> memref<50x128xf32, #tpu.memory_space<vmem>>
      %dma_wait3A_144 = arith.constant 0 : i32
      %dma_wait3A_145 = tpu.memref_slice %arg5[%dma_wait3A_138, %dma_wait3A_139, %dma_wait3A_144] : memref<2x40x50xi32, #tpu.memory_space<vmem>> -> memref<1x1x50xi32, #tpu.memory_space<vmem>>
      %dma_wait3A_146 = tpu.memref_squeeze %dma_wait3A_145 : memref<1x1x50xi32, #tpu.memory_space<vmem>> -> memref<50xi32, #tpu.memory_space<vmem>>
      %dma_wait3A_147 = arith.constant 0 : i32
      %dma_wait3A_148 = arith.constant 0 : i32
      %dma_wait3A_149 = tpu.memref_slice %arg2[%arg0, %dma_wait3A_147, %dma_wait3A_148] : memref<2x10000x128xf32, #tpu.memory_space<hbm>> -> memref<1x10000x128xf32, #tpu.memory_space<hbm>>
      %dma_wait3A_150 = tpu.memref_squeeze %dma_wait3A_149 : memref<1x10000x128xf32, #tpu.memory_space<hbm>> -> memref<10000x128xf32, #tpu.memory_space<hbm>>
      %dma_wait3A_151 = arith.constant 0 : i32
      %dma_wait3A_152 = arith.constant 0 : i32
      %dma_wait3A_153 = tpu.memref_slice %dma_wait3A_150[%dma_wait3A_151, %dma_wait3A_152] : memref<10000x128xf32, #tpu.memory_space<hbm>> -> memref<10000x128xf32, #tpu.memory_space<hbm>>
      tpu.wait_indirect_dma semaphore(%arg10 : memref<!tpu.dma_semaphore, #tpu.memory_space<semaphore_mem>>) src(%dma_wait3A_153 : memref<10000x128xf32, #tpu.memory_space<hbm>>) dst(%dma_wait3A_143 : memref<50x128xf32, #tpu.memory_space<vmem>>)
      %run_scoped3A_154 = arith.constant 1 : i32
      %run_scoped3A_155 = arith.constant 36 : i32
      "tpu.region"() ({
        %run_scoped3A_210 = tpu.sem_alloc : memref<!tpu.dma_semaphore, #tpu.memory_space<semaphore_mem>>
        %dma_start3A_211 = arith.constant 0 : i32
        %dma_start3A_212 = arith.constant 0 : i32
        %dma_start3A_213 = tpu.memref_slice %arg6[%scan3A_101, %dma_start3A_211, %dma_start3A_212] : memref<5x50x128xf32, #tpu.memory_space<vmem>> -> memref<1x50x128xf32, #tpu.memory_space<vmem>>
        %dma_start3A_214 = tpu.memref_squeeze %dma_start3A_213 : memref<1x50x128xf32, #tpu.memory_space<vmem>> -> memref<50x128xf32, #tpu.memory_space<vmem>>
        %dma_start3A_215 = arith.constant 0 : i32
        %dma_start3A_216 = tpu.memref_slice %arg5[%run_scoped3A_154, %run_scoped3A_155, %dma_start3A_215] : memref<2x40x50xi32, #tpu.memory_space<vmem>> -> memref<1x1x50xi32, #tpu.memory_space<vmem>>
        %dma_start3A_217 = tpu.memref_squeeze %dma_start3A_216 : memref<1x1x50xi32, #tpu.memory_space<vmem>> -> memref<50xi32, #tpu.memory_space<vmem>>
        %dma_start3A_218 = arith.constant 0 : i32
        %dma_start3A_219 = arith.constant 0 : i32
        %dma_start3A_220 = tpu.memref_slice %arg8[%dma_start3A_218, %dma_start3A_219] : memref<10240x128xf32, #tpu.memory_space<vmem_shared>> -> memref<10240x128xf32, #tpu.memory_space<vmem_shared>>
        tpu.enqueue_indirect_dma source(%dma_start3A_214 : memref<50x128xf32, #tpu.memory_space<vmem>>) target(%dma_start3A_220 : memref<10240x128xf32, #tpu.memory_space<vmem_shared>>) offsets(%dma_start3A_217 : memref<50xi32, #tpu.memory_space<vmem>>) semaphore(%run_scoped3A_210 : memref<!tpu.dma_semaphore, #tpu.memory_space<semaphore_mem>>) {add = true}
        %dma_wait3A_221 = arith.constant 0 : i32
        %dma_wait3A_222 = arith.constant 0 : i32
        %dma_wait3A_223 = tpu.memref_slice %arg6[%scan3A_101, %dma_wait3A_221, %dma_wait3A_222] : memref<5x50x128xf32, #tpu.memory_space<vmem>> -> memref<1x50x128xf32, #tpu.memory_space<vmem>>
        %dma_wait3A_224 = tpu.memref_squeeze %dma_wait3A_223 : memref<1x50x128xf32, #tpu.memory_space<vmem>> -> memref<50x128xf32, #tpu.memory_space<vmem>>
        %dma_wait3A_225 = arith.constant 0 : i32
        %dma_wait3A_226 = tpu.memref_slice %arg5[%run_scoped3A_154, %run_scoped3A_155, %dma_wait3A_225] : memref<2x40x50xi32, #tpu.memory_space<vmem>> -> memref<1x1x50xi32, #tpu.memory_space<vmem>>
        %dma_wait3A_227 = tpu.memref_squeeze %dma_wait3A_226 : memref<1x1x50xi32, #tpu.memory_space<vmem>> -> memref<50xi32, #tpu.memory_space<vmem>>
        %dma_wait3A_228 = arith.constant 0 : i32
        %dma_wait3A_229 = arith.constant 0 : i32
        %dma_wait3A_230 = tpu.memref_slice %arg8[%dma_wait3A_228, %dma_wait3A_229] : memref<10240x128xf32, #tpu.memory_space<vmem_shared>> -> memref<10240x128xf32, #tpu.memory_space<vmem_shared>>
        tpu.wait_indirect_dma semaphore(%run_scoped3A_210 : memref<!tpu.dma_semaphore, #tpu.memory_space<semaphore_mem>>) src(%dma_wait3A_224 : memref<50x128xf32, #tpu.memory_space<vmem>>) dst(%dma_wait3A_230 : memref<10240x128xf32, #tpu.memory_space<vmem_shared>>)
        tpu.yield
      }) : () -> ()
      %dma_wait3A_156 = arith.constant 0 : i32
      %dma_wait3A_157 = arith.constant 0 : i32
      %dma_wait3A_158 = arith.constant 0 : i32
      %dma_wait3A_159 = arith.constant 0 : i32
      %dma_wait3A_160 = tpu.memref_slice %arg6[%scan3A_102, %dma_wait3A_158, %dma_wait3A_159] : memref<5x50x128xf32, #tpu.memory_space<vmem>> -> memref<1x50x128xf32, #tpu.memory_space<vmem>>
      %dma_wait3A_161 = tpu.memref_squeeze %dma_wait3A_160 : memref<1x50x128xf32, #tpu.memory_space<vmem>> -> memref<50x128xf32, #tpu.memory_space<vmem>>
      %dma_wait3A_162 = arith.constant 0 : i32
      %dma_wait3A_163 = tpu.memref_slice %arg5[%dma_wait3A_156, %dma_wait3A_157, %dma_wait3A_162] : memref<2x40x50xi32, #tpu.memory_space<vmem>> -> memref<1x1x50xi32, #tpu.memory_space<vmem>>
      %dma_wait3A_164 = tpu.memref_squeeze %dma_wait3A_163 : memref<1x1x50xi32, #tpu.memory_space<vmem>> -> memref<50xi32, #tpu.memory_space<vmem>>
      %dma_wait3A_165 = arith.constant 0 : i32
      %dma_wait3A_166 = arith.constant 0 : i32
      %dma_wait3A_167 = tpu.memref_slice %arg2[%arg0, %dma_wait3A_165, %dma_wait3A_166] : memref<2x10000x128xf32, #tpu.memory_space<hbm>> -> memref<1x10000x128xf32, #tpu.memory_space<hbm>>
      %dma_wait3A_168 = tpu.memref_squeeze %dma_wait3A_167 : memref<1x10000x128xf32, #tpu.memory_space<hbm>> -> memref<10000x128xf32, #tpu.memory_space<hbm>>
      %dma_wait3A_169 = arith.constant 0 : i32
      %dma_wait3A_170 = arith.constant 0 : i32
      %dma_wait3A_171 = tpu.memref_slice %dma_wait3A_168[%dma_wait3A_169, %dma_wait3A_170] : memref<10000x128xf32, #tpu.memory_space<hbm>> -> memref<10000x128xf32, #tpu.memory_space<hbm>>
      tpu.wait_indirect_dma semaphore(%arg11 : memref<!tpu.dma_semaphore, #tpu.memory_space<semaphore_mem>>) src(%dma_wait3A_171 : memref<10000x128xf32, #tpu.memory_space<hbm>>) dst(%dma_wait3A_161 : memref<50x128xf32, #tpu.memory_space<vmem>>)
      %run_scoped3A_172 = arith.constant 1 : i32
      %run_scoped3A_173 = arith.constant 37 : i32
      "tpu.region"() ({
        %run_scoped3A_210 = tpu.sem_alloc : memref<!tpu.dma_semaphore, #tpu.memory_space<semaphore_mem>>
        %dma_start3A_211 = arith.constant 0 : i32
        %dma_start3A_212 = arith.constant 0 : i32
        %dma_start3A_213 = tpu.memref_slice %arg6[%scan3A_102, %dma_start3A_211, %dma_start3A_212] : memref<5x50x128xf32, #tpu.memory_space<vmem>> -> memref<1x50x128xf32, #tpu.memory_space<vmem>>
        %dma_start3A_214 = tpu.memref_squeeze %dma_start3A_213 : memref<1x50x128xf32, #tpu.memory_space<vmem>> -> memref<50x128xf32, #tpu.memory_space<vmem>>
        %dma_start3A_215 = arith.constant 0 : i32
        %dma_start3A_216 = tpu.memref_slice %arg5[%run_scoped3A_172, %run_scoped3A_173, %dma_start3A_215] : memref<2x40x50xi32, #tpu.memory_space<vmem>> -> memref<1x1x50xi32, #tpu.memory_space<vmem>>
        %dma_start3A_217 = tpu.memref_squeeze %dma_start3A_216 : memref<1x1x50xi32, #tpu.memory_space<vmem>> -> memref<50xi32, #tpu.memory_space<vmem>>
        %dma_start3A_218 = arith.constant 0 : i32
        %dma_start3A_219 = arith.constant 0 : i32
        %dma_start3A_220 = tpu.memref_slice %arg8[%dma_start3A_218, %dma_start3A_219] : memref<10240x128xf32, #tpu.memory_space<vmem_shared>> -> memref<10240x128xf32, #tpu.memory_space<vmem_shared>>
        tpu.enqueue_indirect_dma source(%dma_start3A_214 : memref<50x128xf32, #tpu.memory_space<vmem>>) target(%dma_start3A_220 : memref<10240x128xf32, #tpu.memory_space<vmem_shared>>) offsets(%dma_start3A_217 : memref<50xi32, #tpu.memory_space<vmem>>) semaphore(%run_scoped3A_210 : memref<!tpu.dma_semaphore, #tpu.memory_space<semaphore_mem>>) {add = true}
        %dma_wait3A_221 = arith.constant 0 : i32
        %dma_wait3A_222 = arith.constant 0 : i32
        %dma_wait3A_223 = tpu.memref_slice %arg6[%scan3A_102, %dma_wait3A_221, %dma_wait3A_222] : memref<5x50x128xf32, #tpu.memory_space<vmem>> -> memref<1x50x128xf32, #tpu.memory_space<vmem>>
        %dma_wait3A_224 = tpu.memref_squeeze %dma_wait3A_223 : memref<1x50x128xf32, #tpu.memory_space<vmem>> -> memref<50x128xf32, #tpu.memory_space<vmem>>
        %dma_wait3A_225 = arith.constant 0 : i32
        %dma_wait3A_226 = tpu.memref_slice %arg5[%run_scoped3A_172, %run_scoped3A_173, %dma_wait3A_225] : memref<2x40x50xi32, #tpu.memory_space<vmem>> -> memref<1x1x50xi32, #tpu.memory_space<vmem>>
        %dma_wait3A_227 = tpu.memref_squeeze %dma_wait3A_226 : memref<1x1x50xi32, #tpu.memory_space<vmem>> -> memref<50xi32, #tpu.memory_space<vmem>>
        %dma_wait3A_228 = arith.constant 0 : i32
        %dma_wait3A_229 = arith.constant 0 : i32
        %dma_wait3A_230 = tpu.memref_slice %arg8[%dma_wait3A_228, %dma_wait3A_229] : memref<10240x128xf32, #tpu.memory_space<vmem_shared>> -> memref<10240x128xf32, #tpu.memory_space<vmem_shared>>
        tpu.wait_indirect_dma semaphore(%run_scoped3A_210 : memref<!tpu.dma_semaphore, #tpu.memory_space<semaphore_mem>>) src(%dma_wait3A_224 : memref<50x128xf32, #tpu.memory_space<vmem>>) dst(%dma_wait3A_230 : memref<10240x128xf32, #tpu.memory_space<vmem_shared>>)
        tpu.yield
      }) : () -> ()
      %dma_wait3A_174 = arith.constant 0 : i32
      %dma_wait3A_175 = arith.constant 0 : i32
      %dma_wait3A_176 = arith.constant 0 : i32
      %dma_wait3A_177 = arith.constant 0 : i32
      %dma_wait3A_178 = tpu.memref_slice %arg6[%scan3A_103, %dma_wait3A_176, %dma_wait3A_177] : memref<5x50x128xf32, #tpu.memory_space<vmem>> -> memref<1x50x128xf32, #tpu.memory_space<vmem>>
      %dma_wait3A_179 = tpu.memref_squeeze %dma_wait3A_178 : memref<1x50x128xf32, #tpu.memory_space<vmem>> -> memref<50x128xf32, #tpu.memory_space<vmem>>
      %dma_wait3A_180 = arith.constant 0 : i32
      %dma_wait3A_181 = tpu.memref_slice %arg5[%dma_wait3A_174, %dma_wait3A_175, %dma_wait3A_180] : memref<2x40x50xi32, #tpu.memory_space<vmem>> -> memref<1x1x50xi32, #tpu.memory_space<vmem>>
      %dma_wait3A_182 = tpu.memref_squeeze %dma_wait3A_181 : memref<1x1x50xi32, #tpu.memory_space<vmem>> -> memref<50xi32, #tpu.memory_space<vmem>>
      %dma_wait3A_183 = arith.constant 0 : i32
      %dma_wait3A_184 = arith.constant 0 : i32
      %dma_wait3A_185 = tpu.memref_slice %arg2[%arg0, %dma_wait3A_183, %dma_wait3A_184] : memref<2x10000x128xf32, #tpu.memory_space<hbm>> -> memref<1x10000x128xf32, #tpu.memory_space<hbm>>
      %dma_wait3A_186 = tpu.memref_squeeze %dma_wait3A_185 : memref<1x10000x128xf32, #tpu.memory_space<hbm>> -> memref<10000x128xf32, #tpu.memory_space<hbm>>
      %dma_wait3A_187 = arith.constant 0 : i32
      %dma_wait3A_188 = arith.constant 0 : i32
      %dma_wait3A_189 = tpu.memref_slice %dma_wait3A_186[%dma_wait3A_187, %dma_wait3A_188] : memref<10000x128xf32, #tpu.memory_space<hbm>> -> memref<10000x128xf32, #tpu.memory_space<hbm>>
      tpu.wait_indirect_dma semaphore(%arg12 : memref<!tpu.dma_semaphore, #tpu.memory_space<semaphore_mem>>) src(%dma_wait3A_189 : memref<10000x128xf32, #tpu.memory_space<hbm>>) dst(%dma_wait3A_179 : memref<50x128xf32, #tpu.memory_space<vmem>>)
      %run_scoped3A_190 = arith.constant 1 : i32
      %run_scoped3A_191 = arith.constant 38 : i32
      "tpu.region"() ({
        %run_scoped3A_210 = tpu.sem_alloc : memref<!tpu.dma_semaphore, #tpu.memory_space<semaphore_mem>>
        %dma_start3A_211 = arith.constant 0 : i32
        %dma_start3A_212 = arith.constant 0 : i32
        %dma_start3A_213 = tpu.memref_slice %arg6[%scan3A_103, %dma_start3A_211, %dma_start3A_212] : memref<5x50x128xf32, #tpu.memory_space<vmem>> -> memref<1x50x128xf32, #tpu.memory_space<vmem>>
        %dma_start3A_214 = tpu.memref_squeeze %dma_start3A_213 : memref<1x50x128xf32, #tpu.memory_space<vmem>> -> memref<50x128xf32, #tpu.memory_space<vmem>>
        %dma_start3A_215 = arith.constant 0 : i32
        %dma_start3A_216 = tpu.memref_slice %arg5[%run_scoped3A_190, %run_scoped3A_191, %dma_start3A_215] : memref<2x40x50xi32, #tpu.memory_space<vmem>> -> memref<1x1x50xi32, #tpu.memory_space<vmem>>
        %dma_start3A_217 = tpu.memref_squeeze %dma_start3A_216 : memref<1x1x50xi32, #tpu.memory_space<vmem>> -> memref<50xi32, #tpu.memory_space<vmem>>
        %dma_start3A_218 = arith.constant 0 : i32
        %dma_start3A_219 = arith.constant 0 : i32
        %dma_start3A_220 = tpu.memref_slice %arg8[%dma_start3A_218, %dma_start3A_219] : memref<10240x128xf32, #tpu.memory_space<vmem_shared>> -> memref<10240x128xf32, #tpu.memory_space<vmem_shared>>
        tpu.enqueue_indirect_dma source(%dma_start3A_214 : memref<50x128xf32, #tpu.memory_space<vmem>>) target(%dma_start3A_220 : memref<10240x128xf32, #tpu.memory_space<vmem_shared>>) offsets(%dma_start3A_217 : memref<50xi32, #tpu.memory_space<vmem>>) semaphore(%run_scoped3A_210 : memref<!tpu.dma_semaphore, #tpu.memory_space<semaphore_mem>>) {add = true}
        %dma_wait3A_221 = arith.constant 0 : i32
        %dma_wait3A_222 = arith.constant 0 : i32
        %dma_wait3A_223 = tpu.memref_slice %arg6[%scan3A_103, %dma_wait3A_221, %dma_wait3A_222] : memref<5x50x128xf32, #tpu.memory_space<vmem>> -> memref<1x50x128xf32, #tpu.memory_space<vmem>>
        %dma_wait3A_224 = tpu.memref_squeeze %dma_wait3A_223 : memref<1x50x128xf32, #tpu.memory_space<vmem>> -> memref<50x128xf32, #tpu.memory_space<vmem>>
        %dma_wait3A_225 = arith.constant 0 : i32
        %dma_wait3A_226 = tpu.memref_slice %arg5[%run_scoped3A_190, %run_scoped3A_191, %dma_wait3A_225] : memref<2x40x50xi32, #tpu.memory_space<vmem>> -> memref<1x1x50xi32, #tpu.memory_space<vmem>>
        %dma_wait3A_227 = tpu.memref_squeeze %dma_wait3A_226 : memref<1x1x50xi32, #tpu.memory_space<vmem>> -> memref<50xi32, #tpu.memory_space<vmem>>
        %dma_wait3A_228 = arith.constant 0 : i32
        %dma_wait3A_229 = arith.constant 0 : i32
        %dma_wait3A_230 = tpu.memref_slice %arg8[%dma_wait3A_228, %dma_wait3A_229] : memref<10240x128xf32, #tpu.memory_space<vmem_shared>> -> memref<10240x128xf32, #tpu.memory_space<vmem_shared>>
        tpu.wait_indirect_dma semaphore(%run_scoped3A_210 : memref<!tpu.dma_semaphore, #tpu.memory_space<semaphore_mem>>) src(%dma_wait3A_224 : memref<50x128xf32, #tpu.memory_space<vmem>>) dst(%dma_wait3A_230 : memref<10240x128xf32, #tpu.memory_space<vmem_shared>>)
        tpu.yield
      }) : () -> ()
      %dma_wait3A_192 = arith.constant 0 : i32
      %dma_wait3A_193 = arith.constant 0 : i32
      %dma_wait3A_194 = arith.constant 0 : i32
      %dma_wait3A_195 = arith.constant 0 : i32
      %dma_wait3A_196 = tpu.memref_slice %arg6[%scan3A_104, %dma_wait3A_194, %dma_wait3A_195] : memref<5x50x128xf32, #tpu.memory_space<vmem>> -> memref<1x50x128xf32, #tpu.memory_space<vmem>>
      %dma_wait3A_197 = tpu.memref_squeeze %dma_wait3A_196 : memref<1x50x128xf32, #tpu.memory_space<vmem>> -> memref<50x128xf32, #tpu.memory_space<vmem>>
      %dma_wait3A_198 = arith.constant 0 : i32
      %dma_wait3A_199 = tpu.memref_slice %arg5[%dma_wait3A_192, %dma_wait3A_193, %dma_wait3A_198] : memref<2x40x50xi32, #tpu.memory_space<vmem>> -> memref<1x1x50xi32, #tpu.memory_space<vmem>>
      %dma_wait3A_200 = tpu.memref_squeeze %dma_wait3A_199 : memref<1x1x50xi32, #tpu.memory_space<vmem>> -> memref<50xi32, #tpu.memory_space<vmem>>
      %dma_wait3A_201 = arith.constant 0 : i32
      %dma_wait3A_202 = arith.constant 0 : i32
      %dma_wait3A_203 = tpu.memref_slice %arg2[%arg0, %dma_wait3A_201, %dma_wait3A_202] : memref<2x10000x128xf32, #tpu.memory_space<hbm>> -> memref<1x10000x128xf32, #tpu.memory_space<hbm>>
      %dma_wait3A_204 = tpu.memref_squeeze %dma_wait3A_203 : memref<1x10000x128xf32, #tpu.memory_space<hbm>> -> memref<10000x128xf32, #tpu.memory_space<hbm>>
      %dma_wait3A_205 = arith.constant 0 : i32
      %dma_wait3A_206 = arith.constant 0 : i32
      %dma_wait3A_207 = tpu.memref_slice %dma_wait3A_204[%dma_wait3A_205, %dma_wait3A_206] : memref<10000x128xf32, #tpu.memory_space<hbm>> -> memref<10000x128xf32, #tpu.memory_space<hbm>>
      tpu.wait_indirect_dma semaphore(%arg13 : memref<!tpu.dma_semaphore, #tpu.memory_space<semaphore_mem>>) src(%dma_wait3A_207 : memref<10000x128xf32, #tpu.memory_space<hbm>>) dst(%dma_wait3A_197 : memref<50x128xf32, #tpu.memory_space<vmem>>)
      %run_scoped3A_208 = arith.constant 1 : i32
      %run_scoped3A_209 = arith.constant 39 : i32
      "tpu.region"() ({
        %run_scoped3A_210 = tpu.sem_alloc : memref<!tpu.dma_semaphore, #tpu.memory_space<semaphore_mem>>
        %dma_start3A_211 = arith.constant 0 : i32
        %dma_start3A_212 = arith.constant 0 : i32
        %dma_start3A_213 = tpu.memref_slice %arg6[%scan3A_104, %dma_start3A_211, %dma_start3A_212] : memref<5x50x128xf32, #tpu.memory_space<vmem>> -> memref<1x50x128xf32, #tpu.memory_space<vmem>>
        %dma_start3A_214 = tpu.memref_squeeze %dma_start3A_213 : memref<1x50x128xf32, #tpu.memory_space<vmem>> -> memref<50x128xf32, #tpu.memory_space<vmem>>
        %dma_start3A_215 = arith.constant 0 : i32
        %dma_start3A_216 = tpu.memref_slice %arg5[%run_scoped3A_208, %run_scoped3A_209, %dma_start3A_215] : memref<2x40x50xi32, #tpu.memory_space<vmem>> -> memref<1x1x50xi32, #tpu.memory_space<vmem>>
        %dma_start3A_217 = tpu.memref_squeeze %dma_start3A_216 : memref<1x1x50xi32, #tpu.memory_space<vmem>> -> memref<50xi32, #tpu.memory_space<vmem>>
        %dma_start3A_218 = arith.constant 0 : i32
        %dma_start3A_219 = arith.constant 0 : i32
        %dma_start3A_220 = tpu.memref_slice %arg8[%dma_start3A_218, %dma_start3A_219] : memref<10240x128xf32, #tpu.memory_space<vmem_shared>> -> memref<10240x128xf32, #tpu.memory_space<vmem_shared>>
        tpu.enqueue_indirect_dma source(%dma_start3A_214 : memref<50x128xf32, #tpu.memory_space<vmem>>) target(%dma_start3A_220 : memref<10240x128xf32, #tpu.memory_space<vmem_shared>>) offsets(%dma_start3A_217 : memref<50xi32, #tpu.memory_space<vmem>>) semaphore(%run_scoped3A_210 : memref<!tpu.dma_semaphore, #tpu.memory_space<semaphore_mem>>) {add = true}
        %dma_wait3A_221 = arith.constant 0 : i32
        %dma_wait3A_222 = arith.constant 0 : i32
        %dma_wait3A_223 = tpu.memref_slice %arg6[%scan3A_104, %dma_wait3A_221, %dma_wait3A_222] : memref<5x50x128xf32, #tpu.memory_space<vmem>> -> memref<1x50x128xf32, #tpu.memory_space<vmem>>
        %dma_wait3A_224 = tpu.memref_squeeze %dma_wait3A_223 : memref<1x50x128xf32, #tpu.memory_space<vmem>> -> memref<50x128xf32, #tpu.memory_space<vmem>>
        %dma_wait3A_225 = arith.constant 0 : i32
        %dma_wait3A_226 = tpu.memref_slice %arg5[%run_scoped3A_208, %run_scoped3A_209, %dma_wait3A_225] : memref<2x40x50xi32, #tpu.memory_space<vmem>> -> memref<1x1x50xi32, #tpu.memory_space<vmem>>
        %dma_wait3A_227 = tpu.memref_squeeze %dma_wait3A_226 : memref<1x1x50xi32, #tpu.memory_space<vmem>> -> memref<50xi32, #tpu.memory_space<vmem>>
        %dma_wait3A_228 = arith.constant 0 : i32
        %dma_wait3A_229 = arith.constant 0 : i32
        %dma_wait3A_230 = tpu.memref_slice %arg8[%dma_wait3A_228, %dma_wait3A_229] : memref<10240x128xf32, #tpu.memory_space<vmem_shared>> -> memref<10240x128xf32, #tpu.memory_space<vmem_shared>>
        tpu.wait_indirect_dma semaphore(%run_scoped3A_210 : memref<!tpu.dma_semaphore, #tpu.memory_space<semaphore_mem>>) src(%dma_wait3A_224 : memref<50x128xf32, #tpu.memory_space<vmem>>) dst(%dma_wait3A_230 : memref<10240x128xf32, #tpu.memory_space<vmem_shared>>)
        tpu.yield
      }) : () -> ()
    }
    %scan3A_109 = arith.constant 5 : i32
    %barrier3A_110 = arith.constant 0 : index
    tpu.barrier barrier_id(%barrier3A_110)
    "tpu.region"() ({
      %run_scoped3A = tpu.sem_alloc : memref<!tpu.dma_semaphore, #tpu.memory_space<semaphore_mem>>
      %dma_start3A_111 = arith.constant 0 : i32
      %dma_start3A_112 = arith.constant 0 : i32
      %dma_start3A_113 = tpu.memref_slice %arg4[%arg0, %dma_start3A_111, %dma_start3A_112] : memref<2x10240x128xf32, #tpu.memory_space<hbm>> -> memref<1x10240x128xf32, #tpu.memory_space<hbm>>
      %dma_start3A_114 = tpu.memref_squeeze %dma_start3A_113 : memref<1x10240x128xf32, #tpu.memory_space<hbm>> -> memref<10240x128xf32, #tpu.memory_space<hbm>>
      %dma_start3A_115 = arith.constant 0 : i32
      %dma_start3A_116 = tpu.memref_slice %dma_start3A_114[%mul3A_0, %dma_start3A_115] : memref<10240x128xf32, #tpu.memory_space<hbm>> -> memref<640x128xf32, #tpu.memory_space<hbm>>
      %dma_start3A_117 = arith.constant 0 : i32
      %dma_start3A_118 = tpu.memref_slice %arg8[%mul3A_0, %dma_start3A_117] : memref<10240x128xf32, #tpu.memory_space<vmem_shared>> -> memref<640x128xf32, #tpu.memory_space<vmem_shared>>
      tpu.enqueue_dma source(%dma_start3A_118 : memref<640x128xf32, #tpu.memory_space<vmem_shared>>) target(%dma_start3A_116 : memref<640x128xf32, #tpu.memory_space<hbm>>) target_semaphore(%run_scoped3A : memref<!tpu.dma_semaphore, #tpu.memory_space<semaphore_mem>>)
      %dma_wait3A = arith.constant 0 : i32
      %dma_wait3A_119 = arith.constant 0 : i32
      %dma_wait3A_120 = tpu.memref_slice %arg4[%arg0, %dma_wait3A, %dma_wait3A_119] : memref<2x10240x128xf32, #tpu.memory_space<hbm>> -> memref<1x10240x128xf32, #tpu.memory_space<hbm>>
      %dma_wait3A_121 = tpu.memref_squeeze %dma_wait3A_120 : memref<1x10240x128xf32, #tpu.memory_space<hbm>> -> memref<10240x128xf32, #tpu.memory_space<hbm>>
      %dma_wait3A_122 = arith.constant 0 : i32
      %dma_wait3A_123 = tpu.memref_slice %dma_wait3A_121[%mul3A_0, %dma_wait3A_122] : memref<10240x128xf32, #tpu.memory_space<hbm>> -> memref<640x128xf32, #tpu.memory_space<hbm>>
      %dma_wait3A_124 = arith.constant 0 : i32
      %dma_wait3A_125 = tpu.memref_slice %arg8[%mul3A_0, %dma_wait3A_124] : memref<10240x128xf32, #tpu.memory_space<vmem_shared>> -> memref<640x128xf32, #tpu.memory_space<vmem_shared>>
      tpu.wait_dma2 semaphore(%run_scoped3A : memref<!tpu.dma_semaphore, #tpu.memory_space<semaphore_mem>>) src(%dma_wait3A_125 : memref<640x128xf32, #tpu.memory_space<vmem_shared>>) dst(%dma_wait3A_123 : memref<640x128xf32, #tpu.memory_space<hbm>>)
      tpu.yield
    }) : () -> ()
    return
  }
}

module attributes {stable_mosaic.version = 14 : i64} {
  func.func @_tc_layer_body(%arg0: i32, %arg1: memref<1x2000x128xf32, #tpu.memory_space<vmem>>, %arg2: memref<1x2000x128xf32, #tpu.memory_space<vmem>>, %arg3: memref<1x2000x128xf32, #tpu.memory_space<vmem>>, %arg4: memref<1x2000x128xf32, #tpu.memory_space<vmem>>, %arg5: memref<256x256xf32, #tpu.memory_space<vmem>>, %arg6: memref<1x256xf32, #tpu.memory_space<vmem>>, %arg7: memref<2x2000x128xf32, #tpu.memory_space<vmem>>) attributes {dimension_semantics = [#tpu.dimension_semantics<arbitrary>], iteration_bounds = array<i64: 5>, scalar_prefetch = 0 : i64, scratch_operands = 0 : i64, tpu.core_type = #tpu.core_type<tc>, window_params = [{transform_indices = @transform_0, window_bounds = array<i64: 1, 2000, 128>}, {transform_indices = @transform_1, window_bounds = array<i64: 1, 2000, 128>}, {transform_indices = @transform_2, window_bounds = array<i64: 1, 2000, 128>}, {transform_indices = @transform_3, window_bounds = array<i64: 1, 2000, 128>}, {pipeline_mode = #tpu.pipeline_mode<synchronous>, transform_indices = @transform_4, window_bounds = array<i64: 256, 256>}, {pipeline_mode = #tpu.pipeline_mode<synchronous>, transform_indices = @transform_5, window_bounds = array<i64: 1, 256>}, {transform_indices = @transform_6, window_bounds = array<i64: 2, 2000, 128>}]} {
    %get3A = arith.constant 0 : index
    %get3A_0 = arith.constant 0 : index
    %get3A_1 = arith.constant 0 : index
    %get3A_2 = vector.load %arg1[%get3A, %get3A_0, %get3A_1] : memref<1x2000x128xf32, #tpu.memory_space<vmem>>, vector<1x2000x128xf32>
    %get3A_3 = vector.shape_cast %get3A_2 : vector<1x2000x128xf32> to vector<2000x128xf32>
    %get3A_4 = arith.constant 0 : index
    %get3A_5 = arith.constant 0 : index
    %get3A_6 = arith.constant 0 : index
    %get3A_7 = vector.load %arg3[%get3A_4, %get3A_5, %get3A_6] : memref<1x2000x128xf32, #tpu.memory_space<vmem>>, vector<1x2000x128xf32>
    %get3A_8 = vector.shape_cast %get3A_7 : vector<1x2000x128xf32> to vector<2000x128xf32>
    %add3A = arith.addf %get3A_3, %get3A_8 : vector<2000x128xf32>
    %get3A_9 = arith.constant 0 : index
    %get3A_10 = arith.constant 0 : index
    %get3A_11 = arith.constant 0 : index
    %get3A_12 = vector.load %arg2[%get3A_9, %get3A_10, %get3A_11] : memref<1x2000x128xf32, #tpu.memory_space<vmem>>, vector<1x2000x128xf32>
    %get3A_13 = vector.shape_cast %get3A_12 : vector<1x2000x128xf32> to vector<2000x128xf32>
    %get3A_14 = arith.constant 0 : index
    %get3A_15 = arith.constant 0 : index
    %get3A_16 = arith.constant 0 : index
    %get3A_17 = vector.load %arg4[%get3A_14, %get3A_15, %get3A_16] : memref<1x2000x128xf32, #tpu.memory_space<vmem>>, vector<1x2000x128xf32>
    %get3A_18 = vector.shape_cast %get3A_17 : vector<1x2000x128xf32> to vector<2000x128xf32>
    %add3A_19 = arith.addf %get3A_13, %get3A_18 : vector<2000x128xf32>
    %concatenate3A = tpu.concatenate %add3A, %add3A_19 in 1 : vector<2000x128xf32>, vector<2000x128xf32> -> vector<2000x256xf32>
    %get3A_20 = arith.constant 0 : index
    %get3A_21 = arith.constant 0 : index
    %get3A_22 = vector.load %arg5[%get3A_20, %get3A_21] : memref<256x256xf32, #tpu.memory_space<vmem>>, vector<256x256xf32>
    %dot_general3A = arith.constant dense<0.000000e+00> : vector<2000x256xf32>
    %dot_general3A_23 = tpu.matmul %concatenate3A, %get3A_22, %dot_general3A {dimension_numbers = #tpu.dot_dimension_numbers<[1], [0], [0], [1], [0, 0, 1, 1], [], []>, precision = #tpu.contract_precision<fp32>, transpose_lhs_hint = false} : vector<2000x256xf32>, vector<256x256xf32>, vector<2000x256xf32> -> vector<2000x256xf32>
    %get3A_24 = arith.constant 0 : index
    %get3A_25 = arith.constant 0 : index
    %get3A_26 = vector.load %arg6[%get3A_24, %get3A_25] : memref<1x256xf32, #tpu.memory_space<vmem>>, vector<1x256xf32>
    %add3A_27 = vector.broadcast %get3A_26 : vector<1x256xf32> to vector<2000x256xf32>
    %add3A_28 = arith.addf %dot_general3A_23, %add3A_27 : vector<2000x256xf32>
    %max3A = arith.constant 0.000000e+00 : f32
    %max3A_29 = vector.broadcast %max3A : f32 to vector<2000x256xf32>
    %max3A_30 = arith.maximumf %add3A_28, %max3A_29 : vector<2000x256xf32>
    %slice3A = vector.extract_strided_slice %max3A_30 {offsets = [0, 0], sizes = [2000, 128], strides = [1, 1]} : vector<2000x256xf32> to vector<2000x128xf32>
    %swap3A = arith.constant 0 : index
    %swap3A_31 = arith.constant 0 : index
    %swap3A_32 = arith.constant 0 : index
    %swap3A_33 = vector.load %arg7[%swap3A, %swap3A_31, %swap3A_32] : memref<2x2000x128xf32, #tpu.memory_space<vmem>>, vector<1x2000x128xf32>
    %swap3A_34 = vector.shape_cast %swap3A_33 : vector<1x2000x128xf32> to vector<2000x128xf32>
    %swap3A_35 = vector.shape_cast %slice3A : vector<2000x128xf32> to vector<1x2000x128xf32>
    tpu.vector_store %arg7[%swap3A, %swap3A_31, %swap3A_32], %swap3A_35 {strides = array<i32>} : memref<2x2000x128xf32, #tpu.memory_space<vmem>>, vector<1x2000x128xf32>,
    %slice3A_36 = vector.extract_strided_slice %max3A_30 {offsets = [0, 128], sizes = [2000, 128], strides = [1, 1]} : vector<2000x256xf32> to vector<2000x128xf32>
    %swap3A_37 = arith.constant 1 : index
    %swap3A_38 = arith.constant 0 : index
    %swap3A_39 = arith.constant 0 : index
    %swap3A_40 = vector.load %arg7[%swap3A_37, %swap3A_38, %swap3A_39] : memref<2x2000x128xf32, #tpu.memory_space<vmem>>, vector<1x2000x128xf32>
    %swap3A_41 = vector.shape_cast %swap3A_40 : vector<1x2000x128xf32> to vector<2000x128xf32>
    %swap3A_42 = vector.shape_cast %slice3A_36 : vector<2000x128xf32> to vector<1x2000x128xf32>
    tpu.vector_store %arg7[%swap3A_37, %swap3A_38, %swap3A_39], %swap3A_42 {strides = array<i32>} : memref<2x2000x128xf32, #tpu.memory_space<vmem>>, vector<1x2000x128xf32>,
    return
  }
  func.func @transform_0(%arg0: i32) -> (i32, i32, i32) {
    %c0_i32 = arith.constant 0 : i32
    %c0_i32_0 = arith.constant 0 : i32
    %c0_i32_1 = arith.constant 0 : i32
    return %c0_i32, %arg0, %c0_i32_0 : i32, i32, i32
  }
  func.func @transform_1(%arg0: i32) -> (i32, i32, i32) {
    %c1_i32 = arith.constant 1 : i32
    %c0_i32 = arith.constant 0 : i32
    %c0_i32_0 = arith.constant 0 : i32
    return %c1_i32, %arg0, %c0_i32 : i32, i32, i32
  }
  func.func @transform_2(%arg0: i32) -> (i32, i32, i32) {
    %c0_i32 = arith.constant 0 : i32
    %c0_i32_0 = arith.constant 0 : i32
    %c0_i32_1 = arith.constant 0 : i32
    return %c0_i32, %arg0, %c0_i32_0 : i32, i32, i32
  }
  func.func @transform_3(%arg0: i32) -> (i32, i32, i32) {
    %c1_i32 = arith.constant 1 : i32
    %c0_i32 = arith.constant 0 : i32
    %c0_i32_0 = arith.constant 0 : i32
    return %c1_i32, %arg0, %c0_i32 : i32, i32, i32
  }
  func.func @transform_4(%arg0: i32) -> (i32, i32) {
    %c0_i32 = arith.constant 0 : i32
    %c0_i32_0 = arith.constant 0 : i32
    %c0_i32_1 = arith.constant 0 : i32
    return %c0_i32, %c0_i32_0 : i32, i32
  }
  func.func @transform_5(%arg0: i32) -> (i32, i32) {
    %c0_i32 = arith.constant 0 : i32
    %c0_i32_0 = arith.constant 0 : i32
    %c0_i32_1 = arith.constant 0 : i32
    return %c0_i32, %c0_i32_0 : i32, i32
  }
  func.func @transform_6(%arg0: i32) -> (i32, i32, i32) {
    %c0_i32 = arith.constant 0 : i32
    %c0_i32_0 = arith.constant 0 : i32
    %c0_i32_1 = arith.constant 0 : i32
    return %c0_i32, %arg0, %c0_i32_0 : i32, i32, i32
  }
}

module attributes {stable_mosaic.version = 14 : i64} {
  func.func @_tc_final_body(%arg0: i32, %arg1: memref<1x2000x128xf32, #tpu.memory_space<vmem>>, %arg2: memref<1x2000x128xf32, #tpu.memory_space<vmem>>, %arg3: memref<1x2000x128xf32, #tpu.memory_space<vmem>>, %arg4: memref<1x2000x128xf32, #tpu.memory_space<vmem>>, %arg5: memref<256x256xf32, #tpu.memory_space<vmem>>, %arg6: memref<1x256xf32, #tpu.memory_space<vmem>>, %arg7: memref<256x128xf32, #tpu.memory_space<vmem>>, %arg8: memref<1x128xf32, #tpu.memory_space<vmem>>, %arg9: memref<1x1x2000xi32, #tpu.memory_space<vmem>>, %arg10: memref<64x128xf32, #tpu.memory_space<vmem>>, %arg11: memref<64x256xf32, #tpu.memory_space<vmem>>, %arg12: memref<64x256xf32, #tpu.memory_space<vmem>>) attributes {dimension_semantics = [#tpu.dimension_semantics<arbitrary>], iteration_bounds = array<i64: 5>, scalar_prefetch = 0 : i64, scratch_operands = 2 : i64, tpu.core_type = #tpu.core_type<tc>, window_params = [{transform_indices = @transform_0, window_bounds = array<i64: 1, 2000, 128>}, {transform_indices = @transform_1, window_bounds = array<i64: 1, 2000, 128>}, {transform_indices = @transform_2, window_bounds = array<i64: 1, 2000, 128>}, {transform_indices = @transform_3, window_bounds = array<i64: 1, 2000, 128>}, {pipeline_mode = #tpu.pipeline_mode<synchronous>, transform_indices = @transform_4, window_bounds = array<i64: 256, 256>}, {pipeline_mode = #tpu.pipeline_mode<synchronous>, transform_indices = @transform_5, window_bounds = array<i64: 1, 256>}, {pipeline_mode = #tpu.pipeline_mode<synchronous>, transform_indices = @transform_6, window_bounds = array<i64: 256, 128>}, {pipeline_mode = #tpu.pipeline_mode<synchronous>, transform_indices = @transform_7, window_bounds = array<i64: 1, 128>}, {transform_indices = @transform_8, window_bounds = array<i64: 1, 1, 2000>}, {pipeline_mode = #tpu.pipeline_mode<synchronous>, transform_indices = @transform_9, window_bounds = array<i64: 64, 128>}]} {
    %eq3A = arith.constant 0 : i32
    %eq3A_0 = arith.cmpi eq, %arg0, %eq3A : i32
    %convert_element_type3A = arith.extui %eq3A_0 : i1 to i32
    %cond3A = arith.constant 0 : i32
    %cond3A_1 = arith.cmpi ne, %convert_element_type3A, %cond3A : i32
    scf.if %cond3A_1 {
      %broadcast_in_dim3A_65 = arith.constant 0.000000e+00 : f32
      %broadcast_in_dim3A_66 = vector.broadcast %broadcast_in_dim3A_65 : f32 to vector<64x256xf32>
      %swap3A_67 = arith.constant 0 : index
      %swap3A_68 = arith.constant 0 : index
      %swap3A_69 = vector.load %arg11[%swap3A_67, %swap3A_68] : memref<64x256xf32, #tpu.memory_space<vmem>>, vector<64x256xf32>
      tpu.vector_store %arg11[%swap3A_67, %swap3A_68], %broadcast_in_dim3A_66 {strides = array<i32>} : memref<64x256xf32, #tpu.memory_space<vmem>>, vector<64x256xf32>,
      %broadcast_in_dim3A_70 = arith.constant 0.000000e+00 : f32
      %broadcast_in_dim3A_71 = vector.broadcast %broadcast_in_dim3A_70 : f32 to vector<64x256xf32>
      %swap3A_72 = arith.constant 0 : index
      %swap3A_73 = arith.constant 0 : index
      %swap3A_74 = vector.load %arg12[%swap3A_72, %swap3A_73] : memref<64x256xf32, #tpu.memory_space<vmem>>, vector<64x256xf32>
      tpu.vector_store %arg12[%swap3A_72, %swap3A_73], %broadcast_in_dim3A_71 {strides = array<i32>} : memref<64x256xf32, #tpu.memory_space<vmem>>, vector<64x256xf32>,
    } else {
    }
    %get3A = arith.constant 0 : index
    %get3A_2 = arith.constant 0 : index
    %get3A_3 = arith.constant 0 : index
    %get3A_4 = vector.load %arg1[%get3A, %get3A_2, %get3A_3] : memref<1x2000x128xf32, #tpu.memory_space<vmem>>, vector<1x2000x128xf32>
    %get3A_5 = vector.shape_cast %get3A_4 : vector<1x2000x128xf32> to vector<2000x128xf32>
    %get3A_6 = arith.constant 0 : index
    %get3A_7 = arith.constant 0 : index
    %get3A_8 = arith.constant 0 : index
    %get3A_9 = vector.load %arg3[%get3A_6, %get3A_7, %get3A_8] : memref<1x2000x128xf32, #tpu.memory_space<vmem>>, vector<1x2000x128xf32>
    %get3A_10 = vector.shape_cast %get3A_9 : vector<1x2000x128xf32> to vector<2000x128xf32>
    %add3A = arith.addf %get3A_5, %get3A_10 : vector<2000x128xf32>
    %get3A_11 = arith.constant 0 : index
    %get3A_12 = arith.constant 0 : index
    %get3A_13 = arith.constant 0 : index
    %get3A_14 = vector.load %arg2[%get3A_11, %get3A_12, %get3A_13] : memref<1x2000x128xf32, #tpu.memory_space<vmem>>, vector<1x2000x128xf32>
    %get3A_15 = vector.shape_cast %get3A_14 : vector<1x2000x128xf32> to vector<2000x128xf32>
    %get3A_16 = arith.constant 0 : index
    %get3A_17 = arith.constant 0 : index
    %get3A_18 = arith.constant 0 : index
    %get3A_19 = vector.load %arg4[%get3A_16, %get3A_17, %get3A_18] : memref<1x2000x128xf32, #tpu.memory_space<vmem>>, vector<1x2000x128xf32>
    %get3A_20 = vector.shape_cast %get3A_19 : vector<1x2000x128xf32> to vector<2000x128xf32>
    %add3A_21 = arith.addf %get3A_15, %get3A_20 : vector<2000x128xf32>
    %concatenate3A = tpu.concatenate %add3A, %add3A_21 in 1 : vector<2000x128xf32>, vector<2000x128xf32> -> vector<2000x256xf32>
    %get3A_22 = arith.constant 0 : index
    %get3A_23 = arith.constant 0 : index
    %get3A_24 = vector.load %arg5[%get3A_22, %get3A_23] : memref<256x256xf32, #tpu.memory_space<vmem>>, vector<256x256xf32>
    %dot_general3A = arith.constant dense<0.000000e+00> : vector<2000x256xf32>
    %dot_general3A_25 = tpu.matmul %concatenate3A, %get3A_24, %dot_general3A {dimension_numbers = #tpu.dot_dimension_numbers<[1], [0], [0], [1], [0, 0, 1, 1], [], []>, precision = #tpu.contract_precision<fp32>, transpose_lhs_hint = false} : vector<2000x256xf32>, vector<256x256xf32>, vector<2000x256xf32> -> vector<2000x256xf32>
    %get3A_26 = arith.constant 0 : index
    %get3A_27 = arith.constant 0 : index
    %get3A_28 = vector.load %arg6[%get3A_26, %get3A_27] : memref<1x256xf32, #tpu.memory_space<vmem>>, vector<1x256xf32>
    %add3A_29 = vector.broadcast %get3A_28 : vector<1x256xf32> to vector<2000x256xf32>
    %add3A_30 = arith.addf %dot_general3A_25, %add3A_29 : vector<2000x256xf32>
    %max3A = arith.constant 0.000000e+00 : f32
    %max3A_31 = vector.broadcast %max3A : f32 to vector<2000x256xf32>
    %max3A_32 = arith.maximumf %add3A_30, %max3A_31 : vector<2000x256xf32>
    %get3A_33 = arith.constant 0 : index
    %get3A_34 = arith.constant 0 : index
    %get3A_35 = arith.constant 0 : index
    %get3A_36 = vector.load %arg9[%get3A_33, %get3A_34, %get3A_35] : memref<1x1x2000xi32, #tpu.memory_space<vmem>>, vector<1x1x2000xi32>
    %get3A_37 = vector.shape_cast %get3A_36 : vector<1x1x2000xi32> to vector<1x2000xi32>
    %iota3A = tpu.iota {dimensions = array<i32: 0>} : vector<64x2000xi32>
    %eq3A_38 = vector.broadcast %get3A_37 : vector<1x2000xi32> to vector<64x2000xi32>
    %eq3A_39 = arith.cmpi eq, %iota3A, %eq3A_38 : vector<64x2000xi32>
    %convert_element_type3A_40 = arith.extui %eq3A_39 : vector<64x2000xi1> to vector<64x2000xi32>
    %convert_element_type3A_41 = arith.sitofp %convert_element_type3A_40 : vector<64x2000xi32> to vector<64x2000xf32>
    %get3A_42 = arith.constant 0 : index
    %get3A_43 = arith.constant 0 : index
    %get3A_44 = vector.load %arg11[%get3A_42, %get3A_43] : memref<64x256xf32, #tpu.memory_space<vmem>>, vector<64x256xf32>
    %dot_general3A_45 = arith.constant dense<0.000000e+00> : vector<64x256xf32>
    %dot_general3A_46 = tpu.matmul %convert_element_type3A_41, %max3A_32, %dot_general3A_45 {dimension_numbers = #tpu.dot_dimension_numbers<[1], [0], [0], [1], [0, 0, 1, 1], [], []>, precision = #tpu.contract_precision<fp32>, transpose_lhs_hint = false} : vector<64x2000xf32>, vector<2000x256xf32>, vector<64x256xf32> -> vector<64x256xf32>
    %add3A_47 = arith.addf %get3A_44, %dot_general3A_46 : vector<64x256xf32>
    %swap3A = arith.constant 0 : index
    %swap3A_48 = arith.constant 0 : index
    %swap3A_49 = vector.load %arg11[%swap3A, %swap3A_48] : memref<64x256xf32, #tpu.memory_space<vmem>>, vector<64x256xf32>
    tpu.vector_store %arg11[%swap3A, %swap3A_48], %add3A_47 {strides = array<i32>} : memref<64x256xf32, #tpu.memory_space<vmem>>, vector<64x256xf32>,
    %get3A_50 = arith.constant 0 : index
    %get3A_51 = arith.constant 0 : index
    %get3A_52 = vector.load %arg12[%get3A_50, %get3A_51] : memref<64x256xf32, #tpu.memory_space<vmem>>, vector<64x256xf32>
    %broadcast_in_dim3A = arith.constant 1.000000e+00 : f32
    %broadcast_in_dim3A_53 = vector.broadcast %broadcast_in_dim3A : f32 to vector<2000x256xf32>
    %dot_general3A_54 = arith.constant dense<0.000000e+00> : vector<64x256xf32>
    %dot_general3A_55 = tpu.matmul %convert_element_type3A_41, %broadcast_in_dim3A_53, %dot_general3A_54 {dimension_numbers = #tpu.dot_dimension_numbers<[1], [0], [0], [1], [0, 0, 1, 1], [], []>, precision = #tpu.contract_precision<fp32>, transpose_lhs_hint = false} : vector<64x2000xf32>, vector<2000x256xf32>, vector<64x256xf32> -> vector<64x256xf32>
    %add3A_56 = arith.addf %get3A_52, %dot_general3A_55 : vector<64x256xf32>
    %swap3A_57 = arith.constant 0 : index
    %swap3A_58 = arith.constant 0 : index
    %swap3A_59 = vector.load %arg12[%swap3A_57, %swap3A_58] : memref<64x256xf32, #tpu.memory_space<vmem>>, vector<64x256xf32>
    tpu.vector_store %arg12[%swap3A_57, %swap3A_58], %add3A_56 {strides = array<i32>} : memref<64x256xf32, #tpu.memory_space<vmem>>, vector<64x256xf32>,
    %eq3A_60 = arith.constant 4 : i32
    %eq3A_61 = arith.cmpi eq, %arg0, %eq3A_60 : i32
    %convert_element_type3A_62 = arith.extui %eq3A_61 : i1 to i32
    %cond3A_63 = arith.constant 0 : i32
    %cond3A_64 = arith.cmpi ne, %convert_element_type3A_62, %cond3A_63 : i32
    scf.if %cond3A_64 {
      %get3A_65 = arith.constant 0 : index
      %get3A_66 = arith.constant 0 : index
      %get3A_67 = vector.load %arg11[%get3A_65, %get3A_66] : memref<64x256xf32, #tpu.memory_space<vmem>>, vector<64x256xf32>
      %get3A_68 = arith.constant 0 : index
      %get3A_69 = arith.constant 0 : index
      %get3A_70 = vector.load %arg12[%get3A_68, %get3A_69] : memref<64x256xf32, #tpu.memory_space<vmem>>, vector<64x256xf32>
      %max3A_71 = arith.constant 1.000000e+00 : f32
      %max3A_72 = vector.broadcast %max3A_71 : f32 to vector<64x256xf32>
      %max3A_73 = arith.maximumf %get3A_70, %max3A_72 : vector<64x256xf32>
      %div3A = arith.divf %get3A_67, %max3A_73 : vector<64x256xf32>
      %get3A_74 = arith.constant 0 : index
      %get3A_75 = arith.constant 0 : index
      %get3A_76 = vector.load %arg7[%get3A_74, %get3A_75] : memref<256x128xf32, #tpu.memory_space<vmem>>, vector<256x128xf32>
      %dot_general3A_77 = arith.constant dense<0.000000e+00> : vector<64x128xf32>
      %dot_general3A_78 = tpu.matmul %div3A, %get3A_76, %dot_general3A_77 {dimension_numbers = #tpu.dot_dimension_numbers<[1], [0], [0], [1], [0, 0, 1, 1], [], []>, precision = #tpu.contract_precision<fp32>, transpose_lhs_hint = false} : vector<64x256xf32>, vector<256x128xf32>, vector<64x128xf32> -> vector<64x128xf32>
      %get3A_79 = arith.constant 0 : index
      %get3A_80 = arith.constant 0 : index
      %get3A_81 = vector.load %arg8[%get3A_79, %get3A_80] : memref<1x128xf32, #tpu.memory_space<vmem>>, vector<1x128xf32>
      %add3A_82 = vector.broadcast %get3A_81 : vector<1x128xf32> to vector<64x128xf32>
      %add3A_83 = arith.addf %dot_general3A_78, %add3A_82 : vector<64x128xf32>
      %swap3A_84 = arith.constant 0 : index
      %swap3A_85 = arith.constant 0 : index
      %swap3A_86 = vector.load %arg10[%swap3A_84, %swap3A_85] : memref<64x128xf32, #tpu.memory_space<vmem>>, vector<64x128xf32>
      tpu.vector_store %arg10[%swap3A_84, %swap3A_85], %add3A_83 {strides = array<i32>} : memref<64x128xf32, #tpu.memory_space<vmem>>, vector<64x128xf32>,
    } else {
    }
    return
  }
  func.func @transform_0(%arg0: i32) -> (i32, i32, i32) {
    %c0_i32 = arith.constant 0 : i32
    %c0_i32_0 = arith.constant 0 : i32
    %c0_i32_1 = arith.constant 0 : i32
    return %c0_i32, %arg0, %c0_i32_0 : i32, i32, i32
  }
  func.func @transform_1(%arg0: i32) -> (i32, i32, i32) {
    %c1_i32 = arith.constant 1 : i32
    %c0_i32 = arith.constant 0 : i32
    %c0_i32_0 = arith.constant 0 : i32
    return %c1_i32, %arg0, %c0_i32 : i32, i32, i32
  }
  func.func @transform_2(%arg0: i32) -> (i32, i32, i32) {
    %c0_i32 = arith.constant 0 : i32
    %c0_i32_0 = arith.constant 0 : i32
    %c0_i32_1 = arith.constant 0 : i32
    return %c0_i32, %arg0, %c0_i32_0 : i32, i32, i32
  }
  func.func @transform_3(%arg0: i32) -> (i32, i32, i32) {
    %c1_i32 = arith.constant 1 : i32
    %c0_i32 = arith.constant 0 : i32
    %c0_i32_0 = arith.constant 0 : i32
    return %c1_i32, %arg0, %c0_i32 : i32, i32, i32
  }
  func.func @transform_4(%arg0: i32) -> (i32, i32) {
    %c0_i32 = arith.constant 0 : i32
    %c0_i32_0 = arith.constant 0 : i32
    %c0_i32_1 = arith.constant 0 : i32
    return %c0_i32, %c0_i32_0 : i32, i32
  }
  func.func @transform_5(%arg0: i32) -> (i32, i32) {
    %c0_i32 = arith.constant 0 : i32
    %c0_i32_0 = arith.constant 0 : i32
    %c0_i32_1 = arith.constant 0 : i32
    return %c0_i32, %c0_i32_0 : i32, i32
  }
  func.func @transform_6(%arg0: i32) -> (i32, i32) {
    %c0_i32 = arith.constant 0 : i32
    %c0_i32_0 = arith.constant 0 : i32
    %c0_i32_1 = arith.constant 0 : i32
    return %c0_i32, %c0_i32_0 : i32, i32
  }
  func.func @transform_7(%arg0: i32) -> (i32, i32) {
    %c0_i32 = arith.constant 0 : i32
    %c0_i32_0 = arith.constant 0 : i32
    %c0_i32_1 = arith.constant 0 : i32
    return %c0_i32, %c0_i32_0 : i32, i32
  }
  func.func @transform_8(%arg0: i32) -> (i32, i32, i32) {
    %c0_i32 = arith.constant 0 : i32
    %c0_i32_0 = arith.constant 0 : i32
    %c0_i32_1 = arith.constant 0 : i32
    return %arg0, %c0_i32, %c0_i32_0 : i32, i32, i32
  }
  func.func @transform_9(%arg0: i32) -> (i32, i32) {
    %c0_i32 = arith.constant 0 : i32
    %c0_i32_0 = arith.constant 0 : i32
    %c0_i32_1 = arith.constant 0 : i32
    return %c0_i32, %c0_i32_0 : i32, i32
  }
}

</mosaic_0001>

<sc_bundles>
// kernel: kernel.6.cloned.1.call-start
scs
__scs_entry_jumppad:
0x0: {  	(pc) =	sbr.rel $0x88, $3  }
0x1: {  	(tag) =	ssettag $0x0;
	lr =	simm.s32 $0x1  }
0x2: {  	[smem:$0x3F98] =	sst lr;
	_ =	strace $0xD0000000  }
0x3: {  	_ = 	snop  }
0x4: {  	_ = 	snop  }
0x5: {  	_ = 	snop  }
0x6: {  	_ = 	snop  }
0x7: {  	_ = 	snop  }
__scs_overlays_trampoline_lowered:
0x8: {  	[smem:$0x3FA7] =	sst s0  }
0x9: {  	[smem:$0x3FA8] =	sst s1  }
0xa: {  	[smem:$0x3FA9] =	sst s2  }
0xb: {  	[smem:$0x3FAA] =	sst s3  }
0xc: {  	[smem:$0x3FAB] =	sst s4  }
0xd: {  	[smem:$0x3FAC] =	sst s5  }
0xe: {  	[smem:$0x3FAD] =	sst s6  }
0xf: {  	[smem:$0x3FAE] =	sst s7  }
0x10: {  	[smem:$0x3FAF] =	sst s8  }
0x11: {  	[smem:$0x3FB0] =	sst s9;
	s0 =	simm.s32 @!p0 $0x0  }
0x12: {  	s1 =	sld [smem:$0x3F96];
	s0 =	simm.s32 @p0 $0x1  }
0x13: {  	[smem:$0x3FB1] =	sst s0;
	s0 =	simm.s32 @!p1 $0x0  }
0x14: {  	s2 =	sld [smem:$0x3F95];
	s0 =	simm.s32 @p1 $0x1  }
0x15: {  	[smem:$0x3FB2] =	sst s0;
	s0 =	simm.s32 @!p2 $0x0  }
0x16: {  	s3 =	sld [smem:$0x3FDB];
	s0 =	simm.s32 @p2 $0x1  }
0x17: {  	s4 =	simm.s32 $0x1BF5;
	[smem:$0x3FB4] =	sst s0  }
0x18: {  	s0 =	sld [smem:$0x3F97];
	_ =	swait.ge [sflag:s4], $0x0  }
0x19: {  	s7 =	sld [smem:$0x3F98]  }
0x1a: {  	s8 =	sadd.s32 $0xFFFFE003, lr  }
0x1b: {  	s9 =	sadd.s32 $0xFFFFFEF7, lr;
	s5 =	simm.s32 $0xFFFFFFFF;
	p2 =	slt.u32 s8, $0xFFFFF086  }
0x1c: {  	p1 =	slt.u32 s9, $0xF7A;
	s5 =	simm.s32 @!p2 $0x0  }
0x1d: {  	s5 =	simm.s32 @p1 $0x1;
	p0 =	seq.s32 s7, s2  }
0x1e: {  	s7 =	smul.u32 @!p0 $0xF7A, s2;
	p2 =	seq.s32 @!p0 s5, $0x0  }
0x1f: {  	s9 =	smul.u32 $0xF7A, s1;
	s8 =	simm.s32 @!p0 $0x1BF5;
	p2 =	por !p2, p0  }
0x20: {  	[sflag:s8] =	ssyncset.s32 @!p0 $0xFFFFF086;
	s6 =	sadd.s32 @!p0 s3, s7;
	s7 =	simm.s32 @!p0 $0x108  }
0x21: {  	s3 =	sadd.s32 s3, s9;
	s6 =	sadd.s32 @!p0 $0x88, s6;
	s7 =	simm.s32 @p2 $0x1082  }
0x22: {  	[simem:s7], [sflag:s8] =	dma.local @!p0 [hbm:s6], $0xF7A  }
0x23: {  	s9 =	sor.u32 $0xD0000000, s2;
	s6 =	simm.s32 $0x108;
	_ =	swait.ge @!p0 [sflag:s8], $0x0  }
0x24: {  	s3 =	sadd.s32 $0x88, s3;
	s6 =	simm.s32 @!p1 $0x1082;
	[sflag:s4] =	ssyncset.s32 $0xFFFFF086  }
0x25: {  	[simem:s6], [sflag:s4] =	dma.local [hbm:s3], $0xF7A  }
0x26: {  	[smem:$0x3F98] =	sst s1;
	(tag) =	ssettag s2;
	_ =	strace s9  }
0x27: {  	s1 =	sld [smem:$0x3FA8]  }
0x28: {  	s2 =	sld [smem:$0x3FA9]  }
0x29: {  	s4 =	sld [smem:$0x3FAB]  }
0x2a: {  	p0 =	seq.s32 s5, $0x0;
	s5 =	sld [smem:$0x3FAC]  }
0x2b: {  	s6 =	sld [smem:$0x3FAD]  }
0x2c: {  	s7 =	sld [smem:$0x3FAE]  }
0x2d: {  	s3 =	simm.s32 $0x108;
	s8 =	sld [smem:$0x3FAF]  }
0x2e: {  	s3 =	simm.s32 @!p0 $0x1082;
	s9 =	sld [smem:$0x3FB0]  }
0x2f: {  	lr =	sadd.s32 s0, s3;
	s0 =	sld [smem:$0x3FA7]  }
0x30: {  	s3 =	sld [smem:$0x3FAA]  }
0x31: {  	[smem:$0x3FB3] =	sst s10  }
0x32: {  	s10 =	sld [smem:$0x3FB1];
	_ =	sdelay $0x3  }
0x33: {  	p0 =	seq.s32 s10, $0x1;
	s10 =	sld [smem:$0x3FB3];
	_ =	sdelay $0x3  }
0x34: {  	[smem:$0x3FB3] =	sst s10  }
0x35: {  	s10 =	sld [smem:$0x3FB2];
	_ =	sdelay $0x3  }
0x36: {  	p1 =	seq.s32 s10, $0x1;
	s10 =	sld [smem:$0x3FB3];
	_ =	sdelay $0x3  }
0x37: {  	[smem:$0x3FB3] =	sst s10  }
0x38: {  	s10 =	sld [smem:$0x3FB4]  }
0x39: {  	_ = 	snop;
	(pc) =	sbr.ind lr, $3  }
0x3a: {  	_ = 	snop  }
0x3b: {  	_ = 	snop  }
0x3c: {  	p2 =	seq.s32 s10, $0x1;
	s10 =	sld [smem:$0x3FB3]  }
0x3d: {  	_ =	shalt  }
0x3e: {  	_ =	shalt  }
0x3f: {  	_ =	shalt  }
0x40: {  	_ =	shalt  }
0x41: {  	_ =	shalt  }
0x42: {  	_ =	shalt  }
0x43: {  	_ =	shalt  }
0x44: {  	_ =	shalt  }
0x45: {  	_ =	shalt  }
0x46: {  	_ =	shalt  }
0x47: {  	_ =	shalt  }
0x48: {  	_ =	shalt  }
0x49: {  	_ =	shalt  }
0x4a: {  	_ =	shalt  }
0x4b: {  	_ =	shalt  }
0x4c: {  	_ =	shalt  }
0x4d: {  	_ =	shalt  }
0x4e: {  	_ =	shalt  }
0x4f: {  	_ =	shalt  }
0x50: {  	_ =	shalt  }
0x51: {  	_ =	shalt  }
0x52: {  	_ =	shalt  }
0x53: {  	_ =	shalt  }
0x54: {  	_ =	shalt  }
0x55: {  	_ =	shalt  }
0x56: {  	_ =	shalt  }
0x57: {  	_ =	shalt  }
0x58: {  	_ =	shalt  }
0x59: {  	_ =	shalt  }
0x5a: {  	_ =	shalt  }
0x5b: {  	_ =	shalt  }
0x5c: {  	_ =	shalt  }
0x5d: {  	_ =	shalt  }
0x5e: {  	_ =	shalt  }
0x5f: {  	_ =	shalt  }
0x60: {  	_ =	shalt  }
0x61: {  	_ =	shalt  }
0x62: {  	_ =	shalt  }
0x63: {  	_ =	shalt  }
0x64: {  	_ =	shalt  }
0x65: {  	_ =	shalt  }
0x66: {  	_ =	shalt  }
0x67: {  	_ =	shalt  }
0x68: {  	_ =	shalt  }
0x69: {  	_ =	shalt  }
0x6a: {  	_ =	shalt  }
0x6b: {  	_ =	shalt  }
0x6c: {  	_ =	shalt  }
0x6d: {  	_ =	shalt  }
0x6e: {  	_ =	shalt  }
0x6f: {  	_ =	shalt  }
0x70: {  	_ =	shalt  }
0x71: {  	_ =	shalt  }
0x72: {  	_ =	shalt  }
0x73: {  	_ =	shalt  }
0x74: {  	_ =	shalt  }
0x75: {  	_ =	shalt  }
0x76: {  	_ =	shalt  }
0x77: {  	_ =	shalt  }
0x78: {  	_ =	shalt  }
0x79: {  	_ =	shalt  }
0x7a: {  	_ =	shalt  }
0x7b: {  	_ =	shalt  }
0x7c: {  	_ =	shalt  }
0x7d: {  	_ =	shalt  }
0x7e: {  	_ =	shalt  }
0x7f: {  	_ =	shalt  }
0x80: {  	_ =	shalt  }
0x81: {  	_ =	shalt  }
0x82: {  	_ =	shalt  }
0x83: {  	_ =	shalt  }
0x84: {  	_ =	shalt  }
0x85: {  	_ =	shalt  }
0x86: {  	_ =	shalt  }
0x87: {  	_ =	shalt  }
.Lfunc_end0:
.L_simem_size_0:
called_computation_lowered:
.L_overlay_start_0:
0x88: {  	s2 =	sld [smem:$0x3FD9]  }
0x89: {  	s3 =	sld [smem:$0x3FFE];
	_ =	sdelay $0x1  }
0x8a: {  	s1 =	srdreg.scid  }
0x8b: {  	s0 =	sand.u32 $0x1, s1  }
0x8c: {  	s16 =	sshll.u32 s0, $0xA;
	s2 =	sadd.s32 s3, s2  }
0x8d: {  	s2 =	sadd.s32 s2, s16  }
0x8e: {  	[smem:$0x3FBF] =	sst s2  }
0x8f: {  	_ = 	snop  }
0x90: {  	(tm) =	ssettm $0x1  }
0x91: {  	s17 =	sld [smem:$0x3FFB];
	_ =	sdelay $0x3  }
0x92: {  	_ =	strace s17  }
0x93: {  	s2 =	sld [smem:$0x3FFC];
	_ =	sdelay $0x3  }
0x94: {  	_ =	strace s2  }
0x95: {  	s2 =	sld [smem:$0x3FFD];
	_ =	sdelay $0x3  }
0x96: {  	_ =	strace s2  }
0x97: {  	_ =	strace $0x8FFFFFFF  }
0x98: {  	s18 =	sld [smem:$0x3FDB];
	_ =	sdelay $0x1  }
0x99: {  	s19 =	simm.s32 $_scs_section_size  }
0x9a: {  	s4 =	simm.s32 $_size__tile_overlayer_lowered;
	s5 =	simm.s32 $_tile_overlayer_lowered  }
0x9b: {  	s22 =	simm.s32 $0x1BFF;
	s21 =	sshll.u32 s5, $0x1;
	s2 =	sadd.s32 s19, s18  }
0x9c: {  	s6 =	simm.s32 $0x0;
	s20 =	sshll.u32 s4, $0x1;
	s4 =	sadd.s32 s21, s2  }
0x9d: {  	[timem:s6], [sflag:s22] =	dma.local [hbm:s4], s20  }
0x9e: {  	_ =	swait.ge [sflag:s22], s20  }
0x9f: {  	s3 =	ssub.s32 $0x0, s20;
	[sflag:s22] =	ssyncset.done $0x0  }
0xa0: {  	[sflag:s22] =	ssyncadd.s32 s3;
	_ =	sdelay $0x1  }
0xa1: {  	s23 =	simm.s32 $0x1B8B  }
0xa2: {  	_ =	swait.ge [sflag:s23], $0x1  }
0xa3: {  	[sflag:s23] =	ssyncset.done $0x0  }
0xa4: {  	s25 =	simm.s32 $0x1B8E;
	s24 =	sld [smem:$0x3FFE];
	[sflag:s23] =	ssyncadd.s32 $0xFFFFFFFF  }
0xa5: {  	s26 =	simm.s32 $execute0_lowered;
	[smem:$0x3FD2] =	sst s25  }
0xa6: {  	s4 =	sshll.u32 s26, $0x1;
	_ =	strace $0x80000046;
	[dreg:$0x1] =	wrdreg $0xFFFFFFFF  }
0xa7: {  	s28 =	simm.s32 $_size_execute0_lowered;
	s2 =	sadd.s32 s2, s4;
	[dreg:$0x0] =	wrdreg $0x0  }
0xa8: {  	s4 =	sshll.u32 s28, $0x1;
	[dreg:$0x2] =	wrdreg s2  }
0xa9: {  	[dreg:$0x3] =	wrdreg s4  }
0xaa: {  	[dreg:$0x4] =	wrdreg $0xC0  }
0xab: {  	_ =	task [dreg:s6], $0x5FFFF  }
0xac: {  	[dreg:$0x1] =	wrdreg $0xFFFFFFFF  }
0xad: {  	[dreg:$0x0] =	wrdreg $0x60  }
0xae: {  	[dreg:$0x2] =	wrdreg s24  }
0xaf: {  	[dreg:$0x3] =	wrdreg $0xBC000  }
0xb0: {  	[dreg:$0x4] =	wrdreg $0x9  }
0xb1: {  	_ =	task.clear_ibuf [dreg:s6], $0x5FFFF;
	_ =	strace $0x90000046  }
0xb2: {  	s29 =	simm.s32 $0x9;
	_ =	strace $0x80000048  }
0xb3: {  	_ =	swait.ge [sflag:s29], $0x1  }
0xb4: {  	[sflag:s29] =	ssyncadd.s32 $0xFFFFFFFF  }
0xb5: {  	_ =	strace $0x90000048  }
0xb6: {  	_ =	sfence  }
0xb7: {  	s30 =	sld [smem:$0x0];
	_ =	sdelay $0x2  }
0xb8: {  	s31 =	sshll.u32 s1, $0xD;
	s1 =	sshrl.u32 s1, $0x2  }
0xb9: {  	s3 =	sand.u32 $0x4000, s31;
	s1 =	sadd.s32 s1, s30  }
0xba: {  	s0 =	sor.u32 s3, s0;
	s1 =	sshll.u32 s1, $0x11  }
0xbb: {  	s0 =	sor.u32 s1, s0  }
0xbc: {  	s0 =	sadd.s32 $0x8F2B, s0  }
0xbd: {  	[sflag:s0] =	ssyncadd.remote.s32 $0x1  }
0xbe: {  	_ =	sfence.sel $0xFFFF  }
0xbf: {  	[dreg:$0x0] =	wrdreg $0xFFFFFFFF;
	(pc) =	sbr.abs _section_cstart, $3  }
0xc0: {  	[dreg:$0x1] =	wrdreg $0xFFFFFFFF  }
0xc1: {  	_ =	task.clear_ibuf [dreg:s6], $0x2FFFF;
	_ =	strace $0x9FFFFFFF  }
0xc2: {  	(tm) =	ssettm $0x7FFFFFFF  }
0xc3: {  	_ =	shalt  }
tec
execute0_lowered:
.L_overlay_start_1:
0x0: {  	(tag) =	ssettag $0x1  }
0x1: {  	s9 =	stileid.u32  }
0x2: {  	s2 =	srdreg.scid;
	s4 =	smul.u32 $0x6400, s9  }
0x3: {  	s0 =	rddreg [dreg:$0x0];
	s2 =	sand.u32 $0x1, s2;
	s7 =	smul.u32 $0x50000, s9  }
0x4: {  	s1 =	rddreg [dreg:$0x1];
	s3 =	simm.s32 $0x0;
	s24 =	smul.u32 $0x27100, s2  }
0x5: {  	[smem:$0x7FF] =	sst s3;
	s6 =	smul.u32 $0x28000, s2;
	s2 =	ssub.s32 $0x2, s2  }
0x6: {  	s5 =	sadd.s32 $0x2200, s0;
	_ =	strace $0x80000047;
	s25 =	sshrl.u32 s2, $0x1  }
0x7: {  	s26 =	sshrl.u32 s4, $0x3;
	s8 =	sshrl.u32 s7, $0x2;
	s3 =	sadd.s32 s24, s0  }
0x8: {  	s0 =	sadd.s32 s6, s0;
	s2 =	ssub.s32 s2, s25;
	s6 =	sadd.s32 s5, s26  }
0x9: {  	s8 =	sadd.s32 s8, s1;
	[dreg:$0x3] =	wrdreg s6;
	s2 =	smax.u32 s2, $0x1  }
0xa: {  	s10 =	sadd.s32 $0x800, s8;
	[dreg:$0x4] =	wrdreg s2  }
0xb: {  	s11 =	sadd.s32 $0x1000, s8;
	[dreg:$0x5] =	wrdreg s10  }
0xc: {  	s12 =	sadd.s32 $0x1800, s8;
	[dreg:$0x6] =	wrdreg s11  }
0xd: {  	s13 =	sadd.s32 $0x2000, s8;
	[dreg:$0x7] =	wrdreg s12  }
0xe: {  	s14 =	sadd.s32 $0x2800, s8;
	[dreg:$0x8] =	wrdreg s13  }
0xf: {  	s15 =	sadd.s32 $0x3000, s8;
	[dreg:$0x9] =	wrdreg s14  }
0x10: {  	s16 =	sadd.s32 $0x3800, s8;
	[dreg:$0xa] =	wrdreg s15  }
0x11: {  	s17 =	sadd.s32 $0x4000, s8;
	[dreg:$0xb] =	wrdreg s16  }
0x12: {  	s18 =	sadd.s32 $0x4800, s8;
	[dreg:$0xc] =	wrdreg s17  }
0x13: {  	s19 =	sadd.s32 $0x5000, s8;
	[dreg:$0xd] =	wrdreg s18  }
0x14: {  	s20 =	sadd.s32 $0x5800, s8;
	[dreg:$0xe] =	wrdreg s19  }
0x15: {  	s21 =	sadd.s32 $0x6000, s8;
	[dreg:$0xf] =	wrdreg s20  }
0x16: {  	s22 =	sadd.s32 $0x6800, s8;
	[dreg:$0x10] =	wrdreg s21  }
0x17: {  	s23 =	sadd.s32 $0x7000, s8;
	[dreg:$0x11] =	wrdreg s22  }
0x18: {  	s24 =	sadd.s32 $0x7800, s8;
	[dreg:$0x12] =	wrdreg s23  }
0x19: {  	s25 =	sadd.s32 $0x8000, s8;
	[dreg:$0x14] =	wrdreg s24  }
0x1a: {  	s9 =	smul.u32 $0x2800, s9;
	s26 =	sadd.s32 $0x8800, s8;
	[dreg:$0x15] =	wrdreg s25  }
0x1b: {  	s7 =	sadd.s32 $0x1B200, s3;
	s3 =	sadd.s32 $0x9800, s8;
	[dreg:$0x16] =	wrdreg s26  }
0x1c: {  	s0 =	sadd.s32 $0x69400, s0;
	s6 =	sadd.s32 $0xA000, s8;
	[dreg:$0x18] =	wrdreg s3  }
0x1d: {  	s0 =	sadd.s32 s9, s0;
	[dreg:$0x19] =	wrdreg s6  }
0x1e: {  	s2 =	sadd.s32 $0x9000, s8;
	[dreg:$0x13] =	wrdreg s0  }
0x1f: {  	s9 =	sadd.s32 $0xA800, s8;
	[dreg:$0x17] =	wrdreg s2  }
0x20: {  	s10 =	sadd.s32 $0xB000, s8;
	[dreg:$0x1a] =	wrdreg s9  }
0x21: {  	s11 =	sadd.s32 $0xB800, s8;
	[dreg:$0x1b] =	wrdreg s10  }
0x22: {  	s12 =	sadd.s32 $0xC000, s8;
	[dreg:$0x1c] =	wrdreg s11  }
0x23: {  	s13 =	sadd.s32 $0xC800, s8;
	[dreg:$0x1d] =	wrdreg s12  }
0x24: {  	s14 =	sadd.s32 $0xD000, s8;
	[dreg:$0x1e] =	wrdreg s13  }
0x25: {  	s15 =	sadd.s32 $0xD800, s8;
	[dreg:$0x1f] =	wrdreg s14  }
0x26: {  	s16 =	sadd.s32 $0xE000, s8;
	[smem:$0x7F2] =	sst s15  }
0x27: {  	s17 =	sadd.s32 $0xE800, s8;
	[smem:$0x7F3] =	sst s16  }
0x28: {  	s18 =	sadd.s32 $0xF000, s8;
	[smem:$0x7F4] =	sst s17  }
0x29: {  	s19 =	sadd.s32 $0xF800, s8;
	[smem:$0x7F5] =	sst s18  }
0x2a: {  	s20 =	sadd.s32 $0x10000, s8;
	[smem:$0x7F6] =	sst s19  }
0x2b: {  	s21 =	sadd.s32 $0x10800, s8;
	[smem:$0x7F7] =	sst s20  }
0x2c: {  	s22 =	sadd.s32 $0x11000, s8;
	[smem:$0x7F8] =	sst s21  }
0x2d: {  	s28 =	simm.s32 $0x4400;
	s23 =	sadd.s32 $0x11800, s8;
	[smem:$0x7F9] =	sst s22  }
0x2e: {  	s29 =	simm.s32 $0x6000;
	s24 =	sadd.s32 $0x12000, s8;
	[smem:$0x7FA] =	sst s23  }
0x2f: {  	s30 =	simm.s32 $0x7C00;
	s25 =	sadd.s32 $0x12800, s8;
	[smem:$0x7FB] =	sst s24  }
0x30: {  	s31 =	simm.s32 $0x9800;
	s26 =	sadd.s32 $0x13000, s8;
	[smem:$0x7FC] =	sst s25  }
0x31: {  	s3 =	simm.s32 $0x6;
	s6 =	simm.s32 $0x2;
	[smem:$0x7FD] =	sst s26  }
0x32: {  	s23 =	sadd.s32 $0x13800, s8;
	s24 =	simm.s32 $0x7;
	s25 =	simm.s32 $0x32  }
0x33: {  	s26 =	simm.s32 $0x2800;
	s0 =	simm.s32 $0xB400;
	s2 =	simm.s32 $0x1  }
0x34: {  	s9 =	simm.s32 $0x3;
	s10 =	simm.s32 $0x4;
	s11 =	simm.s32 $0x5  }
0x35: {  	s12 =	simm.s32 $0x2580;
	s13 =	simm.s32 $0x2600;
	s14 =	simm.s32 $0x2680  }
0x36: {  	v0 =	vimm.f32 $0.0e+00;
	s15 =	simm.s32 $0x2700;
	s16 =	simm.s32 $0x2780;
	s17 =	simm.s32 $0x0  }
.LBB2_1:
0x37: {  	s18 =	simm.s32 $0x0  }
0x38: {  	s19 =	rddreg [dreg:$0x3];
	s20 =	simm.s32 $0x1400;
	s21 =	simm.s32 $0x64000  }
0x39: {  	[tilespmem:s18], [sflag:$0x7] =	stream.strided.gather [hbm4b:s19+s20], $0x2800, s21, s20, $0x38;
	[tilespmem:$0x1FC00] =	vst v63  }
0x3a: {  	_ =	swait.ge [sflag:s24], $0x2800  }
0x3b: {  	[sflag:s24] =	ssyncset.done $0x0  }
0x3c: {  	[sflag:s24] =	ssyncadd.s32 $0xFFFFD800  }
0x3d: {  	[tilespmem:s26], [sflag:$0x1] =	stream.indirect.gather [hbm4b:s7+s25], $0x80, s18, s25, $0xb8;
	[tilespmem:$0x1FC00] =	vst v63  }
0x3e: {  	s19 =	simm.s32 $0x80  }
0x3f: {  	[tilespmem:s28], [sflag:$0x2] =	stream.indirect.gather [hbm4b:s7+s25], $0x80, s19, s25, $0xb8;
	[tilespmem:$0x1FC00] =	vst v63  }
0x40: {  	s20 =	simm.s32 $0x100  }
0x41: {  	[tilespmem:s29], [sflag:$0x3] =	stream.indirect.gather [hbm4b:s7+s25], $0x80, s20, s25, $0xb8;
	[tilespmem:$0x1FC00] =	vst v63  }
0x42: {  	s21 =	simm.s32 $0x180  }
0x43: {  	[tilespmem:s30], [sflag:$0x4] =	stream.indirect.gather [hbm4b:s7+s25], $0x80, s21, s25, $0xb8;
	[tilespmem:$0x1FC00] =	vst v63  }
0x44: {  	s22 =	simm.s32 $0x200;
	s18 =	simm.s32 $0x0;
	s19 =	simm.s32 $0x200  }
0x45: {  	[tilespmem:s31], [sflag:$0x5] =	stream.indirect.gather [hbm4b:s7+s25], $0x80, s22, s25, $0xb8;
	[tilespmem:$0x1FC00] =	vst v63  }
.LBB2_2:
0x46: {  	p0 =	sne.s32 s19, $0x1E00;
	[tilespmem:s18+$0xB470] =	vst v0  }
0x47: {  	[tilespmem:s18+$0xB400] =	vst v0  }
0x48: {  	[tilespmem:s18+$0xB410] =	vst v0  }
.Ltmp0:
0x49: {  	[tilespmem:s18+$0xB420] =	vst v0;
	(pc) =	sbr.rel @p0 .LBB2_2-.Ltmp0, $4  }
0x4a: {  	[tilespmem:s18+$0xB430] =	vst v0  }
0x4b: {  	[tilespmem:s18+$0xB440] =	vst v0  }
0x4c: {  	[tilespmem:s18+$0xB450] =	vst v0  }
0x4d: {  	[tilespmem:s18+$0xB460] =	vst v0;
	s18 =	sshra.s32 s19, $0x2;
	s19 =	sadd.s32 $0x200, s19  }
0x4e: {  	[tilespmem:s18+$0xB470] =	vst v0  }
0x4f: {  	[tilespmem:s18+$0xB400] =	vst v0  }
0x50: {  	[tilespmem:s18+$0xB410] =	vst v0  }
0x51: {  	[tilespmem:s18+$0xB420] =	vst v0  }
0x52: {  	[tilespmem:s18+$0xB430] =	vst v0  }
0x53: {  	[tilespmem:s18+$0xB440] =	vst v0  }
0x54: {  	[tilespmem:s18+$0xB450] =	vst v0  }
0x55: {  	[tilespmem:s18+$0xB460] =	vst v0;
	s21 =	rddreg [dreg:$0x5]  }
0x56: {  	[spmem:s8] =	stream.linear.scatter [tilespmem:s0], [sflag:$0x6], $0x800, $0x38;
	[tilespmem:$0x1FC00] =	vst v63  }
0x57: {  	s22 =	rddreg [dreg:$0x6]  }
0x58: {  	[spmem:s21] =	stream.linear.scatter [tilespmem:s0], [sflag:$0x6], $0x800, $0x38;
	[tilespmem:$0x1FC00] =	vst v63  }
0x59: {  	s19 =	rddreg [dreg:$0x7]  }
0x5a: {  	[spmem:s22] =	stream.linear.scatter [tilespmem:s0], [sflag:$0x6], $0x800, $0x38;
	[tilespmem:$0x1FC00] =	vst v63  }
0x5b: {  	s20 =	rddreg [dreg:$0x8]  }
0x5c: {  	[spmem:s19] =	stream.linear.scatter [tilespmem:s0], [sflag:$0x6], $0x800, $0x38;
	[tilespmem:$0x1FC00] =	vst v63  }
0x5d: {  	s21 =	rddreg [dreg:$0x9]  }
0x5e: {  	[spmem:s20] =	stream.linear.scatter [tilespmem:s0], [sflag:$0x6], $0x800, $0x38;
	[tilespmem:$0x1FC00] =	vst v63  }
0x5f: {  	s22 =	rddreg [dreg:$0xa]  }
0x60: {  	[spmem:s21] =	stream.linear.scatter [tilespmem:s0], [sflag:$0x6], $0x800, $0x38;
	[tilespmem:$0x1FC00] =	vst v63  }
0x61: {  	s19 =	rddreg [dreg:$0xb]  }
0x62: {  	[spmem:s22] =	stream.linear.scatter [tilespmem:s0], [sflag:$0x6], $0x800, $0x38;
	[tilespmem:$0x1FC00] =	vst v63  }
0x63: {  	s20 =	rddreg [dreg:$0xc]  }
0x64: {  	[spmem:s19] =	stream.linear.scatter [tilespmem:s0], [sflag:$0x6], $0x800, $0x38;
	[tilespmem:$0x1FC00] =	vst v63  }
0x65: {  	s21 =	rddreg [dreg:$0xd]  }
0x66: {  	[spmem:s20] =	stream.linear.scatter [tilespmem:s0], [sflag:$0x6], $0x800, $0x38;
	[tilespmem:$0x1FC00] =	vst v63  }
0x67: {  	s22 =	rddreg [dreg:$0xe]  }
0x68: {  	[spmem:s21] =	stream.linear.scatter [tilespmem:s0], [sflag:$0x6], $0x800, $0x38;
	[tilespmem:$0x1FC00] =	vst v63  }
0x69: {  	s19 =	rddreg [dreg:$0xf]  }
0x6a: {  	[spmem:s22] =	stream.linear.scatter [tilespmem:s0], [sflag:$0x6], $0x800, $0x38;
	[tilespmem:$0x1FC00] =	vst v63  }
0x6b: {  	s20 =	rddreg [dreg:$0x10]  }
0x6c: {  	[spmem:s19] =	stream.linear.scatter [tilespmem:s0], [sflag:$0x6], $0x800, $0x38;
	[tilespmem:$0x1FC00] =	vst v63  }
0x6d: {  	s21 =	rddreg [dreg:$0x11]  }
0x6e: {  	[spmem:s20] =	stream.linear.scatter [tilespmem:s0], [sflag:$0x6], $0x800, $0x38;
	[tilespmem:$0x1FC00] =	vst v63  }
0x6f: {  	s22 =	rddreg [dreg:$0x12]  }
0x70: {  	[spmem:s21] =	stream.linear.scatter [tilespmem:s0], [sflag:$0x6], $0x800, $0x38;
	[tilespmem:$0x1FC00] =	vst v63  }
0x71: {  	s19 =	rddreg [dreg:$0x14]  }
0x72: {  	[spmem:s22] =	stream.linear.scatter [tilespmem:s0], [sflag:$0x6], $0x800, $0x38;
	[tilespmem:$0x1FC00] =	vst v63  }
0x73: {  	s20 =	rddreg [dreg:$0x15]  }
0x74: {  	[spmem:s19] =	stream.linear.scatter [tilespmem:s0], [sflag:$0x6], $0x800, $0x38;
	[tilespmem:$0x1FC00] =	vst v63  }
0x75: {  	s21 =	rddreg [dreg:$0x16]  }
0x76: {  	[spmem:s20] =	stream.linear.scatter [tilespmem:s0], [sflag:$0x6], $0x800, $0x38;
	[tilespmem:$0x1FC00] =	vst v63  }
0x77: {  	s22 =	rddreg [dreg:$0x17]  }
0x78: {  	[spmem:s21] =	stream.linear.scatter [tilespmem:s0], [sflag:$0x6], $0x800, $0x38;
	[tilespmem:$0x1FC00] =	vst v63  }
0x79: {  	s19 =	rddreg [dreg:$0x18]  }
0x7a: {  	[spmem:s22] =	stream.linear.scatter [tilespmem:s0], [sflag:$0x6], $0x800, $0x38;
	[tilespmem:$0x1FC00] =	vst v63  }
0x7b: {  	s20 =	rddreg [dreg:$0x19]  }
0x7c: {  	[spmem:s19] =	stream.linear.scatter [tilespmem:s0], [sflag:$0x6], $0x800, $0x38;
	[tilespmem:$0x1FC00] =	vst v63  }
0x7d: {  	s21 =	rddreg [dreg:$0x1a]  }
0x7e: {  	[spmem:s20] =	stream.linear.scatter [tilespmem:s0], [sflag:$0x6], $0x800, $0x38;
	[tilespmem:$0x1FC00] =	vst v63  }
0x7f: {  	s22 =	rddreg [dreg:$0x1b]  }
0x80: {  	[spmem:s21] =	stream.linear.scatter [tilespmem:s0], [sflag:$0x6], $0x800, $0x38;
	[tilespmem:$0x1FC00] =	vst v63  }
0x81: {  	s19 =	rddreg [dreg:$0x1c]  }
0x82: {  	[spmem:s22] =	stream.linear.scatter [tilespmem:s0], [sflag:$0x6], $0x800, $0x38;
	[tilespmem:$0x1FC00] =	vst v63  }
0x83: {  	s20 =	rddreg [dreg:$0x1d]  }
0x84: {  	[spmem:s19] =	stream.linear.scatter [tilespmem:s0], [sflag:$0x6], $0x800, $0x38;
	[tilespmem:$0x1FC00] =	vst v63  }
0x85: {  	s21 =	rddreg [dreg:$0x1e]  }
0x86: {  	[spmem:s20] =	stream.linear.scatter [tilespmem:s0], [sflag:$0x6], $0x800, $0x38;
	[tilespmem:$0x1FC00] =	vst v63  }
0x87: {  	s22 =	rddreg [dreg:$0x1f]  }
0x88: {  	[spmem:s21] =	stream.linear.scatter [tilespmem:s0], [sflag:$0x6], $0x800, $0x38;
	[tilespmem:$0x1FC00] =	vst v63  }
0x89: {  	s19 =	sld [smem:$0x7F2]  }
0x8a: {  	[spmem:s22] =	stream.linear.scatter [tilespmem:s0], [sflag:$0x6], $0x800, $0x38;
	[tilespmem:$0x1FC00] =	vst v63  }
0x8b: {  	s20 =	sld [smem:$0x7F3]  }
0x8c: {  	[spmem:s19] =	stream.linear.scatter [tilespmem:s0], [sflag:$0x6], $0x800, $0x38;
	[tilespmem:$0x1FC00] =	vst v63  }
0x8d: {  	s21 =	sld [smem:$0x7F4]  }
0x8e: {  	[spmem:s20] =	stream.linear.scatter [tilespmem:s0], [sflag:$0x6], $0x800, $0x38;
	[tilespmem:$0x1FC00] =	vst v63  }
0x8f: {  	s22 =	sld [smem:$0x7F5]  }
0x90: {  	[spmem:s21] =	stream.linear.scatter [tilespmem:s0], [sflag:$0x6], $0x800, $0x38;
	[tilespmem:$0x1FC00] =	vst v63  }
0x91: {  	s19 =	sld [smem:$0x7F6]  }
0x92: {  	[spmem:s22] =	stream.linear.scatter [tilespmem:s0], [sflag:$0x6], $0x800, $0x38;
	[tilespmem:$0x1FC00] =	vst v63  }
0x93: {  	s20 =	sld [smem:$0x7F7]  }
0x94: {  	[spmem:s19] =	stream.linear.scatter [tilespmem:s0], [sflag:$0x6], $0x800, $0x38;
	[tilespmem:$0x1FC00] =	vst v63  }
0x95: {  	s21 =	sld [smem:$0x7F8]  }
0x96: {  	[spmem:s20] =	stream.linear.scatter [tilespmem:s0], [sflag:$0x6], $0x800, $0x38;
	[tilespmem:$0x1FC00] =	vst v63  }
0x97: {  	s22 =	sld [smem:$0x7F9]  }
0x98: {  	[spmem:s21] =	stream.linear.scatter [tilespmem:s0], [sflag:$0x6], $0x800, $0x38;
	[tilespmem:$0x1FC00] =	vst v63  }
0x99: {  	s19 =	sld [smem:$0x7FA]  }
0x9a: {  	[spmem:s22] =	stream.linear.scatter [tilespmem:s0], [sflag:$0x6], $0x800, $0x38;
	[tilespmem:$0x1FC00] =	vst v63  }
0x9b: {  	s20 =	sld [smem:$0x7FB]  }
0x9c: {  	[spmem:s19] =	stream.linear.scatter [tilespmem:s0], [sflag:$0x6], $0x800, $0x38;
	[tilespmem:$0x1FC00] =	vst v63  }
0x9d: {  	s21 =	sld [smem:$0x7FC]  }
0x9e: {  	[spmem:s20] =	stream.linear.scatter [tilespmem:s0], [sflag:$0x6], $0x800, $0x38;
	[tilespmem:$0x1FC00] =	vst v63  }
0x9f: {  	s22 =	sld [smem:$0x7FD]  }
0xa0: {  	[spmem:s21] =	stream.linear.scatter [tilespmem:s0], [sflag:$0x6], $0x800, $0x38;
	[tilespmem:$0x1FC00] =	vst v63  }
0xa1: {  	_ = 	snop  }
0xa2: {  	[spmem:s22] =	stream.linear.scatter [tilespmem:s0], [sflag:$0x6], $0x800, $0x38;
	[tilespmem:$0x1FC00] =	vst v63  }
0xa3: {  	_ = 	snop  }
0xa4: {  	[spmem:s23] =	stream.linear.scatter [tilespmem:s0], [sflag:$0x6], $0x800, $0x38;
	[tilespmem:$0x1FC00] =	vst v63  }
0xa5: {  	_ =	swait.ge [sflag:s3], $0x800  }
0xa6: {  	s18 =	simm.s32 $0x27;
	[sflag:s3] =	ssyncset.done $0x0  }
.LBB2_4:
0xa7: {  	p0 =	sne.s32 s18, $0x1;
	s18 =	sadd.s32 $0xFFFFFFFF, s18;
	[sflag:s3] =	ssyncadd.s32 $0xFFFFF800  }
.Ltmp1:
0xa8: {  	(pc) =	sbr.rel @p0 .LBB2_4-.Ltmp1, $3  }
0xa9: {  	_ =	sdelay $0x1  }
0xaa: {  	_ =	swait.ge [sflag:s3], $0x800  }
0xab: {  	[sflag:s3] =	ssyncset.done $0x0  }
0xac: {  	[sflag:s3] =	ssyncadd.s32 $0xFFFFF800  }
0xad: {  	s18 =	simm.s32 $0x0;
	[bflag:$0x0] =	sbarrier.arrive $0xFFFF  }
.LBB2_6:
0xae: {  	p0 =	seq.s32 s18, $0x0  }
0xaf: {  	s19 =	smul.u32 @!p0 $0x1400, s18;
	_ =	sdelay $0x1  }
0xb0: {  	s19 =	sadd.s32 @!p0 s4, s19  }
0xb1: {  	s20 =	simm.s32 @!p0 $0x1400;
	s19 =	sshrl.u32 @!p0 s19, $0x3  }
0xb2: {  	s21 =	simm.s32 @!p0 $0x64000;
	s22 =	simm.s32 @!p0 $0x0;
	s19 =	sadd.s32 @!p0 s5, s19  }
0xb3: {  	[tilespmem:s22], [sflag:$0x7] =	stream.strided.gather @!p0 [hbm4b:s19+s20], $0x2800, s21, s20, $0x38;
	[tilespmem:$0x1FC00] =	vst v63  }
0xb4: {  	s19 =	simm.s32 @!p0 $0x7  }
0xb5: {  	_ =	swait.ge @!p0 [sflag:s19], $0x2800  }
0xb6: {  	[sflag:s19] =	ssyncset.done @!p0 $0x0  }
0xb7: {  	s20 =	simm.s32 @!p0 $0x2800;
	[sflag:s19] =	ssyncadd.s32 @!p0 $0xFFFFD800;
	s19 =	simm.s32 @!p0 $0x32  }
0xb8: {  	[tilespmem:s20], [sflag:$0x1] =	stream.indirect.gather @!p0 [hbm4b:s7+s19], $0x80, s22, s19, $0xb8;
	[tilespmem:$0x1FC00] =	vst v63  }
0xb9: {  	s21 =	simm.s32 @!p0 $0x4400;
	s20 =	simm.s32 @!p0 $0x80  }
0xba: {  	[tilespmem:s21], [sflag:$0x2] =	stream.indirect.gather @!p0 [hbm4b:s7+s19], $0x80, s20, s19, $0xb8;
	[tilespmem:$0x1FC00] =	vst v63  }
0xbb: {  	s20 =	simm.s32 @!p0 $0x100;
	s21 =	simm.s32 @!p0 $0x6000  }
0xbc: {  	[tilespmem:s21], [sflag:$0x3] =	stream.indirect.gather @!p0 [hbm4b:s7+s19], $0x80, s20, s19, $0xb8;
	[tilespmem:$0x1FC00] =	vst v63  }
0xbd: {  	s20 =	simm.s32 @!p0 $0x180;
	s21 =	simm.s32 @!p0 $0x7C00  }
0xbe: {  	[tilespmem:s21], [sflag:$0x4] =	stream.indirect.gather @!p0 [hbm4b:s7+s19], $0x80, s20, s19, $0xb8;
	[tilespmem:$0x1FC00] =	vst v63  }
0xbf: {  	s20 =	simm.s32 @!p0 $0x200;
	s21 =	simm.s32 @!p0 $0x9800  }
0xc0: {  	[tilespmem:s21], [sflag:$0x5] =	stream.indirect.gather @!p0 [hbm4b:s7+s19], $0x80, s20, s19, $0xb8;
	[tilespmem:$0x1FC00] =	vst v63  }
0xc1: {  	_ =	swait.ge [sflag:s2], $0x1900  }
0xc2: {  	[sflag:s2] =	ssyncset.done $0x0  }
0xc3: {  	s20 =	simm.s32 $0x1400;
	[sflag:s2] =	ssyncadd.s32 $0xFFFFE700  }
0xc4: {  	[spmem:s1] =	stream.indirect.scatter.add.f32 [tilespmem:s26], [sflag:$0x7], $0x80, s20, s25, $0xb8;
	[tilespmem:$0x1FC00] =	vst v63  }
0xc5: {  	_ =	swait.ge [sflag:s24], $0x1900  }
0xc6: {  	[sflag:s24] =	ssyncset.done $0x0  }
0xc7: {  	s21 =	simm.s32 $0x280;
	[sflag:s24] =	ssyncadd.s32 $0xFFFFE700  }
0xc8: {  	[tilespmem:s26], [sflag:$0x1] =	stream.indirect.gather [hbm4b:s7+s25], $0x80, s21, s25, $0xb8;
	[tilespmem:$0x1FC00] =	vst v63  }
0xc9: {  	_ =	swait.ge [sflag:s6], $0x1900  }
0xca: {  	[sflag:s6] =	ssyncset.done $0x0  }
0xcb: {  	s22 =	simm.s32 $0x1480;
	[sflag:s6] =	ssyncadd.s32 $0xFFFFE700  }
0xcc: {  	[spmem:s1] =	stream.indirect.scatter.add.f32 [tilespmem:s28], [sflag:$0x7], $0x80, s22, s25, $0xb8;
	[tilespmem:$0x1FC00] =	vst v63  }
0xcd: {  	_ =	swait.ge [sflag:s24], $0x1900  }
0xce: {  	[sflag:s24] =	ssyncset.done $0x0  }
0xcf: {  	s20 =	simm.s32 $0x300;
	[sflag:s24] =	ssyncadd.s32 $0xFFFFE700  }
0xd0: {  	[tilespmem:s28], [sflag:$0x2] =	stream.indirect.gather [hbm4b:s7+s25], $0x80, s20, s25, $0xb8;
	[tilespmem:$0x1FC00] =	vst v63  }
0xd1: {  	_ =	swait.ge [sflag:s9], $0x1900  }
0xd2: {  	[sflag:s9] =	ssyncset.done $0x0  }
0xd3: {  	s21 =	simm.s32 $0x1500;
	[sflag:s9] =	ssyncadd.s32 $0xFFFFE700  }
0xd4: {  	[spmem:s1] =	stream.indirect.scatter.add.f32 [tilespmem:s29], [sflag:$0x7], $0x80, s21, s25, $0xb8;
	[tilespmem:$0x1FC00] =	vst v63  }
0xd5: {  	_ =	swait.ge [sflag:s24], $0x1900  }
0xd6: {  	[sflag:s24] =	ssyncset.done $0x0  }
0xd7: {  	s22 =	simm.s32 $0x380;
	[sflag:s24] =	ssyncadd.s32 $0xFFFFE700  }
0xd8: {  	[tilespmem:s29], [sflag:$0x3] =	stream.indirect.gather [hbm4b:s7+s25], $0x80, s22, s25, $0xb8;
	[tilespmem:$0x1FC00] =	vst v63  }
0xd9: {  	_ =	swait.ge [sflag:s10], $0x1900  }
0xda: {  	[sflag:s10] =	ssyncset.done $0x0  }
0xdb: {  	s20 =	simm.s32 $0x1580;
	[sflag:s10] =	ssyncadd.s32 $0xFFFFE700  }
0xdc: {  	[spmem:s1] =	stream.indirect.scatter.add.f32 [tilespmem:s30], [sflag:$0x7], $0x80, s20, s25, $0xb8;
	[tilespmem:$0x1FC00] =	vst v63  }
0xdd: {  	_ =	swait.ge [sflag:s24], $0x1900  }
0xde: {  	[sflag:s24] =	ssyncset.done $0x0  }
0xdf: {  	s21 =	simm.s32 $0x400;
	[sflag:s24] =	ssyncadd.s32 $0xFFFFE700  }
0xe0: {  	[tilespmem:s30], [sflag:$0x4] =	stream.indirect.gather [hbm4b:s7+s25], $0x80, s21, s25, $0xb8;
	[tilespmem:$0x1FC00] =	vst v63  }
0xe1: {  	_ =	swait.ge [sflag:s11], $0x1900  }
0xe2: {  	[sflag:s11] =	ssyncset.done $0x0  }
0xe3: {  	s22 =	simm.s32 $0x1600;
	[sflag:s11] =	ssyncadd.s32 $0xFFFFE700  }
0xe4: {  	[spmem:s1] =	stream.indirect.scatter.add.f32 [tilespmem:s31], [sflag:$0x7], $0x80, s22, s25, $0xb8;
	[tilespmem:$0x1FC00] =	vst v63  }
0xe5: {  	_ =	swait.ge [sflag:s24], $0x1900  }
0xe6: {  	[sflag:s24] =	ssyncset.done $0x0  }
0xe7: {  	s19 =	simm.s32 $0xA00;
	s20 =	simm.s32 $0x480;
	[sflag:s24] =	ssyncadd.s32 $0xFFFFE700  }
.LBB2_7:
0xe8: {  	[tilespmem:s31], [sflag:$0x5] =	stream.indirect.gather [hbm4b:s7+s25], $0x80, s20, s25, $0xb8;
	[tilespmem:$0x1FC00] =	vst v63  }
0xe9: {  	s20 =	smov.u32 s19  }
0xea: {  	p0 =	sne.s32 s19, $0x3C00;
	s19 =	sadd.s32 $0xA00, s19;
	_ =	swait.ge [sflag:s2], $0x1900  }
0xeb: {  	s20 =	sshra.s32 s20, $0x2;
	[sflag:s2] =	ssyncset.done $0x0  }
0xec: {  	s21 =	sadd.s32 $0x1400, s20;
	[sflag:s2] =	ssyncadd.s32 $0xFFFFE700  }
0xed: {  	[spmem:s1] =	stream.indirect.scatter.add.f32 [tilespmem:s26], [sflag:$0x7], $0x80, s21, s25, $0xb8;
	[tilespmem:$0x1FC00] =	vst v63  }
0xee: {  	_ =	swait.ge [sflag:s24], $0x1900  }
0xef: {  	[sflag:s24] =	ssyncset.done $0x0  }
0xf0: {  	s21 =	sadd.s32 $0x280, s20;
	[sflag:s24] =	ssyncadd.s32 $0xFFFFE700  }
0xf1: {  	[tilespmem:s26], [sflag:$0x1] =	stream.indirect.gather [hbm4b:s7+s25], $0x80, s21, s25, $0xb8;
	[tilespmem:$0x1FC00] =	vst v63  }
0xf2: {  	_ =	swait.ge [sflag:s6], $0x1900  }
0xf3: {  	[sflag:s6] =	ssyncset.done $0x0  }
0xf4: {  	s21 =	sadd.s32 $0x1480, s20;
	[sflag:s6] =	ssyncadd.s32 $0xFFFFE700  }
0xf5: {  	[spmem:s1] =	stream.indirect.scatter.add.f32 [tilespmem:s28], [sflag:$0x7], $0x80, s21, s25, $0xb8;
	[tilespmem:$0x1FC00] =	vst v63  }
0xf6: {  	_ =	swait.ge [sflag:s24], $0x1900  }
0xf7: {  	[sflag:s24] =	ssyncset.done $0x0  }
0xf8: {  	s21 =	sadd.s32 $0x300, s20;
	[sflag:s24] =	ssyncadd.s32 $0xFFFFE700  }
0xf9: {  	[tilespmem:s28], [sflag:$0x2] =	stream.indirect.gather [hbm4b:s7+s25], $0x80, s21, s25, $0xb8;
	[tilespmem:$0x1FC00] =	vst v63  }
0xfa: {  	_ =	swait.ge [sflag:s9], $0x1900  }
0xfb: {  	[sflag:s9] =	ssyncset.done $0x0  }
0xfc: {  	s21 =	sadd.s32 $0x1500, s20;
	[sflag:s9] =	ssyncadd.s32 $0xFFFFE700  }
0xfd: {  	[spmem:s1] =	stream.indirect.scatter.add.f32 [tilespmem:s29], [sflag:$0x7], $0x80, s21, s25, $0xb8;
	[tilespmem:$0x1FC00] =	vst v63  }
0xfe: {  	_ =	swait.ge [sflag:s24], $0x1900  }
0xff: {  	[sflag:s24] =	ssyncset.done $0x0  }
0x100: {  	s21 =	sadd.s32 $0x380, s20;
	[sflag:s24] =	ssyncadd.s32 $0xFFFFE700  }
0x101: {  	[tilespmem:s29], [sflag:$0x3] =	stream.indirect.gather [hbm4b:s7+s25], $0x80, s21, s25, $0xb8;
	[tilespmem:$0x1FC00] =	vst v63  }
0x102: {  	_ =	swait.ge [sflag:s10], $0x1900  }
0x103: {  	[sflag:s10] =	ssyncset.done $0x0  }
0x104: {  	s21 =	sadd.s32 $0x1580, s20;
	[sflag:s10] =	ssyncadd.s32 $0xFFFFE700  }
0x105: {  	[spmem:s1] =	stream.indirect.scatter.add.f32 [tilespmem:s30], [sflag:$0x7], $0x80, s21, s25, $0xb8;
	[tilespmem:$0x1FC00] =	vst v63  }
0x106: {  	_ =	swait.ge [sflag:s24], $0x1900  }
0x107: {  	[sflag:s24] =	ssyncset.done $0x0  }
0x108: {  	s21 =	sadd.s32 $0x400, s20;
	[sflag:s24] =	ssyncadd.s32 $0xFFFFE700  }
0x109: {  	[tilespmem:s30], [sflag:$0x4] =	stream.indirect.gather [hbm4b:s7+s25], $0x80, s21, s25, $0xb8;
	[tilespmem:$0x1FC00] =	vst v63  }
0x10a: {  	_ =	swait.ge [sflag:s11], $0x1900  }
0x10b: {  	[sflag:s11] =	ssyncset.done $0x0  }
.Ltmp2:
0x10c: {  	s21 =	sadd.s32 $0x1600, s20;
	[sflag:s11] =	ssyncadd.s32 $0xFFFFE700;
	(pc) =	sbr.rel @p0 .LBB2_7-.Ltmp2, $4  }
0x10d: {  	[spmem:s1] =	stream.indirect.scatter.add.f32 [tilespmem:s31], [sflag:$0x7], $0x80, s21, s25, $0xb8;
	[tilespmem:$0x1FC00] =	vst v63  }
0x10e: {  	_ =	swait.ge [sflag:s24], $0x1900  }
0x10f: {  	[sflag:s24] =	ssyncset.done $0x0  }
0x110: {  	s20 =	sadd.s32 $0x480, s20;
	[sflag:s24] =	ssyncadd.s32 $0xFFFFE700  }
0x111: {  	[tilespmem:s31], [sflag:$0x5] =	stream.indirect.gather [hbm4b:s7+s25], $0x80, s20, s25, $0xb8;
	[tilespmem:$0x1FC00] =	vst v63  }
0x112: {  	_ =	swait.ge [sflag:s2], $0x1900  }
0x113: {  	[sflag:s2] =	ssyncset.done $0x0  }
0x114: {  	[sflag:s2] =	ssyncadd.s32 $0xFFFFE700  }
0x115: {  	[spmem:s1] =	stream.indirect.scatter.add.f32 [tilespmem:s26], [sflag:$0x7], $0x80, s12, s25, $0xb8;
	[tilespmem:$0x1FC00] =	vst v63  }
0x116: {  	_ =	swait.ge [sflag:s24], $0x1900  }
0x117: {  	[sflag:s24] =	ssyncset.done $0x0  }
0x118: {  	[sflag:s24] =	ssyncadd.s32 $0xFFFFE700  }
0x119: {  	_ =	swait.ge [sflag:s6], $0x1900  }
0x11a: {  	[sflag:s6] =	ssyncset.done $0x0  }
0x11b: {  	[sflag:s6] =	ssyncadd.s32 $0xFFFFE700  }
0x11c: {  	[spmem:s1] =	stream.indirect.scatter.add.f32 [tilespmem:s28], [sflag:$0x7], $0x80, s13, s25, $0xb8;
	[tilespmem:$0x1FC00] =	vst v63  }
0x11d: {  	_ =	swait.ge [sflag:s24], $0x1900  }
0x11e: {  	[sflag:s24] =	ssyncset.done $0x0  }
0x11f: {  	[sflag:s24] =	ssyncadd.s32 $0xFFFFE700  }
0x120: {  	_ =	swait.ge [sflag:s9], $0x1900  }
0x121: {  	[sflag:s9] =	ssyncset.done $0x0  }
0x122: {  	[sflag:s9] =	ssyncadd.s32 $0xFFFFE700  }
0x123: {  	[spmem:s1] =	stream.indirect.scatter.add.f32 [tilespmem:s29], [sflag:$0x7], $0x80, s14, s25, $0xb8;
	[tilespmem:$0x1FC00] =	vst v63  }
0x124: {  	_ =	swait.ge [sflag:s24], $0x1900  }
0x125: {  	[sflag:s24] =	ssyncset.done $0x0  }
0x126: {  	[sflag:s24] =	ssyncadd.s32 $0xFFFFE700  }
0x127: {  	_ =	swait.ge [sflag:s10], $0x1900  }
0x128: {  	[sflag:s10] =	ssyncset.done $0x0  }
0x129: {  	[sflag:s10] =	ssyncadd.s32 $0xFFFFE700  }
0x12a: {  	[spmem:s1] =	stream.indirect.scatter.add.f32 [tilespmem:s30], [sflag:$0x7], $0x80, s15, s25, $0xb8;
	[tilespmem:$0x1FC00] =	vst v63  }
0x12b: {  	_ =	swait.ge [sflag:s24], $0x1900  }
0x12c: {  	[sflag:s24] =	ssyncset.done $0x0  }
0x12d: {  	[sflag:s24] =	ssyncadd.s32 $0xFFFFE700  }
0x12e: {  	s18 =	sadd.s32 $0x1, s18;
	_ =	swait.ge [sflag:s11], $0x1900  }
0x12f: {  	p0 =	sne.s32 s18, $0x5;
	[sflag:s11] =	ssyncset.done $0x0  }
.Ltmp3:
0x130: {  	[sflag:s11] =	ssyncadd.s32 $0xFFFFE700;
	(pc) =	sbr.rel @p0 .LBB2_6-.Ltmp3, $4  }
0x131: {  	[spmem:s1] =	stream.indirect.scatter.add.f32 [tilespmem:s31], [sflag:$0x7], $0x80, s16, s25, $0xb8;
	[tilespmem:$0x1FC00] =	vst v63  }
0x132: {  	_ =	swait.ge [sflag:s24], $0x1900  }
0x133: {  	[sflag:s24] =	ssyncset.done $0x0  }
0x134: {  	[sflag:s24] =	ssyncadd.s32 $0xFFFFE700  }
0x135: {  	s18 =	stileid.u32  }
0x136: {  	[bflag:$0x0] =	sbarrier.arrive $0xFFFF;
	s18 =	sshll.u32 s18, $0x6  }
0x137: {  	s19 =	sshrl.u32 s8, $0x3;
	s20 =	rddreg [dreg:$0x13];
	s18 =	sor.u32 $0x1C07, s18  }
0x138: {  	[hbm:s20], [sflag:s18] =	dma.local [spmem:s19], $0x2800  }
0x139: {  	_ =	swait.ge [sflag:s24], $0x2800  }
0x13a: {  	s17 =	sadd.s32 $0x1, s17;
	s22 =	rddreg [dreg:$0x4]  }
0x13b: {  	p0 =	sne.s32 s17, s22  }
.Ltmp4:
0x13c: {  	_ = 	snop;
	(pc) =	sbr.rel @p0 .LBB2_1-.Ltmp4, $3  }
0x13d: {  	_ =	sdelay $0x1  }
0x13e: {  	[sflag:s24] =	ssyncset.done $0x0  }
0x13f: {  	[sflag:s24] =	ssyncadd.s32 $0xFFFFD800  }
0x140: {  	_ =	sfence.sel $0x180000  }
0x141: {  	[bflag:$0x0] =	sbarrier.arrive $0xFFFF  }
0x142: {  	_ =	strace $0x90000047  }
0x143: {  	s0 =	stileid.u32;
	[bflag:$0x2] =	sbarrier.arrive $0xFFFF  }
0x144: {  	p0 =	sne.s32 s0, $0x0;
	s0 =	rddreg [dreg:$0x2]  }
0x145: {  	s0 =	sadd.s32 @!p0 $0x100000, s0  }
0x146: {  	[sflag:s0] =	ssyncadd.tile.s32 @!p0 $0x1;
	_ =	shalt  }
.Lfunc_end2:
_tile_overlayer_lowered:
.L_overlay_start_2:
0x147: {  	(tag) =	ssettag $0x2  }
0x148: {  	s0 =	rddreg [dreg:$0x0];
	s2 =	stileid.u32  }
0x149: {  	s1 =	rddreg [dreg:$0x1];
	p0 =	sne.s32 s2, $0x0  }
0x14a: {  	s3 =	rddreg [dreg:$0x2];
	[bflag:$0x3] =	sbarrier.arrive $0xFFFF;
	s2 =	simm.s32 @!p0 $0x1C07  }
0x14b: {  	[timem:s3], [sflag:s2] =	dma.local @!p0 [hbm:s0], s1  }
0x14c: {  	s0 =	simm.s32 @!p0 $0x7  }
0x14d: {  	_ =	swait.ge @!p0 [sflag:s0], s1  }
0x14e: {  	s1 =	ssub.s32 @!p0 $0x0, s1;
	[sflag:s0] =	ssyncset.done @!p0 $0x0  }
0x14f: {  	[sflag:s0] =	ssyncadd.s32 @!p0 s1  }
0x150: {  	[bflag:$0x3] =	sbarrier.arrive $0xFFFF  }
0x151: {  	_ =	shalt  }

// kernel: kernel.9.cloned.1.call-start
scs
__scs_entry_jumppad:
0x0: {  	(pc) =	sbr.rel $0x88, $3  }
0x1: {  	(tag) =	ssettag $0x0;
	lr =	simm.s32 $0x1  }
0x2: {  	[smem:$0x3F98] =	sst lr;
	_ =	strace $0xD0000000  }
0x3: {  	_ = 	snop  }
0x4: {  	_ = 	snop  }
0x5: {  	_ = 	snop  }
0x6: {  	_ = 	snop  }
0x7: {  	_ = 	snop  }
__scs_overlays_trampoline_lowered:
0x8: {  	[smem:$0x3FA7] =	sst s0  }
0x9: {  	[smem:$0x3FA8] =	sst s1  }
0xa: {  	[smem:$0x3FA9] =	sst s2  }
0xb: {  	[smem:$0x3FAA] =	sst s3  }
0xc: {  	[smem:$0x3FAB] =	sst s4  }
0xd: {  	[smem:$0x3FAC] =	sst s5  }
0xe: {  	[smem:$0x3FAD] =	sst s6  }
0xf: {  	[smem:$0x3FAE] =	sst s7  }
0x10: {  	[smem:$0x3FAF] =	sst s8  }
0x11: {  	[smem:$0x3FB0] =	sst s9;
	s0 =	simm.s32 @!p0 $0x0  }
0x12: {  	s1 =	sld [smem:$0x3F96];
	s0 =	simm.s32 @p0 $0x1  }
0x13: {  	[smem:$0x3FB1] =	sst s0;
	s0 =	simm.s32 @!p1 $0x0  }
0x14: {  	s2 =	sld [smem:$0x3F95];
	s0 =	simm.s32 @p1 $0x1  }
0x15: {  	[smem:$0x3FB2] =	sst s0;
	s0 =	simm.s32 @!p2 $0x0  }
0x16: {  	s3 =	sld [smem:$0x3FDB];
	s0 =	simm.s32 @p2 $0x1  }
0x17: {  	s4 =	simm.s32 $0x1BF5;
	[smem:$0x3FB4] =	sst s0  }
0x18: {  	s0 =	sld [smem:$0x3F97];
	_ =	swait.ge [sflag:s4], $0x0  }
0x19: {  	s7 =	sld [smem:$0x3F98]  }
0x1a: {  	s8 =	sadd.s32 $0xFFFFE003, lr  }
0x1b: {  	s9 =	sadd.s32 $0xFFFFFEF7, lr;
	s5 =	simm.s32 $0xFFFFFFFF;
	p2 =	slt.u32 s8, $0xFFFFF086  }
0x1c: {  	p1 =	slt.u32 s9, $0xF7A;
	s5 =	simm.s32 @!p2 $0x0  }
0x1d: {  	s5 =	simm.s32 @p1 $0x1;
	p0 =	seq.s32 s7, s2  }
0x1e: {  	s7 =	smul.u32 @!p0 $0xF7A, s2;
	p2 =	seq.s32 @!p0 s5, $0x0  }
0x1f: {  	s9 =	smul.u32 $0xF7A, s1;
	s8 =	simm.s32 @!p0 $0x1BF5;
	p2 =	por !p2, p0  }
0x20: {  	[sflag:s8] =	ssyncset.s32 @!p0 $0xFFFFF086;
	s6 =	sadd.s32 @!p0 s3, s7;
	s7 =	simm.s32 @!p0 $0x108  }
0x21: {  	s3 =	sadd.s32 s3, s9;
	s6 =	sadd.s32 @!p0 $0x88, s6;
	s7 =	simm.s32 @p2 $0x1082  }
0x22: {  	[simem:s7], [sflag:s8] =	dma.local @!p0 [hbm:s6], $0xF7A  }
0x23: {  	s9 =	sor.u32 $0xD0000000, s2;
	s6 =	simm.s32 $0x108;
	_ =	swait.ge @!p0 [sflag:s8], $0x0  }
0x24: {  	s3 =	sadd.s32 $0x88, s3;
	s6 =	simm.s32 @!p1 $0x1082;
	[sflag:s4] =	ssyncset.s32 $0xFFFFF086  }
0x25: {  	[simem:s6], [sflag:s4] =	dma.local [hbm:s3], $0xF7A  }
0x26: {  	[smem:$0x3F98] =	sst s1;
	(tag) =	ssettag s2;
	_ =	strace s9  }
0x27: {  	s1 =	sld [smem:$0x3FA8]  }
0x28: {  	s2 =	sld [smem:$0x3FA9]  }
0x29: {  	s4 =	sld [smem:$0x3FAB]  }
0x2a: {  	p0 =	seq.s32 s5, $0x0;
	s5 =	sld [smem:$0x3FAC]  }
0x2b: {  	s6 =	sld [smem:$0x3FAD]  }
0x2c: {  	s7 =	sld [smem:$0x3FAE]  }
0x2d: {  	s3 =	simm.s32 $0x108;
	s8 =	sld [smem:$0x3FAF]  }
0x2e: {  	s3 =	simm.s32 @!p0 $0x1082;
	s9 =	sld [smem:$0x3FB0]  }
0x2f: {  	lr =	sadd.s32 s0, s3;
	s0 =	sld [smem:$0x3FA7]  }
0x30: {  	s3 =	sld [smem:$0x3FAA]  }
0x31: {  	[smem:$0x3FB3] =	sst s10  }
0x32: {  	s10 =	sld [smem:$0x3FB1];
	_ =	sdelay $0x3  }
0x33: {  	p0 =	seq.s32 s10, $0x1;
	s10 =	sld [smem:$0x3FB3];
	_ =	sdelay $0x3  }
0x34: {  	[smem:$0x3FB3] =	sst s10  }
0x35: {  	s10 =	sld [smem:$0x3FB2];
	_ =	sdelay $0x3  }
0x36: {  	p1 =	seq.s32 s10, $0x1;
	s10 =	sld [smem:$0x3FB3];
	_ =	sdelay $0x3  }
0x37: {  	[smem:$0x3FB3] =	sst s10  }
0x38: {  	s10 =	sld [smem:$0x3FB4]  }
0x39: {  	_ = 	snop;
	(pc) =	sbr.ind lr, $3  }
0x3a: {  	_ = 	snop  }
0x3b: {  	_ = 	snop  }
0x3c: {  	p2 =	seq.s32 s10, $0x1;
	s10 =	sld [smem:$0x3FB3]  }
0x3d: {  	_ =	shalt  }
0x3e: {  	_ =	shalt  }
0x3f: {  	_ =	shalt  }
0x40: {  	_ =	shalt  }
0x41: {  	_ =	shalt  }
0x42: {  	_ =	shalt  }
0x43: {  	_ =	shalt  }
0x44: {  	_ =	shalt  }
0x45: {  	_ =	shalt  }
0x46: {  	_ =	shalt  }
0x47: {  	_ =	shalt  }
0x48: {  	_ =	shalt  }
0x49: {  	_ =	shalt  }
0x4a: {  	_ =	shalt  }
0x4b: {  	_ =	shalt  }
0x4c: {  	_ =	shalt  }
0x4d: {  	_ =	shalt  }
0x4e: {  	_ =	shalt  }
0x4f: {  	_ =	shalt  }
0x50: {  	_ =	shalt  }
0x51: {  	_ =	shalt  }
0x52: {  	_ =	shalt  }
0x53: {  	_ =	shalt  }
0x54: {  	_ =	shalt  }
0x55: {  	_ =	shalt  }
0x56: {  	_ =	shalt  }
0x57: {  	_ =	shalt  }
0x58: {  	_ =	shalt  }
0x59: {  	_ =	shalt  }
0x5a: {  	_ =	shalt  }
0x5b: {  	_ =	shalt  }
0x5c: {  	_ =	shalt  }
0x5d: {  	_ =	shalt  }
0x5e: {  	_ =	shalt  }
0x5f: {  	_ =	shalt  }
0x60: {  	_ =	shalt  }
0x61: {  	_ =	shalt  }
0x62: {  	_ =	shalt  }
0x63: {  	_ =	shalt  }
0x64: {  	_ =	shalt  }
0x65: {  	_ =	shalt  }
0x66: {  	_ =	shalt  }
0x67: {  	_ =	shalt  }
0x68: {  	_ =	shalt  }
0x69: {  	_ =	shalt  }
0x6a: {  	_ =	shalt  }
0x6b: {  	_ =	shalt  }
0x6c: {  	_ =	shalt  }
0x6d: {  	_ =	shalt  }
0x6e: {  	_ =	shalt  }
0x6f: {  	_ =	shalt  }
0x70: {  	_ =	shalt  }
0x71: {  	_ =	shalt  }
0x72: {  	_ =	shalt  }
0x73: {  	_ =	shalt  }
0x74: {  	_ =	shalt  }
0x75: {  	_ =	shalt  }
0x76: {  	_ =	shalt  }
0x77: {  	_ =	shalt  }
0x78: {  	_ =	shalt  }
0x79: {  	_ =	shalt  }
0x7a: {  	_ =	shalt  }
0x7b: {  	_ =	shalt  }
0x7c: {  	_ =	shalt  }
0x7d: {  	_ =	shalt  }
0x7e: {  	_ =	shalt  }
0x7f: {  	_ =	shalt  }
0x80: {  	_ =	shalt  }
0x81: {  	_ =	shalt  }
0x82: {  	_ =	shalt  }
0x83: {  	_ =	shalt  }
0x84: {  	_ =	shalt  }
0x85: {  	_ =	shalt  }
0x86: {  	_ =	shalt  }
0x87: {  	_ =	shalt  }
.Lfunc_end0:
.L_simem_size_0:
called_computation.1_lowered:
.L_overlay_start_0:
0x88: {  	s2 =	sld [smem:$0x3FD9]  }
0x89: {  	s3 =	sld [smem:$0x3FFE];
	_ =	sdelay $0x1  }
0x8a: {  	s1 =	srdreg.scid  }
0x8b: {  	s0 =	sand.u32 $0x1, s1  }
0x8c: {  	s16 =	sshll.u32 s0, $0xA;
	s2 =	sadd.s32 s3, s2  }
0x8d: {  	s2 =	sadd.s32 s2, s16  }
0x8e: {  	[smem:$0x3FBF] =	sst s2  }
0x8f: {  	_ = 	snop  }
0x90: {  	(tm) =	ssettm $0x1  }
0x91: {  	s17 =	sld [smem:$0x3FFB];
	_ =	sdelay $0x3  }
0x92: {  	_ =	strace s17  }
0x93: {  	s2 =	sld [smem:$0x3FFC];
	_ =	sdelay $0x3  }
0x94: {  	_ =	strace s2  }
0x95: {  	s2 =	sld [smem:$0x3FFD];
	_ =	sdelay $0x3  }
0x96: {  	_ =	strace s2  }
0x97: {  	_ =	strace $0x8FFFFFFF  }
0x98: {  	s18 =	sld [smem:$0x3FDB];
	_ =	sdelay $0x1  }
0x99: {  	s19 =	simm.s32 $_scs_section_size  }
0x9a: {  	s4 =	simm.s32 $_size__tile_overlayer_lowered;
	s5 =	simm.s32 $_tile_overlayer_lowered  }
0x9b: {  	s22 =	simm.s32 $0x1BFF;
	s21 =	sshll.u32 s5, $0x1;
	s2 =	sadd.s32 s19, s18  }
0x9c: {  	s6 =	simm.s32 $0x0;
	s20 =	sshll.u32 s4, $0x1;
	s4 =	sadd.s32 s21, s2  }
0x9d: {  	[timem:s6], [sflag:s22] =	dma.local [hbm:s4], s20  }
0x9e: {  	_ =	swait.ge [sflag:s22], s20  }
0x9f: {  	s3 =	ssub.s32 $0x0, s20;
	[sflag:s22] =	ssyncset.done $0x0  }
0xa0: {  	[sflag:s22] =	ssyncadd.s32 s3;
	_ =	sdelay $0x1  }
0xa1: {  	s23 =	simm.s32 $0x1B8B  }
0xa2: {  	_ =	swait.ge [sflag:s23], $0x1  }
0xa3: {  	[sflag:s23] =	ssyncset.done $0x0  }
0xa4: {  	s25 =	simm.s32 $0x1B8E;
	s24 =	sld [smem:$0x3FFE];
	[sflag:s23] =	ssyncadd.s32 $0xFFFFFFFF  }
0xa5: {  	s26 =	simm.s32 $execute0_lowered;
	[smem:$0x3FD2] =	sst s25  }
0xa6: {  	s4 =	sshll.u32 s26, $0x1;
	_ =	strace $0x80000049;
	[dreg:$0x1] =	wrdreg $0xFFFFFFFF  }
0xa7: {  	s28 =	simm.s32 $_size_execute0_lowered;
	s2 =	sadd.s32 s2, s4;
	[dreg:$0x0] =	wrdreg $0x0  }
0xa8: {  	s4 =	sshll.u32 s28, $0x1;
	[dreg:$0x2] =	wrdreg s2  }
0xa9: {  	[dreg:$0x3] =	wrdreg s4  }
0xaa: {  	[dreg:$0x4] =	wrdreg $0xC0  }
0xab: {  	_ =	task [dreg:s6], $0x5FFFF  }
0xac: {  	[dreg:$0x1] =	wrdreg $0xFFFFFFFF  }
0xad: {  	[dreg:$0x0] =	wrdreg $0x60  }
0xae: {  	[dreg:$0x2] =	wrdreg s24  }
0xaf: {  	[dreg:$0x3] =	wrdreg $0xBC000  }
0xb0: {  	[dreg:$0x4] =	wrdreg $0x9  }
0xb1: {  	_ =	task.clear_ibuf [dreg:s6], $0x5FFFF;
	_ =	strace $0x90000049  }
0xb2: {  	s29 =	simm.s32 $0x9;
	_ =	strace $0x8000004B  }
0xb3: {  	_ =	swait.ge [sflag:s29], $0x1  }
0xb4: {  	[sflag:s29] =	ssyncadd.s32 $0xFFFFFFFF  }
0xb5: {  	_ =	strace $0x9000004B  }
0xb6: {  	_ =	sfence  }
0xb7: {  	s30 =	sld [smem:$0x0];
	_ =	sdelay $0x2  }
0xb8: {  	s31 =	sshll.u32 s1, $0xD;
	s1 =	sshrl.u32 s1, $0x2  }
0xb9: {  	s3 =	sand.u32 $0x4000, s31;
	s1 =	sadd.s32 s1, s30  }
0xba: {  	s0 =	sor.u32 s3, s0;
	s1 =	sshll.u32 s1, $0x11  }
0xbb: {  	s0 =	sor.u32 s1, s0  }
0xbc: {  	s0 =	sadd.s32 $0x8F2B, s0  }
0xbd: {  	[sflag:s0] =	ssyncadd.remote.s32 $0x1  }
0xbe: {  	_ =	sfence.sel $0xFFFF  }
0xbf: {  	[dreg:$0x0] =	wrdreg $0xFFFFFFFF;
	(pc) =	sbr.abs _section_cstart, $3  }
0xc0: {  	[dreg:$0x1] =	wrdreg $0xFFFFFFFF  }
0xc1: {  	_ =	task.clear_ibuf [dreg:s6], $0x2FFFF;
	_ =	strace $0x9FFFFFFF  }
0xc2: {  	(tm) =	ssettm $0x7FFFFFFF  }
0xc3: {  	_ =	shalt  }
tec
execute0_lowered:
.L_overlay_start_1:
0x0: {  	(tag) =	ssettag $0x1  }
0x1: {  	s9 =	stileid.u32  }
0x2: {  	s2 =	srdreg.scid;
	s4 =	smul.u32 $0x6400, s9  }
0x3: {  	s0 =	rddreg [dreg:$0x0];
	s2 =	sand.u32 $0x1, s2;
	s7 =	smul.u32 $0x50000, s9  }
0x4: {  	s1 =	rddreg [dreg:$0x1];
	s3 =	simm.s32 $0x0;
	s24 =	smul.u32 $0x27100, s2  }
0x5: {  	[smem:$0x7FF] =	sst s3;
	s6 =	smul.u32 $0x28000, s2;
	s2 =	ssub.s32 $0x2, s2  }
0x6: {  	s5 =	sadd.s32 $0x2200, s0;
	_ =	strace $0x8000004A;
	s25 =	sshrl.u32 s2, $0x1  }
0x7: {  	s26 =	sshrl.u32 s4, $0x3;
	s8 =	sshrl.u32 s7, $0x2;
	s3 =	sadd.s32 s24, s0  }
0x8: {  	s0 =	sadd.s32 s6, s0;
	s2 =	ssub.s32 s2, s25;
	s6 =	sadd.s32 s5, s26  }
0x9: {  	s8 =	sadd.s32 s8, s1;
	[dreg:$0x3] =	wrdreg s6;
	s2 =	smax.u32 s2, $0x1  }
0xa: {  	s10 =	sadd.s32 $0x800, s8;
	[dreg:$0x4] =	wrdreg s2  }
0xb: {  	s11 =	sadd.s32 $0x1000, s8;
	[dreg:$0x5] =	wrdreg s10  }
0xc: {  	s12 =	sadd.s32 $0x1800, s8;
	[dreg:$0x6] =	wrdreg s11  }
0xd: {  	s13 =	sadd.s32 $0x2000, s8;
	[dreg:$0x7] =	wrdreg s12  }
0xe: {  	s14 =	sadd.s32 $0x2800, s8;
	[dreg:$0x8] =	wrdreg s13  }
0xf: {  	s15 =	sadd.s32 $0x3000, s8;
	[dreg:$0x9] =	wrdreg s14  }
0x10: {  	s16 =	sadd.s32 $0x3800, s8;
	[dreg:$0xa] =	wrdreg s15  }
0x11: {  	s17 =	sadd.s32 $0x4000, s8;
	[dreg:$0xb] =	wrdreg s16  }
0x12: {  	s18 =	sadd.s32 $0x4800, s8;
	[dreg:$0xc] =	wrdreg s17  }
0x13: {  	s19 =	sadd.s32 $0x5000, s8;
	[dreg:$0xd] =	wrdreg s18  }
0x14: {  	s20 =	sadd.s32 $0x5800, s8;
	[dreg:$0xe] =	wrdreg s19  }
0x15: {  	s21 =	sadd.s32 $0x6000, s8;
	[dreg:$0xf] =	wrdreg s20  }
0x16: {  	s22 =	sadd.s32 $0x6800, s8;
	[dreg:$0x10] =	wrdreg s21  }
0x17: {  	s23 =	sadd.s32 $0x7000, s8;
	[dreg:$0x11] =	wrdreg s22  }
0x18: {  	s24 =	sadd.s32 $0x7800, s8;
	[dreg:$0x12] =	wrdreg s23  }
0x19: {  	s25 =	sadd.s32 $0x8000, s8;
	[dreg:$0x14] =	wrdreg s24  }
0x1a: {  	s9 =	smul.u32 $0x2800, s9;
	s26 =	sadd.s32 $0x8800, s8;
	[dreg:$0x15] =	wrdreg s25  }
0x1b: {  	s7 =	sadd.s32 $0x1B200, s3;
	s3 =	sadd.s32 $0x9800, s8;
	[dreg:$0x16] =	wrdreg s26  }
0x1c: {  	s0 =	sadd.s32 $0x69400, s0;
	s6 =	sadd.s32 $0xA000, s8;
	[dreg:$0x18] =	wrdreg s3  }
0x1d: {  	s0 =	sadd.s32 s9, s0;
	[dreg:$0x19] =	wrdreg s6  }
0x1e: {  	s2 =	sadd.s32 $0x9000, s8;
	[dreg:$0x13] =	wrdreg s0  }
0x1f: {  	s9 =	sadd.s32 $0xA800, s8;
	[dreg:$0x17] =	wrdreg s2  }
0x20: {  	s10 =	sadd.s32 $0xB000, s8;
	[dreg:$0x1a] =	wrdreg s9  }
0x21: {  	s11 =	sadd.s32 $0xB800, s8;
	[dreg:$0x1b] =	wrdreg s10  }
0x22: {  	s12 =	sadd.s32 $0xC000, s8;
	[dreg:$0x1c] =	wrdreg s11  }
0x23: {  	s13 =	sadd.s32 $0xC800, s8;
	[dreg:$0x1d] =	wrdreg s12  }
0x24: {  	s14 =	sadd.s32 $0xD000, s8;
	[dreg:$0x1e] =	wrdreg s13  }
0x25: {  	s15 =	sadd.s32 $0xD800, s8;
	[dreg:$0x1f] =	wrdreg s14  }
0x26: {  	s16 =	sadd.s32 $0xE000, s8;
	[smem:$0x7F2] =	sst s15  }
0x27: {  	s17 =	sadd.s32 $0xE800, s8;
	[smem:$0x7F3] =	sst s16  }
0x28: {  	s18 =	sadd.s32 $0xF000, s8;
	[smem:$0x7F4] =	sst s17  }
0x29: {  	s19 =	sadd.s32 $0xF800, s8;
	[smem:$0x7F5] =	sst s18  }
0x2a: {  	s20 =	sadd.s32 $0x10000, s8;
	[smem:$0x7F6] =	sst s19  }
0x2b: {  	s21 =	sadd.s32 $0x10800, s8;
	[smem:$0x7F7] =	sst s20  }
0x2c: {  	s22 =	sadd.s32 $0x11000, s8;
	[smem:$0x7F8] =	sst s21  }
0x2d: {  	s28 =	simm.s32 $0x4400;
	s23 =	sadd.s32 $0x11800, s8;
	[smem:$0x7F9] =	sst s22  }
0x2e: {  	s29 =	simm.s32 $0x6000;
	s24 =	sadd.s32 $0x12000, s8;
	[smem:$0x7FA] =	sst s23  }
0x2f: {  	s30 =	simm.s32 $0x7C00;
	s25 =	sadd.s32 $0x12800, s8;
	[smem:$0x7FB] =	sst s24  }
0x30: {  	s31 =	simm.s32 $0x9800;
	s26 =	sadd.s32 $0x13000, s8;
	[smem:$0x7FC] =	sst s25  }
0x31: {  	s3 =	simm.s32 $0x6;
	s6 =	simm.s32 $0x2;
	[smem:$0x7FD] =	sst s26  }
0x32: {  	s23 =	sadd.s32 $0x13800, s8;
	s24 =	simm.s32 $0x7;
	s25 =	simm.s32 $0x32  }
0x33: {  	s26 =	simm.s32 $0x2800;
	s0 =	simm.s32 $0xB400;
	s2 =	simm.s32 $0x1  }
0x34: {  	s9 =	simm.s32 $0x3;
	s10 =	simm.s32 $0x4;
	s11 =	simm.s32 $0x5  }
0x35: {  	s12 =	simm.s32 $0x2580;
	s13 =	simm.s32 $0x2600;
	s14 =	simm.s32 $0x2680  }
0x36: {  	v0 =	vimm.f32 $0.0e+00;
	s15 =	simm.s32 $0x2700;
	s16 =	simm.s32 $0x2780;
	s17 =	simm.s32 $0x0  }
.LBB2_1:
0x37: {  	s18 =	simm.s32 $0x0  }
0x38: {  	s19 =	rddreg [dreg:$0x3];
	s20 =	simm.s32 $0x1400;
	s21 =	simm.s32 $0x64000  }
0x39: {  	[tilespmem:s18], [sflag:$0x7] =	stream.strided.gather [hbm4b:s19+s20], $0x2800, s21, s20, $0x38;
	[tilespmem:$0x1FC00] =	vst v63  }
0x3a: {  	_ =	swait.ge [sflag:s24], $0x2800  }
0x3b: {  	[sflag:s24] =	ssyncset.done $0x0  }
0x3c: {  	[sflag:s24] =	ssyncadd.s32 $0xFFFFD800  }
0x3d: {  	[tilespmem:s26], [sflag:$0x1] =	stream.indirect.gather [hbm4b:s7+s25], $0x80, s18, s25, $0xb8;
	[tilespmem:$0x1FC00] =	vst v63  }
0x3e: {  	s19 =	simm.s32 $0x80  }
0x3f: {  	[tilespmem:s28], [sflag:$0x2] =	stream.indirect.gather [hbm4b:s7+s25], $0x80, s19, s25, $0xb8;
	[tilespmem:$0x1FC00] =	vst v63  }
0x40: {  	s20 =	simm.s32 $0x100  }
0x41: {  	[tilespmem:s29], [sflag:$0x3] =	stream.indirect.gather [hbm4b:s7+s25], $0x80, s20, s25, $0xb8;
	[tilespmem:$0x1FC00] =	vst v63  }
0x42: {  	s21 =	simm.s32 $0x180  }
0x43: {  	[tilespmem:s30], [sflag:$0x4] =	stream.indirect.gather [hbm4b:s7+s25], $0x80, s21, s25, $0xb8;
	[tilespmem:$0x1FC00] =	vst v63  }
0x44: {  	s22 =	simm.s32 $0x200;
	s18 =	simm.s32 $0x0;
	s19 =	simm.s32 $0x200  }
0x45: {  	[tilespmem:s31], [sflag:$0x5] =	stream.indirect.gather [hbm4b:s7+s25], $0x80, s22, s25, $0xb8;
	[tilespmem:$0x1FC00] =	vst v63  }
.LBB2_2:
0x46: {  	p0 =	sne.s32 s19, $0x1E00;
	[tilespmem:s18+$0xB470] =	vst v0  }
0x47: {  	[tilespmem:s18+$0xB400] =	vst v0  }
0x48: {  	[tilespmem:s18+$0xB410] =	vst v0  }
.Ltmp0:
0x49: {  	[tilespmem:s18+$0xB420] =	vst v0;
	(pc) =	sbr.rel @p0 .LBB2_2-.Ltmp0, $4  }
0x4a: {  	[tilespmem:s18+$0xB430] =	vst v0  }
0x4b: {  	[tilespmem:s18+$0xB440] =	vst v0  }
0x4c: {  	[tilespmem:s18+$0xB450] =	vst v0  }
0x4d: {  	[tilespmem:s18+$0xB460] =	vst v0;
	s18 =	sshra.s32 s19, $0x2;
	s19 =	sadd.s32 $0x200, s19  }
0x4e: {  	[tilespmem:s18+$0xB470] =	vst v0  }
0x4f: {  	[tilespmem:s18+$0xB400] =	vst v0  }
0x50: {  	[tilespmem:s18+$0xB410] =	vst v0  }
0x51: {  	[tilespmem:s18+$0xB420] =	vst v0  }
0x52: {  	[tilespmem:s18+$0xB430] =	vst v0  }
0x53: {  	[tilespmem:s18+$0xB440] =	vst v0  }
0x54: {  	[tilespmem:s18+$0xB450] =	vst v0  }
0x55: {  	[tilespmem:s18+$0xB460] =	vst v0;
	s21 =	rddreg [dreg:$0x5]  }
0x56: {  	[spmem:s8] =	stream.linear.scatter [tilespmem:s0], [sflag:$0x6], $0x800, $0x38;
	[tilespmem:$0x1FC00] =	vst v63  }
0x57: {  	s22 =	rddreg [dreg:$0x6]  }
0x58: {  	[spmem:s21] =	stream.linear.scatter [tilespmem:s0], [sflag:$0x6], $0x800, $0x38;
	[tilespmem:$0x1FC00] =	vst v63  }
0x59: {  	s19 =	rddreg [dreg:$0x7]  }
0x5a: {  	[spmem:s22] =	stream.linear.scatter [tilespmem:s0], [sflag:$0x6], $0x800, $0x38;
	[tilespmem:$0x1FC00] =	vst v63  }
0x5b: {  	s20 =	rddreg [dreg:$0x8]  }
0x5c: {  	[spmem:s19] =	stream.linear.scatter [tilespmem:s0], [sflag:$0x6], $0x800, $0x38;
	[tilespmem:$0x1FC00] =	vst v63  }
0x5d: {  	s21 =	rddreg [dreg:$0x9]  }
0x5e: {  	[spmem:s20] =	stream.linear.scatter [tilespmem:s0], [sflag:$0x6], $0x800, $0x38;
	[tilespmem:$0x1FC00] =	vst v63  }
0x5f: {  	s22 =	rddreg [dreg:$0xa]  }
0x60: {  	[spmem:s21] =	stream.linear.scatter [tilespmem:s0], [sflag:$0x6], $0x800, $0x38;
	[tilespmem:$0x1FC00] =	vst v63  }
0x61: {  	s19 =	rddreg [dreg:$0xb]  }
0x62: {  	[spmem:s22] =	stream.linear.scatter [tilespmem:s0], [sflag:$0x6], $0x800, $0x38;
	[tilespmem:$0x1FC00] =	vst v63  }
0x63: {  	s20 =	rddreg [dreg:$0xc]  }
0x64: {  	[spmem:s19] =	stream.linear.scatter [tilespmem:s0], [sflag:$0x6], $0x800, $0x38;
	[tilespmem:$0x1FC00] =	vst v63  }
0x65: {  	s21 =	rddreg [dreg:$0xd]  }
0x66: {  	[spmem:s20] =	stream.linear.scatter [tilespmem:s0], [sflag:$0x6], $0x800, $0x38;
	[tilespmem:$0x1FC00] =	vst v63  }
0x67: {  	s22 =	rddreg [dreg:$0xe]  }
0x68: {  	[spmem:s21] =	stream.linear.scatter [tilespmem:s0], [sflag:$0x6], $0x800, $0x38;
	[tilespmem:$0x1FC00] =	vst v63  }
0x69: {  	s19 =	rddreg [dreg:$0xf]  }
0x6a: {  	[spmem:s22] =	stream.linear.scatter [tilespmem:s0], [sflag:$0x6], $0x800, $0x38;
	[tilespmem:$0x1FC00] =	vst v63  }
0x6b: {  	s20 =	rddreg [dreg:$0x10]  }
0x6c: {  	[spmem:s19] =	stream.linear.scatter [tilespmem:s0], [sflag:$0x6], $0x800, $0x38;
	[tilespmem:$0x1FC00] =	vst v63  }
0x6d: {  	s21 =	rddreg [dreg:$0x11]  }
0x6e: {  	[spmem:s20] =	stream.linear.scatter [tilespmem:s0], [sflag:$0x6], $0x800, $0x38;
	[tilespmem:$0x1FC00] =	vst v63  }
0x6f: {  	s22 =	rddreg [dreg:$0x12]  }
0x70: {  	[spmem:s21] =	stream.linear.scatter [tilespmem:s0], [sflag:$0x6], $0x800, $0x38;
	[tilespmem:$0x1FC00] =	vst v63  }
0x71: {  	s19 =	rddreg [dreg:$0x14]  }
0x72: {  	[spmem:s22] =	stream.linear.scatter [tilespmem:s0], [sflag:$0x6], $0x800, $0x38;
	[tilespmem:$0x1FC00] =	vst v63  }
0x73: {  	s20 =	rddreg [dreg:$0x15]  }
0x74: {  	[spmem:s19] =	stream.linear.scatter [tilespmem:s0], [sflag:$0x6], $0x800, $0x38;
	[tilespmem:$0x1FC00] =	vst v63  }
0x75: {  	s21 =	rddreg [dreg:$0x16]  }
0x76: {  	[spmem:s20] =	stream.linear.scatter [tilespmem:s0], [sflag:$0x6], $0x800, $0x38;
	[tilespmem:$0x1FC00] =	vst v63  }
0x77: {  	s22 =	rddreg [dreg:$0x17]  }
0x78: {  	[spmem:s21] =	stream.linear.scatter [tilespmem:s0], [sflag:$0x6], $0x800, $0x38;
	[tilespmem:$0x1FC00] =	vst v63  }
0x79: {  	s19 =	rddreg [dreg:$0x18]  }
0x7a: {  	[spmem:s22] =	stream.linear.scatter [tilespmem:s0], [sflag:$0x6], $0x800, $0x38;
	[tilespmem:$0x1FC00] =	vst v63  }
0x7b: {  	s20 =	rddreg [dreg:$0x19]  }
0x7c: {  	[spmem:s19] =	stream.linear.scatter [tilespmem:s0], [sflag:$0x6], $0x800, $0x38;
	[tilespmem:$0x1FC00] =	vst v63  }
0x7d: {  	s21 =	rddreg [dreg:$0x1a]  }
0x7e: {  	[spmem:s20] =	stream.linear.scatter [tilespmem:s0], [sflag:$0x6], $0x800, $0x38;
	[tilespmem:$0x1FC00] =	vst v63  }
0x7f: {  	s22 =	rddreg [dreg:$0x1b]  }
0x80: {  	[spmem:s21] =	stream.linear.scatter [tilespmem:s0], [sflag:$0x6], $0x800, $0x38;
	[tilespmem:$0x1FC00] =	vst v63  }
0x81: {  	s19 =	rddreg [dreg:$0x1c]  }
0x82: {  	[spmem:s22] =	stream.linear.scatter [tilespmem:s0], [sflag:$0x6], $0x800, $0x38;
	[tilespmem:$0x1FC00] =	vst v63  }
0x83: {  	s20 =	rddreg [dreg:$0x1d]  }
0x84: {  	[spmem:s19] =	stream.linear.scatter [tilespmem:s0], [sflag:$0x6], $0x800, $0x38;
	[tilespmem:$0x1FC00] =	vst v63  }
0x85: {  	s21 =	rddreg [dreg:$0x1e]  }
0x86: {  	[spmem:s20] =	stream.linear.scatter [tilespmem:s0], [sflag:$0x6], $0x800, $0x38;
	[tilespmem:$0x1FC00] =	vst v63  }
0x87: {  	s22 =	rddreg [dreg:$0x1f]  }
0x88: {  	[spmem:s21] =	stream.linear.scatter [tilespmem:s0], [sflag:$0x6], $0x800, $0x38;
	[tilespmem:$0x1FC00] =	vst v63  }
0x89: {  	s19 =	sld [smem:$0x7F2]  }
0x8a: {  	[spmem:s22] =	stream.linear.scatter [tilespmem:s0], [sflag:$0x6], $0x800, $0x38;
	[tilespmem:$0x1FC00] =	vst v63  }
0x8b: {  	s20 =	sld [smem:$0x7F3]  }
0x8c: {  	[spmem:s19] =	stream.linear.scatter [tilespmem:s0], [sflag:$0x6], $0x800, $0x38;
	[tilespmem:$0x1FC00] =	vst v63  }
0x8d: {  	s21 =	sld [smem:$0x7F4]  }
0x8e: {  	[spmem:s20] =	stream.linear.scatter [tilespmem:s0], [sflag:$0x6], $0x800, $0x38;
	[tilespmem:$0x1FC00] =	vst v63  }
0x8f: {  	s22 =	sld [smem:$0x7F5]  }
0x90: {  	[spmem:s21] =	stream.linear.scatter [tilespmem:s0], [sflag:$0x6], $0x800, $0x38;
	[tilespmem:$0x1FC00] =	vst v63  }
0x91: {  	s19 =	sld [smem:$0x7F6]  }
0x92: {  	[spmem:s22] =	stream.linear.scatter [tilespmem:s0], [sflag:$0x6], $0x800, $0x38;
	[tilespmem:$0x1FC00] =	vst v63  }
0x93: {  	s20 =	sld [smem:$0x7F7]  }
0x94: {  	[spmem:s19] =	stream.linear.scatter [tilespmem:s0], [sflag:$0x6], $0x800, $0x38;
	[tilespmem:$0x1FC00] =	vst v63  }
0x95: {  	s21 =	sld [smem:$0x7F8]  }
0x96: {  	[spmem:s20] =	stream.linear.scatter [tilespmem:s0], [sflag:$0x6], $0x800, $0x38;
	[tilespmem:$0x1FC00] =	vst v63  }
0x97: {  	s22 =	sld [smem:$0x7F9]  }
0x98: {  	[spmem:s21] =	stream.linear.scatter [tilespmem:s0], [sflag:$0x6], $0x800, $0x38;
	[tilespmem:$0x1FC00] =	vst v63  }
0x99: {  	s19 =	sld [smem:$0x7FA]  }
0x9a: {  	[spmem:s22] =	stream.linear.scatter [tilespmem:s0], [sflag:$0x6], $0x800, $0x38;
	[tilespmem:$0x1FC00] =	vst v63  }
0x9b: {  	s20 =	sld [smem:$0x7FB]  }
0x9c: {  	[spmem:s19] =	stream.linear.scatter [tilespmem:s0], [sflag:$0x6], $0x800, $0x38;
	[tilespmem:$0x1FC00] =	vst v63  }
0x9d: {  	s21 =	sld [smem:$0x7FC]  }
0x9e: {  	[spmem:s20] =	stream.linear.scatter [tilespmem:s0], [sflag:$0x6], $0x800, $0x38;
	[tilespmem:$0x1FC00] =	vst v63  }
0x9f: {  	s22 =	sld [smem:$0x7FD]  }
0xa0: {  	[spmem:s21] =	stream.linear.scatter [tilespmem:s0], [sflag:$0x6], $0x800, $0x38;
	[tilespmem:$0x1FC00] =	vst v63  }
0xa1: {  	_ = 	snop  }
0xa2: {  	[spmem:s22] =	stream.linear.scatter [tilespmem:s0], [sflag:$0x6], $0x800, $0x38;
	[tilespmem:$0x1FC00] =	vst v63  }
0xa3: {  	_ = 	snop  }
0xa4: {  	[spmem:s23] =	stream.linear.scatter [tilespmem:s0], [sflag:$0x6], $0x800, $0x38;
	[tilespmem:$0x1FC00] =	vst v63  }
0xa5: {  	_ =	swait.ge [sflag:s3], $0x800  }
0xa6: {  	s18 =	simm.s32 $0x27;
	[sflag:s3] =	ssyncset.done $0x0  }
.LBB2_4:
0xa7: {  	p0 =	sne.s32 s18, $0x1;
	s18 =	sadd.s32 $0xFFFFFFFF, s18;
	[sflag:s3] =	ssyncadd.s32 $0xFFFFF800  }
.Ltmp1:
0xa8: {  	(pc) =	sbr.rel @p0 .LBB2_4-.Ltmp1, $3  }
0xa9: {  	_ =	sdelay $0x1  }
0xaa: {  	_ =	swait.ge [sflag:s3], $0x800  }
0xab: {  	[sflag:s3] =	ssyncset.done $0x0  }
0xac: {  	[sflag:s3] =	ssyncadd.s32 $0xFFFFF800  }
0xad: {  	s18 =	simm.s32 $0x0;
	[bflag:$0x0] =	sbarrier.arrive $0xFFFF  }
.LBB2_6:
0xae: {  	p0 =	seq.s32 s18, $0x0  }
0xaf: {  	s19 =	smul.u32 @!p0 $0x1400, s18;
	_ =	sdelay $0x1  }
0xb0: {  	s19 =	sadd.s32 @!p0 s4, s19  }
0xb1: {  	s20 =	simm.s32 @!p0 $0x1400;
	s19 =	sshrl.u32 @!p0 s19, $0x3  }
0xb2: {  	s21 =	simm.s32 @!p0 $0x64000;
	s22 =	simm.s32 @!p0 $0x0;
	s19 =	sadd.s32 @!p0 s5, s19  }
0xb3: {  	[tilespmem:s22], [sflag:$0x7] =	stream.strided.gather @!p0 [hbm4b:s19+s20], $0x2800, s21, s20, $0x38;
	[tilespmem:$0x1FC00] =	vst v63  }
0xb4: {  	s19 =	simm.s32 @!p0 $0x7  }
0xb5: {  	_ =	swait.ge @!p0 [sflag:s19], $0x2800  }
0xb6: {  	[sflag:s19] =	ssyncset.done @!p0 $0x0  }
0xb7: {  	s20 =	simm.s32 @!p0 $0x2800;
	[sflag:s19] =	ssyncadd.s32 @!p0 $0xFFFFD800;
	s19 =	simm.s32 @!p0 $0x32  }
0xb8: {  	[tilespmem:s20], [sflag:$0x1] =	stream.indirect.gather @!p0 [hbm4b:s7+s19], $0x80, s22, s19, $0xb8;
	[tilespmem:$0x1FC00] =	vst v63  }
0xb9: {  	s21 =	simm.s32 @!p0 $0x4400;
	s20 =	simm.s32 @!p0 $0x80  }
0xba: {  	[tilespmem:s21], [sflag:$0x2] =	stream.indirect.gather @!p0 [hbm4b:s7+s19], $0x80, s20, s19, $0xb8;
	[tilespmem:$0x1FC00] =	vst v63  }
0xbb: {  	s20 =	simm.s32 @!p0 $0x100;
	s21 =	simm.s32 @!p0 $0x6000  }
0xbc: {  	[tilespmem:s21], [sflag:$0x3] =	stream.indirect.gather @!p0 [hbm4b:s7+s19], $0x80, s20, s19, $0xb8;
	[tilespmem:$0x1FC00] =	vst v63  }
0xbd: {  	s20 =	simm.s32 @!p0 $0x180;
	s21 =	simm.s32 @!p0 $0x7C00  }
0xbe: {  	[tilespmem:s21], [sflag:$0x4] =	stream.indirect.gather @!p0 [hbm4b:s7+s19], $0x80, s20, s19, $0xb8;
	[tilespmem:$0x1FC00] =	vst v63  }
0xbf: {  	s20 =	simm.s32 @!p0 $0x200;
	s21 =	simm.s32 @!p0 $0x9800  }
0xc0: {  	[tilespmem:s21], [sflag:$0x5] =	stream.indirect.gather @!p0 [hbm4b:s7+s19], $0x80, s20, s19, $0xb8;
	[tilespmem:$0x1FC00] =	vst v63  }
0xc1: {  	_ =	swait.ge [sflag:s2], $0x1900  }
0xc2: {  	[sflag:s2] =	ssyncset.done $0x0  }
0xc3: {  	s20 =	simm.s32 $0x1400;
	[sflag:s2] =	ssyncadd.s32 $0xFFFFE700  }
0xc4: {  	[spmem:s1] =	stream.indirect.scatter.add.f32 [tilespmem:s26], [sflag:$0x7], $0x80, s20, s25, $0xb8;
	[tilespmem:$0x1FC00] =	vst v63  }
0xc5: {  	_ =	swait.ge [sflag:s24], $0x1900  }
0xc6: {  	[sflag:s24] =	ssyncset.done $0x0  }
0xc7: {  	s21 =	simm.s32 $0x280;
	[sflag:s24] =	ssyncadd.s32 $0xFFFFE700  }
0xc8: {  	[tilespmem:s26], [sflag:$0x1] =	stream.indirect.gather [hbm4b:s7+s25], $0x80, s21, s25, $0xb8;
	[tilespmem:$0x1FC00] =	vst v63  }
0xc9: {  	_ =	swait.ge [sflag:s6], $0x1900  }
0xca: {  	[sflag:s6] =	ssyncset.done $0x0  }
0xcb: {  	s22 =	simm.s32 $0x1480;
	[sflag:s6] =	ssyncadd.s32 $0xFFFFE700  }
0xcc: {  	[spmem:s1] =	stream.indirect.scatter.add.f32 [tilespmem:s28], [sflag:$0x7], $0x80, s22, s25, $0xb8;
	[tilespmem:$0x1FC00] =	vst v63  }
0xcd: {  	_ =	swait.ge [sflag:s24], $0x1900  }
0xce: {  	[sflag:s24] =	ssyncset.done $0x0  }
0xcf: {  	s20 =	simm.s32 $0x300;
	[sflag:s24] =	ssyncadd.s32 $0xFFFFE700  }
0xd0: {  	[tilespmem:s28], [sflag:$0x2] =	stream.indirect.gather [hbm4b:s7+s25], $0x80, s20, s25, $0xb8;
	[tilespmem:$0x1FC00] =	vst v63  }
0xd1: {  	_ =	swait.ge [sflag:s9], $0x1900  }
0xd2: {  	[sflag:s9] =	ssyncset.done $0x0  }
0xd3: {  	s21 =	simm.s32 $0x1500;
	[sflag:s9] =	ssyncadd.s32 $0xFFFFE700  }
0xd4: {  	[spmem:s1] =	stream.indirect.scatter.add.f32 [tilespmem:s29], [sflag:$0x7], $0x80, s21, s25, $0xb8;
	[tilespmem:$0x1FC00] =	vst v63  }
0xd5: {  	_ =	swait.ge [sflag:s24], $0x1900  }
0xd6: {  	[sflag:s24] =	ssyncset.done $0x0  }
0xd7: {  	s22 =	simm.s32 $0x380;
	[sflag:s24] =	ssyncadd.s32 $0xFFFFE700  }
0xd8: {  	[tilespmem:s29], [sflag:$0x3] =	stream.indirect.gather [hbm4b:s7+s25], $0x80, s22, s25, $0xb8;
	[tilespmem:$0x1FC00] =	vst v63  }
0xd9: {  	_ =	swait.ge [sflag:s10], $0x1900  }
0xda: {  	[sflag:s10] =	ssyncset.done $0x0  }
0xdb: {  	s20 =	simm.s32 $0x1580;
	[sflag:s10] =	ssyncadd.s32 $0xFFFFE700  }
0xdc: {  	[spmem:s1] =	stream.indirect.scatter.add.f32 [tilespmem:s30], [sflag:$0x7], $0x80, s20, s25, $0xb8;
	[tilespmem:$0x1FC00] =	vst v63  }
0xdd: {  	_ =	swait.ge [sflag:s24], $0x1900  }
0xde: {  	[sflag:s24] =	ssyncset.done $0x0  }
0xdf: {  	s21 =	simm.s32 $0x400;
	[sflag:s24] =	ssyncadd.s32 $0xFFFFE700  }
0xe0: {  	[tilespmem:s30], [sflag:$0x4] =	stream.indirect.gather [hbm4b:s7+s25], $0x80, s21, s25, $0xb8;
	[tilespmem:$0x1FC00] =	vst v63  }
0xe1: {  	_ =	swait.ge [sflag:s11], $0x1900  }
0xe2: {  	[sflag:s11] =	ssyncset.done $0x0  }
0xe3: {  	s22 =	simm.s32 $0x1600;
	[sflag:s11] =	ssyncadd.s32 $0xFFFFE700  }
0xe4: {  	[spmem:s1] =	stream.indirect.scatter.add.f32 [tilespmem:s31], [sflag:$0x7], $0x80, s22, s25, $0xb8;
	[tilespmem:$0x1FC00] =	vst v63  }
0xe5: {  	_ =	swait.ge [sflag:s24], $0x1900  }
0xe6: {  	[sflag:s24] =	ssyncset.done $0x0  }
0xe7: {  	s19 =	simm.s32 $0xA00;
	s20 =	simm.s32 $0x480;
	[sflag:s24] =	ssyncadd.s32 $0xFFFFE700  }
.LBB2_7:
0xe8: {  	[tilespmem:s31], [sflag:$0x5] =	stream.indirect.gather [hbm4b:s7+s25], $0x80, s20, s25, $0xb8;
	[tilespmem:$0x1FC00] =	vst v63  }
0xe9: {  	s20 =	smov.u32 s19  }
0xea: {  	p0 =	sne.s32 s19, $0x3C00;
	s19 =	sadd.s32 $0xA00, s19;
	_ =	swait.ge [sflag:s2], $0x1900  }
0xeb: {  	s20 =	sshra.s32 s20, $0x2;
	[sflag:s2] =	ssyncset.done $0x0  }
0xec: {  	s21 =	sadd.s32 $0x1400, s20;
	[sflag:s2] =	ssyncadd.s32 $0xFFFFE700  }
0xed: {  	[spmem:s1] =	stream.indirect.scatter.add.f32 [tilespmem:s26], [sflag:$0x7], $0x80, s21, s25, $0xb8;
	[tilespmem:$0x1FC00] =	vst v63  }
0xee: {  	_ =	swait.ge [sflag:s24], $0x1900  }
0xef: {  	[sflag:s24] =	ssyncset.done $0x0  }
0xf0: {  	s21 =	sadd.s32 $0x280, s20;
	[sflag:s24] =	ssyncadd.s32 $0xFFFFE700  }
0xf1: {  	[tilespmem:s26], [sflag:$0x1] =	stream.indirect.gather [hbm4b:s7+s25], $0x80, s21, s25, $0xb8;
	[tilespmem:$0x1FC00] =	vst v63  }
0xf2: {  	_ =	swait.ge [sflag:s6], $0x1900  }
0xf3: {  	[sflag:s6] =	ssyncset.done $0x0  }
0xf4: {  	s21 =	sadd.s32 $0x1480, s20;
	[sflag:s6] =	ssyncadd.s32 $0xFFFFE700  }
0xf5: {  	[spmem:s1] =	stream.indirect.scatter.add.f32 [tilespmem:s28], [sflag:$0x7], $0x80, s21, s25, $0xb8;
	[tilespmem:$0x1FC00] =	vst v63  }
0xf6: {  	_ =	swait.ge [sflag:s24], $0x1900  }
0xf7: {  	[sflag:s24] =	ssyncset.done $0x0  }
0xf8: {  	s21 =	sadd.s32 $0x300, s20;
	[sflag:s24] =	ssyncadd.s32 $0xFFFFE700  }
0xf9: {  	[tilespmem:s28], [sflag:$0x2] =	stream.indirect.gather [hbm4b:s7+s25], $0x80, s21, s25, $0xb8;
	[tilespmem:$0x1FC00] =	vst v63  }
0xfa: {  	_ =	swait.ge [sflag:s9], $0x1900  }
0xfb: {  	[sflag:s9] =	ssyncset.done $0x0  }
0xfc: {  	s21 =	sadd.s32 $0x1500, s20;
	[sflag:s9] =	ssyncadd.s32 $0xFFFFE700  }
0xfd: {  	[spmem:s1] =	stream.indirect.scatter.add.f32 [tilespmem:s29], [sflag:$0x7], $0x80, s21, s25, $0xb8;
	[tilespmem:$0x1FC00] =	vst v63  }
0xfe: {  	_ =	swait.ge [sflag:s24], $0x1900  }
0xff: {  	[sflag:s24] =	ssyncset.done $0x0  }
0x100: {  	s21 =	sadd.s32 $0x380, s20;
	[sflag:s24] =	ssyncadd.s32 $0xFFFFE700  }
0x101: {  	[tilespmem:s29], [sflag:$0x3] =	stream.indirect.gather [hbm4b:s7+s25], $0x80, s21, s25, $0xb8;
	[tilespmem:$0x1FC00] =	vst v63  }
0x102: {  	_ =	swait.ge [sflag:s10], $0x1900  }
0x103: {  	[sflag:s10] =	ssyncset.done $0x0  }
0x104: {  	s21 =	sadd.s32 $0x1580, s20;
	[sflag:s10] =	ssyncadd.s32 $0xFFFFE700  }
0x105: {  	[spmem:s1] =	stream.indirect.scatter.add.f32 [tilespmem:s30], [sflag:$0x7], $0x80, s21, s25, $0xb8;
	[tilespmem:$0x1FC00] =	vst v63  }
0x106: {  	_ =	swait.ge [sflag:s24], $0x1900  }
0x107: {  	[sflag:s24] =	ssyncset.done $0x0  }
0x108: {  	s21 =	sadd.s32 $0x400, s20;
	[sflag:s24] =	ssyncadd.s32 $0xFFFFE700  }
0x109: {  	[tilespmem:s30], [sflag:$0x4] =	stream.indirect.gather [hbm4b:s7+s25], $0x80, s21, s25, $0xb8;
	[tilespmem:$0x1FC00] =	vst v63  }
0x10a: {  	_ =	swait.ge [sflag:s11], $0x1900  }
0x10b: {  	[sflag:s11] =	ssyncset.done $0x0  }
.Ltmp2:
0x10c: {  	s21 =	sadd.s32 $0x1600, s20;
	[sflag:s11] =	ssyncadd.s32 $0xFFFFE700;
	(pc) =	sbr.rel @p0 .LBB2_7-.Ltmp2, $4  }
0x10d: {  	[spmem:s1] =	stream.indirect.scatter.add.f32 [tilespmem:s31], [sflag:$0x7], $0x80, s21, s25, $0xb8;
	[tilespmem:$0x1FC00] =	vst v63  }
0x10e: {  	_ =	swait.ge [sflag:s24], $0x1900  }
0x10f: {  	[sflag:s24] =	ssyncset.done $0x0  }
0x110: {  	s20 =	sadd.s32 $0x480, s20;
	[sflag:s24] =	ssyncadd.s32 $0xFFFFE700  }
0x111: {  	[tilespmem:s31], [sflag:$0x5] =	stream.indirect.gather [hbm4b:s7+s25], $0x80, s20, s25, $0xb8;
	[tilespmem:$0x1FC00] =	vst v63  }
0x112: {  	_ =	swait.ge [sflag:s2], $0x1900  }
0x113: {  	[sflag:s2] =	ssyncset.done $0x0  }
0x114: {  	[sflag:s2] =	ssyncadd.s32 $0xFFFFE700  }
0x115: {  	[spmem:s1] =	stream.indirect.scatter.add.f32 [tilespmem:s26], [sflag:$0x7], $0x80, s12, s25, $0xb8;
	[tilespmem:$0x1FC00] =	vst v63  }
0x116: {  	_ =	swait.ge [sflag:s24], $0x1900  }
0x117: {  	[sflag:s24] =	ssyncset.done $0x0  }
0x118: {  	[sflag:s24] =	ssyncadd.s32 $0xFFFFE700  }
0x119: {  	_ =	swait.ge [sflag:s6], $0x1900  }
0x11a: {  	[sflag:s6] =	ssyncset.done $0x0  }
0x11b: {  	[sflag:s6] =	ssyncadd.s32 $0xFFFFE700  }
0x11c: {  	[spmem:s1] =	stream.indirect.scatter.add.f32 [tilespmem:s28], [sflag:$0x7], $0x80, s13, s25, $0xb8;
	[tilespmem:$0x1FC00] =	vst v63  }
0x11d: {  	_ =	swait.ge [sflag:s24], $0x1900  }
0x11e: {  	[sflag:s24] =	ssyncset.done $0x0  }
0x11f: {  	[sflag:s24] =	ssyncadd.s32 $0xFFFFE700  }
0x120: {  	_ =	swait.ge [sflag:s9], $0x1900  }
0x121: {  	[sflag:s9] =	ssyncset.done $0x0  }
0x122: {  	[sflag:s9] =	ssyncadd.s32 $0xFFFFE700  }
0x123: {  	[spmem:s1] =	stream.indirect.scatter.add.f32 [tilespmem:s29], [sflag:$0x7], $0x80, s14, s25, $0xb8;
	[tilespmem:$0x1FC00] =	vst v63  }
0x124: {  	_ =	swait.ge [sflag:s24], $0x1900  }
0x125: {  	[sflag:s24] =	ssyncset.done $0x0  }
0x126: {  	[sflag:s24] =	ssyncadd.s32 $0xFFFFE700  }
0x127: {  	_ =	swait.ge [sflag:s10], $0x1900  }
0x128: {  	[sflag:s10] =	ssyncset.done $0x0  }
0x129: {  	[sflag:s10] =	ssyncadd.s32 $0xFFFFE700  }
0x12a: {  	[spmem:s1] =	stream.indirect.scatter.add.f32 [tilespmem:s30], [sflag:$0x7], $0x80, s15, s25, $0xb8;
	[tilespmem:$0x1FC00] =	vst v63  }
0x12b: {  	_ =	swait.ge [sflag:s24], $0x1900  }
0x12c: {  	[sflag:s24] =	ssyncset.done $0x0  }
0x12d: {  	[sflag:s24] =	ssyncadd.s32 $0xFFFFE700  }
0x12e: {  	s18 =	sadd.s32 $0x1, s18;
	_ =	swait.ge [sflag:s11], $0x1900  }
0x12f: {  	p0 =	sne.s32 s18, $0x5;
	[sflag:s11] =	ssyncset.done $0x0  }
.Ltmp3:
0x130: {  	[sflag:s11] =	ssyncadd.s32 $0xFFFFE700;
	(pc) =	sbr.rel @p0 .LBB2_6-.Ltmp3, $4  }
0x131: {  	[spmem:s1] =	stream.indirect.scatter.add.f32 [tilespmem:s31], [sflag:$0x7], $0x80, s16, s25, $0xb8;
	[tilespmem:$0x1FC00] =	vst v63  }
0x132: {  	_ =	swait.ge [sflag:s24], $0x1900  }
0x133: {  	[sflag:s24] =	ssyncset.done $0x0  }
0x134: {  	[sflag:s24] =	ssyncadd.s32 $0xFFFFE700  }
0x135: {  	s18 =	stileid.u32  }
0x136: {  	[bflag:$0x0] =	sbarrier.arrive $0xFFFF;
	s18 =	sshll.u32 s18, $0x6  }
0x137: {  	s19 =	sshrl.u32 s8, $0x3;
	s20 =	rddreg [dreg:$0x13];
	s18 =	sor.u32 $0x1C07, s18  }
0x138: {  	[hbm:s20], [sflag:s18] =	dma.local [spmem:s19], $0x2800  }
0x139: {  	_ =	swait.ge [sflag:s24], $0x2800  }
0x13a: {  	s17 =	sadd.s32 $0x1, s17;
	s22 =	rddreg [dreg:$0x4]  }
0x13b: {  	p0 =	sne.s32 s17, s22  }
.Ltmp4:
0x13c: {  	_ = 	snop;
	(pc) =	sbr.rel @p0 .LBB2_1-.Ltmp4, $3  }
0x13d: {  	_ =	sdelay $0x1  }
0x13e: {  	[sflag:s24] =	ssyncset.done $0x0  }
0x13f: {  	[sflag:s24] =	ssyncadd.s32 $0xFFFFD800  }
0x140: {  	_ =	sfence.sel $0x180000  }
0x141: {  	[bflag:$0x0] =	sbarrier.arrive $0xFFFF  }
0x142: {  	_ =	strace $0x9000004A  }
0x143: {  	s0 =	stileid.u32;
	[bflag:$0x2] =	sbarrier.arrive $0xFFFF  }
0x144: {  	p0 =	sne.s32 s0, $0x0;
	s0 =	rddreg [dreg:$0x2]  }
0x145: {  	s0 =	sadd.s32 @!p0 $0x100000, s0  }
0x146: {  	[sflag:s0] =	ssyncadd.tile.s32 @!p0 $0x1;
	_ =	shalt  }
.Lfunc_end2:
_tile_overlayer_lowered:
.L_overlay_start_2:
0x147: {  	(tag) =	ssettag $0x2  }
0x148: {  	s0 =	rddreg [dreg:$0x0];
	s2 =	stileid.u32  }
0x149: {  	s1 =	rddreg [dreg:$0x1];
	p0 =	sne.s32 s2, $0x0  }
0x14a: {  	s3 =	rddreg [dreg:$0x2];
	[bflag:$0x3] =	sbarrier.arrive $0xFFFF;
	s2 =	simm.s32 @!p0 $0x1C07  }
0x14b: {  	[timem:s3], [sflag:s2] =	dma.local @!p0 [hbm:s0], s1  }
0x14c: {  	s0 =	simm.s32 @!p0 $0x7  }
0x14d: {  	_ =	swait.ge @!p0 [sflag:s0], s1  }
0x14e: {  	s1 =	ssub.s32 @!p0 $0x0, s1;
	[sflag:s0] =	ssyncset.done @!p0 $0x0  }
0x14f: {  	[sflag:s0] =	ssyncadd.s32 @!p0 s1  }
0x150: {  	[bflag:$0x3] =	sbarrier.arrive $0xFFFF  }
0x151: {  	_ =	shalt  }

</sc_bundles>
